<compile_context>
chip_gen: v7x
topology: tpu7x:2x2x1
jax: 0.10.2.dev20260603
libtpu: 0.0.44.dev20260713+nightly
codegen_flags: <defaults>
</compile_context>

<pallas_src>
import functools

import jax
import jax.numpy as jnp
from jax import lax
from jax.experimental import pallas as pl
from jax.experimental.pallas import tpu as pltpu
from jax.experimental.pallas import tpu_sc as plsc

N = 10000
E = 320000
D = 128
R = 8
B = 64
K = 5

NPOS = B * K * 2
PPB = K * 2
TRASH = NPOS
S_PAD = 672
ACC_ROWS = S_PAD * R
N_PAD = 10240
NW = 32
EPT = E // NW
ECHUNK = 2000
CHUNK = 128
SEL_CAP = N_PAD
SPT = 24
SPT_TILES = S_PAD // SPT
ACC_RPT = ACC_ROWS // 16
DEG_ROWS = 768
DEG_RPT = DEG_ROWS // 16


def _sc_kernel(dst_h, src_h, typ_h, slot_h, emb_h, idx_h, zrows_h,
               acc_o, deg_o, posl_o, embs_o,
               slot_v, dst_v, src_v, typ_v, sela_v, sels_v,
               rows_v, rows2_v, achk_v, cnt_v, idx_v, posl_v, rows24_v,
               sem_a, sem_b, acc_sh):
    c = lax.axis_index("c")
    s = lax.axis_index("s")
    wid = s * 2 + c
    i16 = lax.iota(jnp.int32, 16)
    zero16i = i16 * 0
    trash16a = zero16i + TRASH * R

    pltpu.sync_copy(slot_h, slot_v)
    pltpu.sync_copy(idx_h, idx_v)

    pltpu.sync_copy(zrows_h, acc_sh.at[pl.ds(s * ACC_RPT, ACC_RPT)])
    zero16f = (i16 * 0).astype(jnp.float32)
    for j in range(DEG_ROWS // 16):
        cnt_v[pl.ds(j * 16, 16)] = zero16f

    plsc.subcore_barrier()

    UNROLL = 5

    def comp_chunk(ec, off):
        base = wid * EPT + ec * ECHUNK
        pltpu.sync_copy(dst_h.at[pl.ds(base, ECHUNK)], dst_v)
        pltpu.sync_copy(src_h.at[pl.ds(base, ECHUNK)], src_v)
        pltpu.sync_copy(typ_h.at[pl.ds(base, ECHUNK)], typ_v)

        def comp_body(i, off):
            for u in range(UNROLL):
                o16 = i * (16 * UNROLL) + u * 16
                d = dst_v[pl.ds(o16, 16)]
                sl = plsc.load_gather(slot_v, [d])
                r = typ_v[pl.ds(o16, 16)]
                sv = src_v[pl.ds(o16, 16)]
                a = sl * R + r
                msk = sl < TRASH
                mi = msk.astype(jnp.int32)
                pos = off + jnp.cumsum(mi) - mi
                plsc.store_scatter(sels_v, [pos], sv, mask=msk)
                plsc.store_scatter(sela_v, [pos], a, mask=msk)
                counts, lastm = plsc.scan_count(sl, mask=msk)
                plsc.addupdate_scatter(cnt_v, [sl],
                                       counts.astype(jnp.float32),
                                       mask=lastm)
                off = off + jnp.sum(mi)
            return off

        return lax.fori_loop(0, ECHUNK // (16 * UNROLL), comp_body, off)

    n_sel = lax.fori_loop(0, EPT // ECHUNK, comp_chunk, jnp.int32(0))

    for j in range(CHUNK // 16 + 1):
        pos = n_sel + j * 16 + i16
        mt = pos < SEL_CAP
        plsc.store_scatter(sels_v, [pos], zero16i, mask=mt)
        plsc.store_scatter(sela_v, [pos], trash16a, mask=mt)

    n_chunks = lax.shift_right_logical(n_sel + (CHUNK - 1), 7)

    @pl.when(n_chunks > 0)
    def _():
        pltpu.async_copy(
            emb_h.at[sels_v.at[pl.ds(0, CHUNK)]], rows_v, sem_a)

    def chunk_body(g, carry):
        for j in range(CHUNK // 16):
            achk_v[pl.ds(j * 16, 16)] = sela_v[pl.ds(g * CHUNK + j * 16, 16)]
        nxt = g + 1
        even = lax.bitwise_and(g, 1) == 0

        @pl.when(even)
        def _():
            pltpu.make_async_copy(
                emb_h.at[sels_v.at[pl.ds(g * CHUNK, CHUNK)]], rows_v,
                sem_a).wait()

            @pl.when(nxt < n_chunks)
            def _():
                pltpu.async_copy(
                    emb_h.at[sels_v.at[pl.ds(nxt * CHUNK, CHUNK)]], rows2_v,
                    sem_b)

            pltpu.sync_copy(rows_v, acc_sh.at[achk_v], add=True)

        @pl.when(jnp.logical_not(even))
        def _():
            pltpu.make_async_copy(
                emb_h.at[sels_v.at[pl.ds(g * CHUNK, CHUNK)]], rows2_v,
                sem_b).wait()

            @pl.when(nxt < n_chunks)
            def _():
                pltpu.async_copy(
                    emb_h.at[sels_v.at[pl.ds(nxt * CHUNK, CHUNK)]], rows_v,
                    sem_a)

            pltpu.sync_copy(rows2_v, acc_sh.at[achk_v], add=True)

        return carry

    lax.fori_loop(0, n_chunks, chunk_body, jnp.int32(0))

    @pl.when(wid == 0)
    def _():
        for j in range(B):
            posl_v[j, pl.ds(0, 16)] = zero16i + TRASH
        for g in range(NPOS // 16):
            sl = plsc.load_gather(slot_v, [idx_v[pl.ds(g * 16, 16)]])
            p = i16 + g * 16
            rvec = lax.shift_right_logical(p * 6554, 16)
            cvec = p - rvec * PPB
            plsc.store_scatter(posl_v, [rvec, cvec], sl)
        pltpu.sync_copy(posl_v, posl_o)

    @pl.when(wid < SPT_TILES)
    def _():
        pltpu.sync_copy(emb_h.at[idx_v.at[pl.ds(wid * SPT, SPT)]], rows24_v)

    plsc.subcore_barrier()

    pltpu.sync_copy(acc_sh.at[pl.ds(s * ACC_RPT, ACC_RPT)],
                    acc_o.at[c, pl.ds(s * ACC_RPT, ACC_RPT)])
    pltpu.sync_copy(cnt_v, deg_o.at[wid])

    @pl.when(wid < SPT_TILES)
    def _():
        pltpu.sync_copy(rows24_v, embs_o.at[pl.ds(wid * SPT, SPT)])


_sc_call = functools.partial(
    pl.kernel,
    mesh=plsc.VectorSubcoreMesh(core_axis_name="c", subcore_axis_name="s"),
    compiler_params=pltpu.CompilerParams(needs_layout_passes=False),
    out_type=(
        jax.ShapeDtypeStruct((2, ACC_ROWS, D), jnp.float32),
        jax.ShapeDtypeStruct((NW, DEG_ROWS), jnp.float32),
        jax.ShapeDtypeStruct((B, 16), jnp.int32),
        jax.ShapeDtypeStruct((S_PAD, D), jnp.float32),
    ),
    scratch_types=[
        pltpu.VMEM((N_PAD,), jnp.int32),
        pltpu.VMEM((ECHUNK,), jnp.int32),
        pltpu.VMEM((ECHUNK,), jnp.int32),
        pltpu.VMEM((ECHUNK,), jnp.int32),
        pltpu.VMEM((SEL_CAP,), jnp.int32),
        pltpu.VMEM((SEL_CAP,), jnp.int32),
        pltpu.VMEM((CHUNK, D), jnp.float32),
        pltpu.VMEM((CHUNK, D), jnp.float32),
        pltpu.VMEM((CHUNK,), jnp.int32),
        pltpu.VMEM((DEG_ROWS,), jnp.float32),
        pltpu.VMEM((S_PAD + 32,), jnp.int32),
        pltpu.VMEM((B, 16), jnp.int32),
        pltpu.VMEM((SPT, D), jnp.float32),
        pltpu.SemaphoreType.DMA,
        pltpu.SemaphoreType.DMA,
        pltpu.VMEM_SHARED((ACC_ROWS, D), jnp.float32),
    ],
)(_sc_kernel)


def _tc_kernel(acc_ref, deg_ref, posl_ref, embs_ref,
               wrel_ref, wself_ref, w1_ref, b1_ref, w2_ref, b2_ref, out_ref):
    acc = acc_ref[0] + acc_ref[1]
    agg = jnp.dot(acc, wrel_ref[...], preferred_element_type=jnp.float32)
    degs = jnp.sum(deg_ref[...], axis=0)
    degb = jnp.broadcast_to(degs[0:S_PAD].reshape(1, S_PAD), (S_PAD, S_PAD))
    eye = (lax.broadcasted_iota(jnp.int32, (S_PAD, S_PAD), 0)
           == lax.broadcasted_iota(jnp.int32, (S_PAD, S_PAD), 1))
    deg = jnp.sum(jnp.where(eye, degb, 0.0), axis=1, keepdims=True)
    agg = agg / jnp.maximum(deg, 1.0)
    h = jax.nn.relu(agg + jnp.dot(embs_ref[...], wself_ref[...],
                                  preferred_element_type=jnp.float32))
    ps = posl_ref[...]
    iot = lax.broadcasted_iota(jnp.int32, (B, S_PAD), 1)
    pool = jnp.zeros((B, S_PAD), jnp.float32)
    for j in range(PPB):
        pool += (ps[:, j:j + 1] == iot).astype(jnp.float32)
    mean = jnp.dot(pool, h, preferred_element_type=jnp.float32) * (1.0 / PPB)
    hidden = jax.nn.relu(jnp.dot(mean, w1_ref[...],
                                 preferred_element_type=jnp.float32)
                         + b1_ref[...])
    out_ref[...] = jax.nn.sigmoid(
        jnp.dot(hidden, w2_ref[...], preferred_element_type=jnp.float32)
        + b2_ref[...])


def kernel(support_set, support_emb, edge_index, edge_type, node_emb,
           W_rel, W_self, W1, b1, W2, b2):
    del support_emb
    src = edge_index[0].astype(jnp.int32)
    dst = edge_index[1].astype(jnp.int32)
    typ = edge_type.astype(jnp.int32)

    idx = support_set[:, :, jnp.array([0, 2])].astype(jnp.int32).reshape(-1)
    idx_pad = jnp.concatenate(
        [idx, jnp.zeros((S_PAD + 32 - NPOS,), jnp.int32)])
    slot_map = jnp.full((N_PAD,), TRASH, jnp.int32).at[idx].set(
        jnp.arange(NPOS, dtype=jnp.int32))
    zrows = jnp.zeros((ACC_RPT, D), jnp.float32)

    acc, deg, posl, emb_slots = _sc_call(
        dst, src, typ, slot_map, node_emb, idx_pad, zrows)

    acc2 = acc.reshape(2, S_PAD, R * D)
    wrel2 = W_rel.reshape(R * D, D)

    out = pl.pallas_call(
        _tc_kernel,
        out_shape=jax.ShapeDtypeStruct((B, 1), jnp.float32),
    )(acc2, deg, posl, emb_slots, wrel2, W_self, W1,
      b1.reshape(1, D), W2, b2.reshape(1, 1))
    return out

# --- scband reference (transcript-rebuilt; emitter-appended) ---
"""Pipeline reference for scband-rgcnmodule-32959579030032 (READ-ONLY COPY).

The authoritative reference and input builder live on the scoring server;
editing this copy changes nothing except your own understanding.
"""

import jax, jax.numpy as jnp
import numpy as np

N = 10000   # num_nodes
E = 320000  # num_edges
D = 128     # rgcn_embed_dim
R = 8       # num_relations
B = 64      # batch of few-shot tasks
K = 5       # support-set size per task


def setup_inputs(seed: int = 0) -> dict:
    key = jax.random.key(seed)
    ks = jax.random.split(key, 12)
    support_set = jax.random.randint(ks[0], (B, K, 3), 0, N)          # (head, rel, tail) triplets
    support_emb = jax.random.normal(ks[1], (B, K, D), dtype=jnp.float32)
    edge_index = jax.random.randint(ks[2], (2, E), 0, N)              # background graph edges
    edge_type = jax.random.randint(ks[3], (E,), 0, R)
    node_emb = jax.random.normal(ks[4], (N, D), dtype=jnp.float32) * 0.02
    W_rel = jax.random.normal(ks[5], (R, D, D), dtype=jnp.float32) / np.sqrt(D)
    W_self = jax.random.normal(ks[6], (D, D), dtype=jnp.float32) / np.sqrt(D)
    W1 = jax.random.normal(ks[7], (D, D), dtype=jnp.float32) / np.sqrt(D)
    b1 = jnp.zeros((D,), dtype=jnp.float32)
    W2 = jax.random.normal(ks[8], (D, 1), dtype=jnp.float32) / np.sqrt(D)
    b2 = jnp.zeros((1,), dtype=jnp.float32)
    return {
        "support_set": support_set,
        "support_emb": support_emb,
        "edge_index": edge_index,
        "edge_type": edge_type,
        "node_emb": node_emb,
        "W_rel": W_rel,
        "W_self": W_self,
        "W1": W1,
        "b1": b1,
        "W2": W2,
        "b2": b2,
    }


def reference(support_set, support_emb, edge_index, edge_type, node_emb,
              W_rel, W_self, W1, b1, W2, b2):
    # --- RGCN layer over the background graph ---
    src = edge_index[0]
    dst = edge_index[1]
    # per-relation transform of all node features: [R, N, D]
    transformed = jnp.einsum('nd,rdf->rnf', node_emb, W_rel)
    # gather the relation-specific transformed source feature per edge: [E, D]
    msgs = transformed[edge_type, src]
    # mean-aggregate messages per destination node (scatter-add + degree normalize)
    agg = jax.ops.segment_sum(msgs, dst, num_segments=N)
    deg = jax.ops.segment_sum(jnp.ones((E,), dtype=node_emb.dtype), dst, num_segments=N)
    agg = agg / jnp.maximum(deg, 1.0)[:, None]
    h = jax.nn.relu(agg + node_emb @ W_self)  # [N, D]
    # --- RGCNModule.forward: gather head/tail embeddings of support triplets ---
    # (the original id->local-index remap is an identity-equivalent permutation)
    idx = support_set[:, :, jnp.array([0, 2])]   # [B, K, 2] head/tail node ids
    gathered = h[idx]                            # [B, K, 2, D]
    embeddings_mean = jnp.mean(gathered, axis=(1, 2))  # [B, D]
    hidden = jax.nn.relu(embeddings_mean @ W1 + b1)
    out = jax.nn.sigmoid(hidden @ W2 + b2)       # [B, 1]
    return out

if __name__ == "__main__":
    import jax
    _d = setup_inputs()
    print(jax.jit(kernel)(*tuple(_d.values())))

</pallas_src>

<mosaic_0001>
#map = affine_map<(d0, d1) -> (0)>
#map1 = affine_map<(d0, d1) -> (0, 0)>
#map2 = affine_map<(d0, d1) -> (0, 0, 0)>
module attributes {stable_mosaic.version = 14 : i64} {
  func.func @_sc_kernel(%arg0: i32, %arg1: i32, %arg2: memref<320000xi32, #tpu.memory_space<hbm>>, %arg3: memref<320000xi32, #tpu.memory_space<hbm>>, %arg4: memref<320000xi32, #tpu.memory_space<hbm>>, %arg5: memref<10240xi32, #tpu.memory_space<hbm>>, %arg6: memref<10000x128xf32, #tpu.memory_space<hbm>>, %arg7: memref<704xi32, #tpu.memory_space<hbm>>, %arg8: memref<336x128xf32, #tpu.memory_space<hbm>>, %arg9: memref<2x5376x128xf32, #tpu.memory_space<hbm>>, %arg10: memref<32x768xf32, #tpu.memory_space<hbm>>, %arg11: memref<64x16xi32, #tpu.memory_space<hbm>>, %arg12: memref<672x128xf32, #tpu.memory_space<hbm>>, %arg13: memref<10240xi32, #tpu.memory_space<vmem>>, %arg14: memref<2000xi32, #tpu.memory_space<vmem>>, %arg15: memref<2000xi32, #tpu.memory_space<vmem>>, %arg16: memref<2000xi32, #tpu.memory_space<vmem>>, %arg17: memref<10240xi32, #tpu.memory_space<vmem>>, %arg18: memref<10240xi32, #tpu.memory_space<vmem>>, %arg19: memref<128x128xf32, #tpu.memory_space<vmem>>, %arg20: memref<128x128xf32, #tpu.memory_space<vmem>>, %arg21: memref<128xi32, #tpu.memory_space<vmem>>, %arg22: memref<768xf32, #tpu.memory_space<vmem>>, %arg23: memref<704xi32, #tpu.memory_space<vmem>>, %arg24: memref<64x16xi32, #tpu.memory_space<vmem>>, %arg25: memref<24x128xf32, #tpu.memory_space<vmem>>, %arg26: memref<!tpu.dma_semaphore, #tpu.memory_space<semaphore_mem>>, %arg27: memref<!tpu.dma_semaphore, #tpu.memory_space<semaphore_mem>>, %arg28: memref<5376x128xf32, #tpu.memory_space<vmem_shared>>) attributes {dimension_semantics = [#tpu.dimension_semantics<core_parallel>, #tpu.dimension_semantics<subcore_parallel>], iteration_bounds = array<i64: 2, 16>, scalar_prefetch = 0 : i64, scratch_operands = 16 : i64, tpu.core_type = #tpu.core_type<sc_vector_subcore>, window_params = [{transform_indices = #map}, {transform_indices = #map}, {transform_indices = #map}, {transform_indices = #map}, {transform_indices = #map1}, {transform_indices = #map}, {transform_indices = #map1}, {transform_indices = #map2}, {transform_indices = #map1}, {transform_indices = #map1}, {transform_indices = #map1}]} {
    %mul3A = arith.constant 2 : i32
    %mul3A_0 = arith.muli %arg1, %mul3A : i32
    %add3A = arith.addi %mul3A_0, %arg0 : i32
    %iota3A = tpu.iota {dimensions = array<i32: 0>} : vector<16xi32>
    %mul3A_1 = arith.constant 0 : i32
    %mul3A_2 = vector.broadcast %mul3A_1 : i32 to vector<16xi32>
    %mul3A_3 = arith.muli %iota3A, %mul3A_2 : vector<16xi32>
    %add3A_4 = arith.constant 5120 : i32
    %add3A_5 = vector.broadcast %add3A_4 : i32 to vector<16xi32>
    %add3A_6 = arith.addi %mul3A_3, %add3A_5 : vector<16xi32>
    "tpu.region"() ({
      %run_scoped3A = tpu.sem_alloc : memref<!tpu.dma_semaphore, #tpu.memory_space<semaphore_mem>>
      tpu.enqueue_dma source(%arg5 : memref<10240xi32, #tpu.memory_space<hbm>>) target(%arg13 : memref<10240xi32, #tpu.memory_space<vmem>>) target_semaphore(%run_scoped3A : memref<!tpu.dma_semaphore, #tpu.memory_space<semaphore_mem>>)
      tpu.wait_dma2 semaphore(%run_scoped3A : memref<!tpu.dma_semaphore, #tpu.memory_space<semaphore_mem>>) src(%arg5 : memref<10240xi32, #tpu.memory_space<hbm>>) dst(%arg13 : memref<10240xi32, #tpu.memory_space<vmem>>)
      tpu.yield
    }) : () -> ()
    "tpu.region"() ({
      %run_scoped3A = tpu.sem_alloc : memref<!tpu.dma_semaphore, #tpu.memory_space<semaphore_mem>>
      tpu.enqueue_dma source(%arg7 : memref<704xi32, #tpu.memory_space<hbm>>) target(%arg23 : memref<704xi32, #tpu.memory_space<vmem>>) target_semaphore(%run_scoped3A : memref<!tpu.dma_semaphore, #tpu.memory_space<semaphore_mem>>)
      tpu.wait_dma2 semaphore(%run_scoped3A : memref<!tpu.dma_semaphore, #tpu.memory_space<semaphore_mem>>) src(%arg7 : memref<704xi32, #tpu.memory_space<hbm>>) dst(%arg23 : memref<704xi32, #tpu.memory_space<vmem>>)
      tpu.yield
    }) : () -> ()
    %mul3A_7 = arith.constant 336 : i32
    %mul3A_8 = arith.muli %arg1, %mul3A_7 : i32
    "tpu.region"() ({
      %run_scoped3A = tpu.sem_alloc : memref<!tpu.dma_semaphore, #tpu.memory_space<semaphore_mem>>
      %dma_start3A = arith.constant 0 : i32
      %dma_start3A_209 = tpu.memref_slice %arg28[%mul3A_8, %dma_start3A] : memref<5376x128xf32, #tpu.memory_space<vmem_shared>> -> memref<336x128xf32, #tpu.memory_space<vmem_shared>>
      tpu.enqueue_dma source(%arg8 : memref<336x128xf32, #tpu.memory_space<hbm>>) target(%dma_start3A_209 : memref<336x128xf32, #tpu.memory_space<vmem_shared>>) target_semaphore(%run_scoped3A : memref<!tpu.dma_semaphore, #tpu.memory_space<semaphore_mem>>)
      %dma_wait3A = arith.constant 0 : i32
      %dma_wait3A_210 = tpu.memref_slice %arg28[%mul3A_8, %dma_wait3A] : memref<5376x128xf32, #tpu.memory_space<vmem_shared>> -> memref<336x128xf32, #tpu.memory_space<vmem_shared>>
      tpu.wait_dma2 semaphore(%run_scoped3A : memref<!tpu.dma_semaphore, #tpu.memory_space<semaphore_mem>>) src(%arg8 : memref<336x128xf32, #tpu.memory_space<hbm>>) dst(%dma_wait3A_210 : memref<336x128xf32, #tpu.memory_space<vmem_shared>>)
      tpu.yield
    }) : () -> ()
    %mul3A_9 = arith.constant 0 : i32
    %mul3A_10 = vector.broadcast %mul3A_9 : i32 to vector<16xi32>
    %mul3A_11 = arith.muli %iota3A, %mul3A_10 : vector<16xi32>
    %convert_element_type3A = arith.sitofp %mul3A_11 : vector<16xi32> to vector<16xf32>
    %swap3A = arith.constant 0 : index
    %swap3A_12 = tpu.vector_load %arg22[%swap3A] {strides = array<i32>} : memref<768xf32, #tpu.memory_space<vmem>>, vector<16xf32>,
    tpu.vector_store %arg22[%swap3A], %convert_element_type3A {strides = array<i32>} : memref<768xf32, #tpu.memory_space<vmem>>, vector<16xf32>,
    %swap3A_13 = arith.constant 16 : index
    %swap3A_14 = tpu.vector_load %arg22[%swap3A_13] {strides = array<i32>} : memref<768xf32, #tpu.memory_space<vmem>>, vector<16xf32>,
    tpu.vector_store %arg22[%swap3A_13], %convert_element_type3A {strides = array<i32>} : memref<768xf32, #tpu.memory_space<vmem>>, vector<16xf32>,
    %swap3A_15 = arith.constant 32 : index
    %swap3A_16 = tpu.vector_load %arg22[%swap3A_15] {strides = array<i32>} : memref<768xf32, #tpu.memory_space<vmem>>, vector<16xf32>,
    tpu.vector_store %arg22[%swap3A_15], %convert_element_type3A {strides = array<i32>} : memref<768xf32, #tpu.memory_space<vmem>>, vector<16xf32>,
    %swap3A_17 = arith.constant 48 : index
    %swap3A_18 = tpu.vector_load %arg22[%swap3A_17] {strides = array<i32>} : memref<768xf32, #tpu.memory_space<vmem>>, vector<16xf32>,
    tpu.vector_store %arg22[%swap3A_17], %convert_element_type3A {strides = array<i32>} : memref<768xf32, #tpu.memory_space<vmem>>, vector<16xf32>,
    %swap3A_19 = arith.constant 64 : index
    %swap3A_20 = tpu.vector_load %arg22[%swap3A_19] {strides = array<i32>} : memref<768xf32, #tpu.memory_space<vmem>>, vector<16xf32>,
    tpu.vector_store %arg22[%swap3A_19], %convert_element_type3A {strides = array<i32>} : memref<768xf32, #tpu.memory_space<vmem>>, vector<16xf32>,
    %swap3A_21 = arith.constant 80 : index
    %swap3A_22 = tpu.vector_load %arg22[%swap3A_21] {strides = array<i32>} : memref<768xf32, #tpu.memory_space<vmem>>, vector<16xf32>,
    tpu.vector_store %arg22[%swap3A_21], %convert_element_type3A {strides = array<i32>} : memref<768xf32, #tpu.memory_space<vmem>>, vector<16xf32>,
    %swap3A_23 = arith.constant 96 : index
    %swap3A_24 = tpu.vector_load %arg22[%swap3A_23] {strides = array<i32>} : memref<768xf32, #tpu.memory_space<vmem>>, vector<16xf32>,
    tpu.vector_store %arg22[%swap3A_23], %convert_element_type3A {strides = array<i32>} : memref<768xf32, #tpu.memory_space<vmem>>, vector<16xf32>,
    %swap3A_25 = arith.constant 112 : index
    %swap3A_26 = tpu.vector_load %arg22[%swap3A_25] {strides = array<i32>} : memref<768xf32, #tpu.memory_space<vmem>>, vector<16xf32>,
    tpu.vector_store %arg22[%swap3A_25], %convert_element_type3A {strides = array<i32>} : memref<768xf32, #tpu.memory_space<vmem>>, vector<16xf32>,
    %swap3A_27 = arith.constant 128 : index
    %swap3A_28 = tpu.vector_load %arg22[%swap3A_27] {strides = array<i32>} : memref<768xf32, #tpu.memory_space<vmem>>, vector<16xf32>,
    tpu.vector_store %arg22[%swap3A_27], %convert_element_type3A {strides = array<i32>} : memref<768xf32, #tpu.memory_space<vmem>>, vector<16xf32>,
    %swap3A_29 = arith.constant 144 : index
    %swap3A_30 = tpu.vector_load %arg22[%swap3A_29] {strides = array<i32>} : memref<768xf32, #tpu.memory_space<vmem>>, vector<16xf32>,
    tpu.vector_store %arg22[%swap3A_29], %convert_element_type3A {strides = array<i32>} : memref<768xf32, #tpu.memory_space<vmem>>, vector<16xf32>,
    %swap3A_31 = arith.constant 160 : index
    %swap3A_32 = tpu.vector_load %arg22[%swap3A_31] {strides = array<i32>} : memref<768xf32, #tpu.memory_space<vmem>>, vector<16xf32>,
    tpu.vector_store %arg22[%swap3A_31], %convert_element_type3A {strides = array<i32>} : memref<768xf32, #tpu.memory_space<vmem>>, vector<16xf32>,
    %swap3A_33 = arith.constant 176 : index
    %swap3A_34 = tpu.vector_load %arg22[%swap3A_33] {strides = array<i32>} : memref<768xf32, #tpu.memory_space<vmem>>, vector<16xf32>,
    tpu.vector_store %arg22[%swap3A_33], %convert_element_type3A {strides = array<i32>} : memref<768xf32, #tpu.memory_space<vmem>>, vector<16xf32>,
    %swap3A_35 = arith.constant 192 : index
    %swap3A_36 = tpu.vector_load %arg22[%swap3A_35] {strides = array<i32>} : memref<768xf32, #tpu.memory_space<vmem>>, vector<16xf32>,
    tpu.vector_store %arg22[%swap3A_35], %convert_element_type3A {strides = array<i32>} : memref<768xf32, #tpu.memory_space<vmem>>, vector<16xf32>,
    %swap3A_37 = arith.constant 208 : index
    %swap3A_38 = tpu.vector_load %arg22[%swap3A_37] {strides = array<i32>} : memref<768xf32, #tpu.memory_space<vmem>>, vector<16xf32>,
    tpu.vector_store %arg22[%swap3A_37], %convert_element_type3A {strides = array<i32>} : memref<768xf32, #tpu.memory_space<vmem>>, vector<16xf32>,
    %swap3A_39 = arith.constant 224 : index
    %swap3A_40 = tpu.vector_load %arg22[%swap3A_39] {strides = array<i32>} : memref<768xf32, #tpu.memory_space<vmem>>, vector<16xf32>,
    tpu.vector_store %arg22[%swap3A_39], %convert_element_type3A {strides = array<i32>} : memref<768xf32, #tpu.memory_space<vmem>>, vector<16xf32>,
    %swap3A_41 = arith.constant 240 : index
    %swap3A_42 = tpu.vector_load %arg22[%swap3A_41] {strides = array<i32>} : memref<768xf32, #tpu.memory_space<vmem>>, vector<16xf32>,
    tpu.vector_store %arg22[%swap3A_41], %convert_element_type3A {strides = array<i32>} : memref<768xf32, #tpu.memory_space<vmem>>, vector<16xf32>,
    %swap3A_43 = arith.constant 256 : index
    %swap3A_44 = tpu.vector_load %arg22[%swap3A_43] {strides = array<i32>} : memref<768xf32, #tpu.memory_space<vmem>>, vector<16xf32>,
    tpu.vector_store %arg22[%swap3A_43], %convert_element_type3A {strides = array<i32>} : memref<768xf32, #tpu.memory_space<vmem>>, vector<16xf32>,
    %swap3A_45 = arith.constant 272 : index
    %swap3A_46 = tpu.vector_load %arg22[%swap3A_45] {strides = array<i32>} : memref<768xf32, #tpu.memory_space<vmem>>, vector<16xf32>,
    tpu.vector_store %arg22[%swap3A_45], %convert_element_type3A {strides = array<i32>} : memref<768xf32, #tpu.memory_space<vmem>>, vector<16xf32>,
    %swap3A_47 = arith.constant 288 : index
    %swap3A_48 = tpu.vector_load %arg22[%swap3A_47] {strides = array<i32>} : memref<768xf32, #tpu.memory_space<vmem>>, vector<16xf32>,
    tpu.vector_store %arg22[%swap3A_47], %convert_element_type3A {strides = array<i32>} : memref<768xf32, #tpu.memory_space<vmem>>, vector<16xf32>,
    %swap3A_49 = arith.constant 304 : index
    %swap3A_50 = tpu.vector_load %arg22[%swap3A_49] {strides = array<i32>} : memref<768xf32, #tpu.memory_space<vmem>>, vector<16xf32>,
    tpu.vector_store %arg22[%swap3A_49], %convert_element_type3A {strides = array<i32>} : memref<768xf32, #tpu.memory_space<vmem>>, vector<16xf32>,
    %swap3A_51 = arith.constant 320 : index
    %swap3A_52 = tpu.vector_load %arg22[%swap3A_51] {strides = array<i32>} : memref<768xf32, #tpu.memory_space<vmem>>, vector<16xf32>,
    tpu.vector_store %arg22[%swap3A_51], %convert_element_type3A {strides = array<i32>} : memref<768xf32, #tpu.memory_space<vmem>>, vector<16xf32>,
    %swap3A_53 = arith.constant 336 : index
    %swap3A_54 = tpu.vector_load %arg22[%swap3A_53] {strides = array<i32>} : memref<768xf32, #tpu.memory_space<vmem>>, vector<16xf32>,
    tpu.vector_store %arg22[%swap3A_53], %convert_element_type3A {strides = array<i32>} : memref<768xf32, #tpu.memory_space<vmem>>, vector<16xf32>,
    %swap3A_55 = arith.constant 352 : index
    %swap3A_56 = tpu.vector_load %arg22[%swap3A_55] {strides = array<i32>} : memref<768xf32, #tpu.memory_space<vmem>>, vector<16xf32>,
    tpu.vector_store %arg22[%swap3A_55], %convert_element_type3A {strides = array<i32>} : memref<768xf32, #tpu.memory_space<vmem>>, vector<16xf32>,
    %swap3A_57 = arith.constant 368 : index
    %swap3A_58 = tpu.vector_load %arg22[%swap3A_57] {strides = array<i32>} : memref<768xf32, #tpu.memory_space<vmem>>, vector<16xf32>,
    tpu.vector_store %arg22[%swap3A_57], %convert_element_type3A {strides = array<i32>} : memref<768xf32, #tpu.memory_space<vmem>>, vector<16xf32>,
    %swap3A_59 = arith.constant 384 : index
    %swap3A_60 = tpu.vector_load %arg22[%swap3A_59] {strides = array<i32>} : memref<768xf32, #tpu.memory_space<vmem>>, vector<16xf32>,
    tpu.vector_store %arg22[%swap3A_59], %convert_element_type3A {strides = array<i32>} : memref<768xf32, #tpu.memory_space<vmem>>, vector<16xf32>,
    %swap3A_61 = arith.constant 400 : index
    %swap3A_62 = tpu.vector_load %arg22[%swap3A_61] {strides = array<i32>} : memref<768xf32, #tpu.memory_space<vmem>>, vector<16xf32>,
    tpu.vector_store %arg22[%swap3A_61], %convert_element_type3A {strides = array<i32>} : memref<768xf32, #tpu.memory_space<vmem>>, vector<16xf32>,
    %swap3A_63 = arith.constant 416 : index
    %swap3A_64 = tpu.vector_load %arg22[%swap3A_63] {strides = array<i32>} : memref<768xf32, #tpu.memory_space<vmem>>, vector<16xf32>,
    tpu.vector_store %arg22[%swap3A_63], %convert_element_type3A {strides = array<i32>} : memref<768xf32, #tpu.memory_space<vmem>>, vector<16xf32>,
    %swap3A_65 = arith.constant 432 : index
    %swap3A_66 = tpu.vector_load %arg22[%swap3A_65] {strides = array<i32>} : memref<768xf32, #tpu.memory_space<vmem>>, vector<16xf32>,
    tpu.vector_store %arg22[%swap3A_65], %convert_element_type3A {strides = array<i32>} : memref<768xf32, #tpu.memory_space<vmem>>, vector<16xf32>,
    %swap3A_67 = arith.constant 448 : index
    %swap3A_68 = tpu.vector_load %arg22[%swap3A_67] {strides = array<i32>} : memref<768xf32, #tpu.memory_space<vmem>>, vector<16xf32>,
    tpu.vector_store %arg22[%swap3A_67], %convert_element_type3A {strides = array<i32>} : memref<768xf32, #tpu.memory_space<vmem>>, vector<16xf32>,
    %swap3A_69 = arith.constant 464 : index
    %swap3A_70 = tpu.vector_load %arg22[%swap3A_69] {strides = array<i32>} : memref<768xf32, #tpu.memory_space<vmem>>, vector<16xf32>,
    tpu.vector_store %arg22[%swap3A_69], %convert_element_type3A {strides = array<i32>} : memref<768xf32, #tpu.memory_space<vmem>>, vector<16xf32>,
    %swap3A_71 = arith.constant 480 : index
    %swap3A_72 = tpu.vector_load %arg22[%swap3A_71] {strides = array<i32>} : memref<768xf32, #tpu.memory_space<vmem>>, vector<16xf32>,
    tpu.vector_store %arg22[%swap3A_71], %convert_element_type3A {strides = array<i32>} : memref<768xf32, #tpu.memory_space<vmem>>, vector<16xf32>,
    %swap3A_73 = arith.constant 496 : index
    %swap3A_74 = tpu.vector_load %arg22[%swap3A_73] {strides = array<i32>} : memref<768xf32, #tpu.memory_space<vmem>>, vector<16xf32>,
    tpu.vector_store %arg22[%swap3A_73], %convert_element_type3A {strides = array<i32>} : memref<768xf32, #tpu.memory_space<vmem>>, vector<16xf32>,
    %swap3A_75 = arith.constant 512 : index
    %swap3A_76 = tpu.vector_load %arg22[%swap3A_75] {strides = array<i32>} : memref<768xf32, #tpu.memory_space<vmem>>, vector<16xf32>,
    tpu.vector_store %arg22[%swap3A_75], %convert_element_type3A {strides = array<i32>} : memref<768xf32, #tpu.memory_space<vmem>>, vector<16xf32>,
    %swap3A_77 = arith.constant 528 : index
    %swap3A_78 = tpu.vector_load %arg22[%swap3A_77] {strides = array<i32>} : memref<768xf32, #tpu.memory_space<vmem>>, vector<16xf32>,
    tpu.vector_store %arg22[%swap3A_77], %convert_element_type3A {strides = array<i32>} : memref<768xf32, #tpu.memory_space<vmem>>, vector<16xf32>,
    %swap3A_79 = arith.constant 544 : index
    %swap3A_80 = tpu.vector_load %arg22[%swap3A_79] {strides = array<i32>} : memref<768xf32, #tpu.memory_space<vmem>>, vector<16xf32>,
    tpu.vector_store %arg22[%swap3A_79], %convert_element_type3A {strides = array<i32>} : memref<768xf32, #tpu.memory_space<vmem>>, vector<16xf32>,
    %swap3A_81 = arith.constant 560 : index
    %swap3A_82 = tpu.vector_load %arg22[%swap3A_81] {strides = array<i32>} : memref<768xf32, #tpu.memory_space<vmem>>, vector<16xf32>,
    tpu.vector_store %arg22[%swap3A_81], %convert_element_type3A {strides = array<i32>} : memref<768xf32, #tpu.memory_space<vmem>>, vector<16xf32>,
    %swap3A_83 = arith.constant 576 : index
    %swap3A_84 = tpu.vector_load %arg22[%swap3A_83] {strides = array<i32>} : memref<768xf32, #tpu.memory_space<vmem>>, vector<16xf32>,
    tpu.vector_store %arg22[%swap3A_83], %convert_element_type3A {strides = array<i32>} : memref<768xf32, #tpu.memory_space<vmem>>, vector<16xf32>,
    %swap3A_85 = arith.constant 592 : index
    %swap3A_86 = tpu.vector_load %arg22[%swap3A_85] {strides = array<i32>} : memref<768xf32, #tpu.memory_space<vmem>>, vector<16xf32>,
    tpu.vector_store %arg22[%swap3A_85], %convert_element_type3A {strides = array<i32>} : memref<768xf32, #tpu.memory_space<vmem>>, vector<16xf32>,
    %swap3A_87 = arith.constant 608 : index
    %swap3A_88 = tpu.vector_load %arg22[%swap3A_87] {strides = array<i32>} : memref<768xf32, #tpu.memory_space<vmem>>, vector<16xf32>,
    tpu.vector_store %arg22[%swap3A_87], %convert_element_type3A {strides = array<i32>} : memref<768xf32, #tpu.memory_space<vmem>>, vector<16xf32>,
    %swap3A_89 = arith.constant 624 : index
    %swap3A_90 = tpu.vector_load %arg22[%swap3A_89] {strides = array<i32>} : memref<768xf32, #tpu.memory_space<vmem>>, vector<16xf32>,
    tpu.vector_store %arg22[%swap3A_89], %convert_element_type3A {strides = array<i32>} : memref<768xf32, #tpu.memory_space<vmem>>, vector<16xf32>,
    %swap3A_91 = arith.constant 640 : index
    %swap3A_92 = tpu.vector_load %arg22[%swap3A_91] {strides = array<i32>} : memref<768xf32, #tpu.memory_space<vmem>>, vector<16xf32>,
    tpu.vector_store %arg22[%swap3A_91], %convert_element_type3A {strides = array<i32>} : memref<768xf32, #tpu.memory_space<vmem>>, vector<16xf32>,
    %swap3A_93 = arith.constant 656 : index
    %swap3A_94 = tpu.vector_load %arg22[%swap3A_93] {strides = array<i32>} : memref<768xf32, #tpu.memory_space<vmem>>, vector<16xf32>,
    tpu.vector_store %arg22[%swap3A_93], %convert_element_type3A {strides = array<i32>} : memref<768xf32, #tpu.memory_space<vmem>>, vector<16xf32>,
    %swap3A_95 = arith.constant 672 : index
    %swap3A_96 = tpu.vector_load %arg22[%swap3A_95] {strides = array<i32>} : memref<768xf32, #tpu.memory_space<vmem>>, vector<16xf32>,
    tpu.vector_store %arg22[%swap3A_95], %convert_element_type3A {strides = array<i32>} : memref<768xf32, #tpu.memory_space<vmem>>, vector<16xf32>,
    %swap3A_97 = arith.constant 688 : index
    %swap3A_98 = tpu.vector_load %arg22[%swap3A_97] {strides = array<i32>} : memref<768xf32, #tpu.memory_space<vmem>>, vector<16xf32>,
    tpu.vector_store %arg22[%swap3A_97], %convert_element_type3A {strides = array<i32>} : memref<768xf32, #tpu.memory_space<vmem>>, vector<16xf32>,
    %swap3A_99 = arith.constant 704 : index
    %swap3A_100 = tpu.vector_load %arg22[%swap3A_99] {strides = array<i32>} : memref<768xf32, #tpu.memory_space<vmem>>, vector<16xf32>,
    tpu.vector_store %arg22[%swap3A_99], %convert_element_type3A {strides = array<i32>} : memref<768xf32, #tpu.memory_space<vmem>>, vector<16xf32>,
    %swap3A_101 = arith.constant 720 : index
    %swap3A_102 = tpu.vector_load %arg22[%swap3A_101] {strides = array<i32>} : memref<768xf32, #tpu.memory_space<vmem>>, vector<16xf32>,
    tpu.vector_store %arg22[%swap3A_101], %convert_element_type3A {strides = array<i32>} : memref<768xf32, #tpu.memory_space<vmem>>, vector<16xf32>,
    %swap3A_103 = arith.constant 736 : index
    %swap3A_104 = tpu.vector_load %arg22[%swap3A_103] {strides = array<i32>} : memref<768xf32, #tpu.memory_space<vmem>>, vector<16xf32>,
    tpu.vector_store %arg22[%swap3A_103], %convert_element_type3A {strides = array<i32>} : memref<768xf32, #tpu.memory_space<vmem>>, vector<16xf32>,
    %swap3A_105 = arith.constant 752 : index
    %swap3A_106 = tpu.vector_load %arg22[%swap3A_105] {strides = array<i32>} : memref<768xf32, #tpu.memory_space<vmem>>, vector<16xf32>,
    tpu.vector_store %arg22[%swap3A_105], %convert_element_type3A {strides = array<i32>} : memref<768xf32, #tpu.memory_space<vmem>>, vector<16xf32>,
    %barrier3A = arith.constant 0 : index
    tpu.barrier barrier_id(%barrier3A)
    %scan3A = arith.constant 0 : i32
    %scan3A_107 = arith.constant 0 : i32
    %scan3A_108 = arith.constant 5 : i32
    %scan3A_109 = arith.addi %scan3A_107, %scan3A_108 : i32
    %scan3A_110 = arith.constant 1 : i32
    %scan3A_111 = scf.for %scan3A_209 = %scan3A_107 to %scan3A_109 step %scan3A_110 iter_args(%scan3A_210 = %scan3A) -> (i32)  : i32 {
      %mul3A_211 = arith.constant 10000 : i32
      %mul3A_212 = arith.muli %add3A, %mul3A_211 : i32
      %mul3A_213 = arith.constant 2000 : i32
      %mul3A_214 = arith.muli %scan3A_209, %mul3A_213 : i32
      %add3A_215 = arith.addi %mul3A_212, %mul3A_214 : i32
      "tpu.region"() ({
        %run_scoped3A = tpu.sem_alloc : memref<!tpu.dma_semaphore, #tpu.memory_space<semaphore_mem>>
        %dma_start3A = tpu.memref_slice %arg2[%add3A_215] : memref<320000xi32, #tpu.memory_space<hbm>> -> memref<2000xi32, #tpu.memory_space<hbm>>
        %dma_start3A_222 = tpu.memref_slice %arg2[%add3A_215] : memref<320000xi32, #tpu.memory_space<hbm>> -> memref<2000xi32, #tpu.memory_space<hbm>>
        tpu.enqueue_dma source(%dma_start3A_222 : memref<2000xi32, #tpu.memory_space<hbm>>) target(%arg14 : memref<2000xi32, #tpu.memory_space<vmem>>) target_semaphore(%run_scoped3A : memref<!tpu.dma_semaphore, #tpu.memory_space<semaphore_mem>>)
        %dma_wait3A = tpu.memref_slice %arg2[%add3A_215] : memref<320000xi32, #tpu.memory_space<hbm>> -> memref<2000xi32, #tpu.memory_space<hbm>>
        %dma_wait3A_223 = tpu.memref_slice %arg2[%add3A_215] : memref<320000xi32, #tpu.memory_space<hbm>> -> memref<2000xi32, #tpu.memory_space<hbm>>
        tpu.wait_dma2 semaphore(%run_scoped3A : memref<!tpu.dma_semaphore, #tpu.memory_space<semaphore_mem>>) src(%dma_wait3A_223 : memref<2000xi32, #tpu.memory_space<hbm>>) dst(%arg14 : memref<2000xi32, #tpu.memory_space<vmem>>)
        tpu.yield
      }) : () -> ()
      "tpu.region"() ({
        %run_scoped3A = tpu.sem_alloc : memref<!tpu.dma_semaphore, #tpu.memory_space<semaphore_mem>>
        %dma_start3A = tpu.memref_slice %arg3[%add3A_215] : memref<320000xi32, #tpu.memory_space<hbm>> -> memref<2000xi32, #tpu.memory_space<hbm>>
        %dma_start3A_222 = tpu.memref_slice %arg3[%add3A_215] : memref<320000xi32, #tpu.memory_space<hbm>> -> memref<2000xi32, #tpu.memory_space<hbm>>
        tpu.enqueue_dma source(%dma_start3A_222 : memref<2000xi32, #tpu.memory_space<hbm>>) target(%arg15 : memref<2000xi32, #tpu.memory_space<vmem>>) target_semaphore(%run_scoped3A : memref<!tpu.dma_semaphore, #tpu.memory_space<semaphore_mem>>)
        %dma_wait3A = tpu.memref_slice %arg3[%add3A_215] : memref<320000xi32, #tpu.memory_space<hbm>> -> memref<2000xi32, #tpu.memory_space<hbm>>
        %dma_wait3A_223 = tpu.memref_slice %arg3[%add3A_215] : memref<320000xi32, #tpu.memory_space<hbm>> -> memref<2000xi32, #tpu.memory_space<hbm>>
        tpu.wait_dma2 semaphore(%run_scoped3A : memref<!tpu.dma_semaphore, #tpu.memory_space<semaphore_mem>>) src(%dma_wait3A_223 : memref<2000xi32, #tpu.memory_space<hbm>>) dst(%arg15 : memref<2000xi32, #tpu.memory_space<vmem>>)
        tpu.yield
      }) : () -> ()
      "tpu.region"() ({
        %run_scoped3A = tpu.sem_alloc : memref<!tpu.dma_semaphore, #tpu.memory_space<semaphore_mem>>
        %dma_start3A = tpu.memref_slice %arg4[%add3A_215] : memref<320000xi32, #tpu.memory_space<hbm>> -> memref<2000xi32, #tpu.memory_space<hbm>>
        %dma_start3A_222 = tpu.memref_slice %arg4[%add3A_215] : memref<320000xi32, #tpu.memory_space<hbm>> -> memref<2000xi32, #tpu.memory_space<hbm>>
        tpu.enqueue_dma source(%dma_start3A_222 : memref<2000xi32, #tpu.memory_space<hbm>>) target(%arg16 : memref<2000xi32, #tpu.memory_space<vmem>>) target_semaphore(%run_scoped3A : memref<!tpu.dma_semaphore, #tpu.memory_space<semaphore_mem>>)
        %dma_wait3A = tpu.memref_slice %arg4[%add3A_215] : memref<320000xi32, #tpu.memory_space<hbm>> -> memref<2000xi32, #tpu.memory_space<hbm>>
        %dma_wait3A_223 = tpu.memref_slice %arg4[%add3A_215] : memref<320000xi32, #tpu.memory_space<hbm>> -> memref<2000xi32, #tpu.memory_space<hbm>>
        tpu.wait_dma2 semaphore(%run_scoped3A : memref<!tpu.dma_semaphore, #tpu.memory_space<semaphore_mem>>) src(%dma_wait3A_223 : memref<2000xi32, #tpu.memory_space<hbm>>) dst(%arg16 : memref<2000xi32, #tpu.memory_space<vmem>>)
        tpu.yield
      }) : () -> ()
      %scan3A_216 = arith.constant 0 : i32
      %scan3A_217 = arith.constant 25 : i32
      %scan3A_218 = arith.addi %scan3A_216, %scan3A_217 : i32
      %scan3A_219 = arith.constant 1 : i32
      %scan3A_220 = scf.for %scan3A_222 = %scan3A_216 to %scan3A_218 step %scan3A_219 iter_args(%scan3A_223 = %scan3A_210) -> (i32)  : i32 {
        %mul3A_224 = arith.constant 80 : i32
        %mul3A_225 = arith.muli %scan3A_222, %mul3A_224 : i32
        %add3A_226 = arith.constant 0 : i32
        %add3A_227 = arith.addi %mul3A_225, %add3A_226 : i32
        %get3A = arith.index_cast %add3A_227 : i32 to index
        %get3A_228 = tpu.vector_load %arg14[%get3A] {strides = array<i32>} : memref<2000xi32, #tpu.memory_space<vmem>>, vector<16xi32>,
        %gather3A = tpu.vector_load_idx %arg13[%get3A_228] : memref<10240xi32, #tpu.memory_space<vmem>>[vector<16xi32>], vector<16xi32>,
        %get3A_229 = arith.index_cast %add3A_227 : i32 to index
        %get3A_230 = tpu.vector_load %arg16[%get3A_229] {strides = array<i32>} : memref<2000xi32, #tpu.memory_space<vmem>>, vector<16xi32>,
        %get3A_231 = arith.index_cast %add3A_227 : i32 to index
        %get3A_232 = tpu.vector_load %arg15[%get3A_231] {strides = array<i32>} : memref<2000xi32, #tpu.memory_space<vmem>>, vector<16xi32>,
        %mul3A_233 = arith.constant 8 : i32
        %mul3A_234 = vector.broadcast %mul3A_233 : i32 to vector<16xi32>
        %mul3A_235 = arith.muli %gather3A, %mul3A_234 : vector<16xi32>
        %add3A_236 = arith.addi %mul3A_235, %get3A_230 : vector<16xi32>
        %lt3A_237 = arith.constant 640 : i32
        %lt3A_238 = vector.broadcast %lt3A_237 : i32 to vector<16xi32>
        %lt3A_239 = arith.cmpi slt, %gather3A, %lt3A_238 : vector<16xi32>
        %convert_element_type3A_240 = arith.extui %lt3A_239 : vector<16xi1> to vector<16xi32>
        %cumsum3A = arith.constant true
        %cumsum3A_241 = vector.broadcast %cumsum3A : i1 to vector<16xi1>
        %cumsum3A_242 = tpu.scan <sum>, %convert_element_type3A_240 masked %cumsum3A_241 : vector<16xi32>, vector<16xi1> -> vector<16xi32>
        %add3A_243 = vector.broadcast %scan3A_223 : i32 to vector<16xi32>
        %add3A_244 = arith.addi %add3A_243, %cumsum3A_242 : vector<16xi32>
        %sub3A = arith.subi %add3A_244, %convert_element_type3A_240 : vector<16xi32>
        tpu.vector_store_idx %arg18[%sub3A], %get3A_232 masked %lt3A_239 : memref<10240xi32, #tpu.memory_space<vmem>>[vector<16xi32>], vector<16xi32>, vector<16xi1>
        tpu.vector_store_idx %arg17[%sub3A], %add3A_236 masked %lt3A_239 : memref<10240xi32, #tpu.memory_space<vmem>>[vector<16xi32>], vector<16xi32>, vector<16xi1>
        %unique3A, %unique3A_245 = tpu.scan_count mask(%lt3A_239 : vector<16xi1>) value(%gather3A : vector<16xi32>) : vector<16xi1>, vector<16xi32>
        %convert_element_type3A_246 = arith.sitofp %unique3A_245 : vector<16xi32> to vector<16xf32>
        tpu.vector_store_idx %arg22[%gather3A], %convert_element_type3A_246 masked %unique3A {add = true} : memref<768xf32, #tpu.memory_space<vmem>>[vector<16xi32>], vector<16xf32>, vector<16xi1>
        %reduce_sum3A = arith.constant true
        %reduce_sum3A_247 = vector.broadcast %reduce_sum3A : i1 to vector<16xi1>
        %reduce_sum3A_248 = tpu.scan <sum>, %convert_element_type3A_240 masked %reduce_sum3A_247 : vector<16xi32>, vector<16xi1> -> vector<16xi32>
        %reduce_sum3A_249 = vector.extract %reduce_sum3A_248[15] : i32 from vector<16xi32>
        %add3A_250 = arith.addi %scan3A_223, %reduce_sum3A_249 : i32
        %mul3A_251 = arith.constant 80 : i32
        %mul3A_252 = arith.muli %scan3A_222, %mul3A_251 : i32
        %add3A_253 = arith.constant 16 : i32
        %add3A_254 = arith.addi %mul3A_252, %add3A_253 : i32
        %get3A_255 = arith.index_cast %add3A_254 : i32 to index
        %get3A_256 = tpu.vector_load %arg14[%get3A_255] {strides = array<i32>} : memref<2000xi32, #tpu.memory_space<vmem>>, vector<16xi32>,
        %gather3A_257 = tpu.vector_load_idx %arg13[%get3A_256] : memref<10240xi32, #tpu.memory_space<vmem>>[vector<16xi32>], vector<16xi32>,
        %get3A_258 = arith.index_cast %add3A_254 : i32 to index
        %get3A_259 = tpu.vector_load %arg16[%get3A_258] {strides = array<i32>} : memref<2000xi32, #tpu.memory_space<vmem>>, vector<16xi32>,
        %get3A_260 = arith.index_cast %add3A_254 : i32 to index
        %get3A_261 = tpu.vector_load %arg15[%get3A_260] {strides = array<i32>} : memref<2000xi32, #tpu.memory_space<vmem>>, vector<16xi32>,
        %mul3A_262 = arith.constant 8 : i32
        %mul3A_263 = vector.broadcast %mul3A_262 : i32 to vector<16xi32>
        %mul3A_264 = arith.muli %gather3A_257, %mul3A_263 : vector<16xi32>
        %add3A_265 = arith.addi %mul3A_264, %get3A_259 : vector<16xi32>
        %lt3A_266 = arith.constant 640 : i32
        %lt3A_267 = vector.broadcast %lt3A_266 : i32 to vector<16xi32>
        %lt3A_268 = arith.cmpi slt, %gather3A_257, %lt3A_267 : vector<16xi32>
        %convert_element_type3A_269 = arith.extui %lt3A_268 : vector<16xi1> to vector<16xi32>
        %cumsum3A_270 = arith.constant true
        %cumsum3A_271 = vector.broadcast %cumsum3A_270 : i1 to vector<16xi1>
        %cumsum3A_272 = tpu.scan <sum>, %convert_element_type3A_269 masked %cumsum3A_271 : vector<16xi32>, vector<16xi1> -> vector<16xi32>
        %add3A_273 = vector.broadcast %add3A_250 : i32 to vector<16xi32>
        %add3A_274 = arith.addi %add3A_273, %cumsum3A_272 : vector<16xi32>
        %sub3A_275 = arith.subi %add3A_274, %convert_element_type3A_269 : vector<16xi32>
        tpu.vector_store_idx %arg18[%sub3A_275], %get3A_261 masked %lt3A_268 : memref<10240xi32, #tpu.memory_space<vmem>>[vector<16xi32>], vector<16xi32>, vector<16xi1>
        tpu.vector_store_idx %arg17[%sub3A_275], %add3A_265 masked %lt3A_268 : memref<10240xi32, #tpu.memory_space<vmem>>[vector<16xi32>], vector<16xi32>, vector<16xi1>
        %unique3A_276, %unique3A_277 = tpu.scan_count mask(%lt3A_268 : vector<16xi1>) value(%gather3A_257 : vector<16xi32>) : vector<16xi1>, vector<16xi32>
        %convert_element_type3A_278 = arith.sitofp %unique3A_277 : vector<16xi32> to vector<16xf32>
        tpu.vector_store_idx %arg22[%gather3A_257], %convert_element_type3A_278 masked %unique3A_276 {add = true} : memref<768xf32, #tpu.memory_space<vmem>>[vector<16xi32>], vector<16xf32>, vector<16xi1>
        %reduce_sum3A_279 = arith.constant true
        %reduce_sum3A_280 = vector.broadcast %reduce_sum3A_279 : i1 to vector<16xi1>
        %reduce_sum3A_281 = tpu.scan <sum>, %convert_element_type3A_269 masked %reduce_sum3A_280 : vector<16xi32>, vector<16xi1> -> vector<16xi32>
        %reduce_sum3A_282 = vector.extract %reduce_sum3A_281[15] : i32 from vector<16xi32>
        %add3A_283 = arith.addi %add3A_250, %reduce_sum3A_282 : i32
        %mul3A_284 = arith.constant 80 : i32
        %mul3A_285 = arith.muli %scan3A_222, %mul3A_284 : i32
        %add3A_286 = arith.constant 32 : i32
        %add3A_287 = arith.addi %mul3A_285, %add3A_286 : i32
        %get3A_288 = arith.index_cast %add3A_287 : i32 to index
        %get3A_289 = tpu.vector_load %arg14[%get3A_288] {strides = array<i32>} : memref<2000xi32, #tpu.memory_space<vmem>>, vector<16xi32>,
        %gather3A_290 = tpu.vector_load_idx %arg13[%get3A_289] : memref<10240xi32, #tpu.memory_space<vmem>>[vector<16xi32>], vector<16xi32>,
        %get3A_291 = arith.index_cast %add3A_287 : i32 to index
        %get3A_292 = tpu.vector_load %arg16[%get3A_291] {strides = array<i32>} : memref<2000xi32, #tpu.memory_space<vmem>>, vector<16xi32>,
        %get3A_293 = arith.index_cast %add3A_287 : i32 to index
        %get3A_294 = tpu.vector_load %arg15[%get3A_293] {strides = array<i32>} : memref<2000xi32, #tpu.memory_space<vmem>>, vector<16xi32>,
        %mul3A_295 = arith.constant 8 : i32
        %mul3A_296 = vector.broadcast %mul3A_295 : i32 to vector<16xi32>
        %mul3A_297 = arith.muli %gather3A_290, %mul3A_296 : vector<16xi32>
        %add3A_298 = arith.addi %mul3A_297, %get3A_292 : vector<16xi32>
        %lt3A_299 = arith.constant 640 : i32
        %lt3A_300 = vector.broadcast %lt3A_299 : i32 to vector<16xi32>
        %lt3A_301 = arith.cmpi slt, %gather3A_290, %lt3A_300 : vector<16xi32>
        %convert_element_type3A_302 = arith.extui %lt3A_301 : vector<16xi1> to vector<16xi32>
        %cumsum3A_303 = arith.constant true
        %cumsum3A_304 = vector.broadcast %cumsum3A_303 : i1 to vector<16xi1>
        %cumsum3A_305 = tpu.scan <sum>, %convert_element_type3A_302 masked %cumsum3A_304 : vector<16xi32>, vector<16xi1> -> vector<16xi32>
        %add3A_306 = vector.broadcast %add3A_283 : i32 to vector<16xi32>
        %add3A_307 = arith.addi %add3A_306, %cumsum3A_305 : vector<16xi32>
        %sub3A_308 = arith.subi %add3A_307, %convert_element_type3A_302 : vector<16xi32>
        tpu.vector_store_idx %arg18[%sub3A_308], %get3A_294 masked %lt3A_301 : memref<10240xi32, #tpu.memory_space<vmem>>[vector<16xi32>], vector<16xi32>, vector<16xi1>
        tpu.vector_store_idx %arg17[%sub3A_308], %add3A_298 masked %lt3A_301 : memref<10240xi32, #tpu.memory_space<vmem>>[vector<16xi32>], vector<16xi32>, vector<16xi1>
        %unique3A_309, %unique3A_310 = tpu.scan_count mask(%lt3A_301 : vector<16xi1>) value(%gather3A_290 : vector<16xi32>) : vector<16xi1>, vector<16xi32>
        %convert_element_type3A_311 = arith.sitofp %unique3A_310 : vector<16xi32> to vector<16xf32>
        tpu.vector_store_idx %arg22[%gather3A_290], %convert_element_type3A_311 masked %unique3A_309 {add = true} : memref<768xf32, #tpu.memory_space<vmem>>[vector<16xi32>], vector<16xf32>, vector<16xi1>
        %reduce_sum3A_312 = arith.constant true
        %reduce_sum3A_313 = vector.broadcast %reduce_sum3A_312 : i1 to vector<16xi1>
        %reduce_sum3A_314 = tpu.scan <sum>, %convert_element_type3A_302 masked %reduce_sum3A_313 : vector<16xi32>, vector<16xi1> -> vector<16xi32>
        %reduce_sum3A_315 = vector.extract %reduce_sum3A_314[15] : i32 from vector<16xi32>
        %add3A_316 = arith.addi %add3A_283, %reduce_sum3A_315 : i32
        %mul3A_317 = arith.constant 80 : i32
        %mul3A_318 = arith.muli %scan3A_222, %mul3A_317 : i32
        %add3A_319 = arith.constant 48 : i32
        %add3A_320 = arith.addi %mul3A_318, %add3A_319 : i32
        %get3A_321 = arith.index_cast %add3A_320 : i32 to index
        %get3A_322 = tpu.vector_load %arg14[%get3A_321] {strides = array<i32>} : memref<2000xi32, #tpu.memory_space<vmem>>, vector<16xi32>,
        %gather3A_323 = tpu.vector_load_idx %arg13[%get3A_322] : memref<10240xi32, #tpu.memory_space<vmem>>[vector<16xi32>], vector<16xi32>,
        %get3A_324 = arith.index_cast %add3A_320 : i32 to index
        %get3A_325 = tpu.vector_load %arg16[%get3A_324] {strides = array<i32>} : memref<2000xi32, #tpu.memory_space<vmem>>, vector<16xi32>,
        %get3A_326 = arith.index_cast %add3A_320 : i32 to index
        %get3A_327 = tpu.vector_load %arg15[%get3A_326] {strides = array<i32>} : memref<2000xi32, #tpu.memory_space<vmem>>, vector<16xi32>,
        %mul3A_328 = arith.constant 8 : i32
        %mul3A_329 = vector.broadcast %mul3A_328 : i32 to vector<16xi32>
        %mul3A_330 = arith.muli %gather3A_323, %mul3A_329 : vector<16xi32>
        %add3A_331 = arith.addi %mul3A_330, %get3A_325 : vector<16xi32>
        %lt3A_332 = arith.constant 640 : i32
        %lt3A_333 = vector.broadcast %lt3A_332 : i32 to vector<16xi32>
        %lt3A_334 = arith.cmpi slt, %gather3A_323, %lt3A_333 : vector<16xi32>
        %convert_element_type3A_335 = arith.extui %lt3A_334 : vector<16xi1> to vector<16xi32>
        %cumsum3A_336 = arith.constant true
        %cumsum3A_337 = vector.broadcast %cumsum3A_336 : i1 to vector<16xi1>
        %cumsum3A_338 = tpu.scan <sum>, %convert_element_type3A_335 masked %cumsum3A_337 : vector<16xi32>, vector<16xi1> -> vector<16xi32>
        %add3A_339 = vector.broadcast %add3A_316 : i32 to vector<16xi32>
        %add3A_340 = arith.addi %add3A_339, %cumsum3A_338 : vector<16xi32>
        %sub3A_341 = arith.subi %add3A_340, %convert_element_type3A_335 : vector<16xi32>
        tpu.vector_store_idx %arg18[%sub3A_341], %get3A_327 masked %lt3A_334 : memref<10240xi32, #tpu.memory_space<vmem>>[vector<16xi32>], vector<16xi32>, vector<16xi1>
        tpu.vector_store_idx %arg17[%sub3A_341], %add3A_331 masked %lt3A_334 : memref<10240xi32, #tpu.memory_space<vmem>>[vector<16xi32>], vector<16xi32>, vector<16xi1>
        %unique3A_342, %unique3A_343 = tpu.scan_count mask(%lt3A_334 : vector<16xi1>) value(%gather3A_323 : vector<16xi32>) : vector<16xi1>, vector<16xi32>
        %convert_element_type3A_344 = arith.sitofp %unique3A_343 : vector<16xi32> to vector<16xf32>
        tpu.vector_store_idx %arg22[%gather3A_323], %convert_element_type3A_344 masked %unique3A_342 {add = true} : memref<768xf32, #tpu.memory_space<vmem>>[vector<16xi32>], vector<16xf32>, vector<16xi1>
        %reduce_sum3A_345 = arith.constant true
        %reduce_sum3A_346 = vector.broadcast %reduce_sum3A_345 : i1 to vector<16xi1>
        %reduce_sum3A_347 = tpu.scan <sum>, %convert_element_type3A_335 masked %reduce_sum3A_346 : vector<16xi32>, vector<16xi1> -> vector<16xi32>
        %reduce_sum3A_348 = vector.extract %reduce_sum3A_347[15] : i32 from vector<16xi32>
        %add3A_349 = arith.addi %add3A_316, %reduce_sum3A_348 : i32
        %mul3A_350 = arith.constant 80 : i32
        %mul3A_351 = arith.muli %scan3A_222, %mul3A_350 : i32
        %add3A_352 = arith.constant 64 : i32
        %add3A_353 = arith.addi %mul3A_351, %add3A_352 : i32
        %get3A_354 = arith.index_cast %add3A_353 : i32 to index
        %get3A_355 = tpu.vector_load %arg14[%get3A_354] {strides = array<i32>} : memref<2000xi32, #tpu.memory_space<vmem>>, vector<16xi32>,
        %gather3A_356 = tpu.vector_load_idx %arg13[%get3A_355] : memref<10240xi32, #tpu.memory_space<vmem>>[vector<16xi32>], vector<16xi32>,
        %get3A_357 = arith.index_cast %add3A_353 : i32 to index
        %get3A_358 = tpu.vector_load %arg16[%get3A_357] {strides = array<i32>} : memref<2000xi32, #tpu.memory_space<vmem>>, vector<16xi32>,
        %get3A_359 = arith.index_cast %add3A_353 : i32 to index
        %get3A_360 = tpu.vector_load %arg15[%get3A_359] {strides = array<i32>} : memref<2000xi32, #tpu.memory_space<vmem>>, vector<16xi32>,
        %mul3A_361 = arith.constant 8 : i32
        %mul3A_362 = vector.broadcast %mul3A_361 : i32 to vector<16xi32>
        %mul3A_363 = arith.muli %gather3A_356, %mul3A_362 : vector<16xi32>
        %add3A_364 = arith.addi %mul3A_363, %get3A_358 : vector<16xi32>
        %lt3A_365 = arith.constant 640 : i32
        %lt3A_366 = vector.broadcast %lt3A_365 : i32 to vector<16xi32>
        %lt3A_367 = arith.cmpi slt, %gather3A_356, %lt3A_366 : vector<16xi32>
        %convert_element_type3A_368 = arith.extui %lt3A_367 : vector<16xi1> to vector<16xi32>
        %cumsum3A_369 = arith.constant true
        %cumsum3A_370 = vector.broadcast %cumsum3A_369 : i1 to vector<16xi1>
        %cumsum3A_371 = tpu.scan <sum>, %convert_element_type3A_368 masked %cumsum3A_370 : vector<16xi32>, vector<16xi1> -> vector<16xi32>
        %add3A_372 = vector.broadcast %add3A_349 : i32 to vector<16xi32>
        %add3A_373 = arith.addi %add3A_372, %cumsum3A_371 : vector<16xi32>
        %sub3A_374 = arith.subi %add3A_373, %convert_element_type3A_368 : vector<16xi32>
        tpu.vector_store_idx %arg18[%sub3A_374], %get3A_360 masked %lt3A_367 : memref<10240xi32, #tpu.memory_space<vmem>>[vector<16xi32>], vector<16xi32>, vector<16xi1>
        tpu.vector_store_idx %arg17[%sub3A_374], %add3A_364 masked %lt3A_367 : memref<10240xi32, #tpu.memory_space<vmem>>[vector<16xi32>], vector<16xi32>, vector<16xi1>
        %unique3A_375, %unique3A_376 = tpu.scan_count mask(%lt3A_367 : vector<16xi1>) value(%gather3A_356 : vector<16xi32>) : vector<16xi1>, vector<16xi32>
        %convert_element_type3A_377 = arith.sitofp %unique3A_376 : vector<16xi32> to vector<16xf32>
        tpu.vector_store_idx %arg22[%gather3A_356], %convert_element_type3A_377 masked %unique3A_375 {add = true} : memref<768xf32, #tpu.memory_space<vmem>>[vector<16xi32>], vector<16xf32>, vector<16xi1>
        %reduce_sum3A_378 = arith.constant true
        %reduce_sum3A_379 = vector.broadcast %reduce_sum3A_378 : i1 to vector<16xi1>
        %reduce_sum3A_380 = tpu.scan <sum>, %convert_element_type3A_368 masked %reduce_sum3A_379 : vector<16xi32>, vector<16xi1> -> vector<16xi32>
        %reduce_sum3A_381 = vector.extract %reduce_sum3A_380[15] : i32 from vector<16xi32>
        %add3A_382 = arith.addi %add3A_349, %reduce_sum3A_381 : i32
        scf.yield %add3A_382 : i32
      }
      %scan3A_221 = arith.constant 25 : i32
      scf.yield %scan3A_220 : i32
    }
    %scan3A_112 = arith.constant 5 : i32
    %add3A_113 = arith.constant 0 : i32
    %add3A_114 = arith.addi %scan3A_111, %add3A_113 : i32
    %add3A_115 = vector.broadcast %add3A_114 : i32 to vector<16xi32>
    %add3A_116 = arith.addi %add3A_115, %iota3A : vector<16xi32>
    %lt3A = arith.constant 10240 : i32
    %lt3A_117 = vector.broadcast %lt3A : i32 to vector<16xi32>
    %lt3A_118 = arith.cmpi slt, %add3A_116, %lt3A_117 : vector<16xi32>
    tpu.vector_store_idx %arg18[%add3A_116], %mul3A_3 masked %lt3A_118 : memref<10240xi32, #tpu.memory_space<vmem>>[vector<16xi32>], vector<16xi32>, vector<16xi1>
    tpu.vector_store_idx %arg17[%add3A_116], %add3A_6 masked %lt3A_118 : memref<10240xi32, #tpu.memory_space<vmem>>[vector<16xi32>], vector<16xi32>, vector<16xi1>
    %add3A_119 = arith.constant 16 : i32
    %add3A_120 = arith.addi %scan3A_111, %add3A_119 : i32
    %add3A_121 = vector.broadcast %add3A_120 : i32 to vector<16xi32>
    %add3A_122 = arith.addi %add3A_121, %iota3A : vector<16xi32>
    %lt3A_123 = arith.constant 10240 : i32
    %lt3A_124 = vector.broadcast %lt3A_123 : i32 to vector<16xi32>
    %lt3A_125 = arith.cmpi slt, %add3A_122, %lt3A_124 : vector<16xi32>
    tpu.vector_store_idx %arg18[%add3A_122], %mul3A_3 masked %lt3A_125 : memref<10240xi32, #tpu.memory_space<vmem>>[vector<16xi32>], vector<16xi32>, vector<16xi1>
    tpu.vector_store_idx %arg17[%add3A_122], %add3A_6 masked %lt3A_125 : memref<10240xi32, #tpu.memory_space<vmem>>[vector<16xi32>], vector<16xi32>, vector<16xi1>
    %add3A_126 = arith.constant 32 : i32
    %add3A_127 = arith.addi %scan3A_111, %add3A_126 : i32
    %add3A_128 = vector.broadcast %add3A_127 : i32 to vector<16xi32>
    %add3A_129 = arith.addi %add3A_128, %iota3A : vector<16xi32>
    %lt3A_130 = arith.constant 10240 : i32
    %lt3A_131 = vector.broadcast %lt3A_130 : i32 to vector<16xi32>
    %lt3A_132 = arith.cmpi slt, %add3A_129, %lt3A_131 : vector<16xi32>
    tpu.vector_store_idx %arg18[%add3A_129], %mul3A_3 masked %lt3A_132 : memref<10240xi32, #tpu.memory_space<vmem>>[vector<16xi32>], vector<16xi32>, vector<16xi1>
    tpu.vector_store_idx %arg17[%add3A_129], %add3A_6 masked %lt3A_132 : memref<10240xi32, #tpu.memory_space<vmem>>[vector<16xi32>], vector<16xi32>, vector<16xi1>
    %add3A_133 = arith.constant 48 : i32
    %add3A_134 = arith.addi %scan3A_111, %add3A_133 : i32
    %add3A_135 = vector.broadcast %add3A_134 : i32 to vector<16xi32>
    %add3A_136 = arith.addi %add3A_135, %iota3A : vector<16xi32>
    %lt3A_137 = arith.constant 10240 : i32
    %lt3A_138 = vector.broadcast %lt3A_137 : i32 to vector<16xi32>
    %lt3A_139 = arith.cmpi slt, %add3A_136, %lt3A_138 : vector<16xi32>
    tpu.vector_store_idx %arg18[%add3A_136], %mul3A_3 masked %lt3A_139 : memref<10240xi32, #tpu.memory_space<vmem>>[vector<16xi32>], vector<16xi32>, vector<16xi1>
    tpu.vector_store_idx %arg17[%add3A_136], %add3A_6 masked %lt3A_139 : memref<10240xi32, #tpu.memory_space<vmem>>[vector<16xi32>], vector<16xi32>, vector<16xi1>
    %add3A_140 = arith.constant 64 : i32
    %add3A_141 = arith.addi %scan3A_111, %add3A_140 : i32
    %add3A_142 = vector.broadcast %add3A_141 : i32 to vector<16xi32>
    %add3A_143 = arith.addi %add3A_142, %iota3A : vector<16xi32>
    %lt3A_144 = arith.constant 10240 : i32
    %lt3A_145 = vector.broadcast %lt3A_144 : i32 to vector<16xi32>
    %lt3A_146 = arith.cmpi slt, %add3A_143, %lt3A_145 : vector<16xi32>
    tpu.vector_store_idx %arg18[%add3A_143], %mul3A_3 masked %lt3A_146 : memref<10240xi32, #tpu.memory_space<vmem>>[vector<16xi32>], vector<16xi32>, vector<16xi1>
    tpu.vector_store_idx %arg17[%add3A_143], %add3A_6 masked %lt3A_146 : memref<10240xi32, #tpu.memory_space<vmem>>[vector<16xi32>], vector<16xi32>, vector<16xi1>
    %add3A_147 = arith.constant 80 : i32
    %add3A_148 = arith.addi %scan3A_111, %add3A_147 : i32
    %add3A_149 = vector.broadcast %add3A_148 : i32 to vector<16xi32>
    %add3A_150 = arith.addi %add3A_149, %iota3A : vector<16xi32>
    %lt3A_151 = arith.constant 10240 : i32
    %lt3A_152 = vector.broadcast %lt3A_151 : i32 to vector<16xi32>
    %lt3A_153 = arith.cmpi slt, %add3A_150, %lt3A_152 : vector<16xi32>
    tpu.vector_store_idx %arg18[%add3A_150], %mul3A_3 masked %lt3A_153 : memref<10240xi32, #tpu.memory_space<vmem>>[vector<16xi32>], vector<16xi32>, vector<16xi1>
    tpu.vector_store_idx %arg17[%add3A_150], %add3A_6 masked %lt3A_153 : memref<10240xi32, #tpu.memory_space<vmem>>[vector<16xi32>], vector<16xi32>, vector<16xi1>
    %add3A_154 = arith.constant 96 : i32
    %add3A_155 = arith.addi %scan3A_111, %add3A_154 : i32
    %add3A_156 = vector.broadcast %add3A_155 : i32 to vector<16xi32>
    %add3A_157 = arith.addi %add3A_156, %iota3A : vector<16xi32>
    %lt3A_158 = arith.constant 10240 : i32
    %lt3A_159 = vector.broadcast %lt3A_158 : i32 to vector<16xi32>
    %lt3A_160 = arith.cmpi slt, %add3A_157, %lt3A_159 : vector<16xi32>
    tpu.vector_store_idx %arg18[%add3A_157], %mul3A_3 masked %lt3A_160 : memref<10240xi32, #tpu.memory_space<vmem>>[vector<16xi32>], vector<16xi32>, vector<16xi1>
    tpu.vector_store_idx %arg17[%add3A_157], %add3A_6 masked %lt3A_160 : memref<10240xi32, #tpu.memory_space<vmem>>[vector<16xi32>], vector<16xi32>, vector<16xi1>
    %add3A_161 = arith.constant 112 : i32
    %add3A_162 = arith.addi %scan3A_111, %add3A_161 : i32
    %add3A_163 = vector.broadcast %add3A_162 : i32 to vector<16xi32>
    %add3A_164 = arith.addi %add3A_163, %iota3A : vector<16xi32>
    %lt3A_165 = arith.constant 10240 : i32
    %lt3A_166 = vector.broadcast %lt3A_165 : i32 to vector<16xi32>
    %lt3A_167 = arith.cmpi slt, %add3A_164, %lt3A_166 : vector<16xi32>
    tpu.vector_store_idx %arg18[%add3A_164], %mul3A_3 masked %lt3A_167 : memref<10240xi32, #tpu.memory_space<vmem>>[vector<16xi32>], vector<16xi32>, vector<16xi1>
    tpu.vector_store_idx %arg17[%add3A_164], %add3A_6 masked %lt3A_167 : memref<10240xi32, #tpu.memory_space<vmem>>[vector<16xi32>], vector<16xi32>, vector<16xi1>
    %add3A_168 = arith.constant 128 : i32
    %add3A_169 = arith.addi %scan3A_111, %add3A_168 : i32
    %add3A_170 = vector.broadcast %add3A_169 : i32 to vector<16xi32>
    %add3A_171 = arith.addi %add3A_170, %iota3A : vector<16xi32>
    %lt3A_172 = arith.constant 10240 : i32
    %lt3A_173 = vector.broadcast %lt3A_172 : i32 to vector<16xi32>
    %lt3A_174 = arith.cmpi slt, %add3A_171, %lt3A_173 : vector<16xi32>
    tpu.vector_store_idx %arg18[%add3A_171], %mul3A_3 masked %lt3A_174 : memref<10240xi32, #tpu.memory_space<vmem>>[vector<16xi32>], vector<16xi32>, vector<16xi1>
    tpu.vector_store_idx %arg17[%add3A_171], %add3A_6 masked %lt3A_174 : memref<10240xi32, #tpu.memory_space<vmem>>[vector<16xi32>], vector<16xi32>, vector<16xi1>
    %add3A_175 = arith.constant 127 : i32
    %add3A_176 = arith.addi %scan3A_111, %add3A_175 : i32
    %shift_right_logical3A = arith.constant 7 : i32
    %shift_right_logical3A_177 = arith.shrui %add3A_176, %shift_right_logical3A : i32
    %gt3A = arith.constant 0 : i32
    %gt3A_178 = arith.cmpi sgt, %shift_right_logical3A_177, %gt3A : i32
    %convert_element_type3A_179 = arith.extui %gt3A_178 : i1 to i32
    %cond3A = arith.constant 0 : i32
    %cond3A_180 = arith.cmpi ne, %convert_element_type3A_179, %cond3A : i32
    scf.if %cond3A_180 {
      %dma_start3A = arith.constant 0 : i32
      %dma_start3A_209 = tpu.memref_slice %arg18[%dma_start3A] : memref<10240xi32, #tpu.memory_space<vmem>> -> memref<128xi32, #tpu.memory_space<vmem>>
      %dma_start3A_210 = arith.constant 0 : i32
      %dma_start3A_211 = arith.constant 0 : i32
      %dma_start3A_212 = tpu.memref_slice %arg6[%dma_start3A_210, %dma_start3A_211] : memref<10000x128xf32, #tpu.memory_space<hbm>> -> memref<10000x128xf32, #tpu.memory_space<hbm>>
      tpu.enqueue_indirect_dma source(%dma_start3A_212 : memref<10000x128xf32, #tpu.memory_space<hbm>>) target(%arg19 : memref<128x128xf32, #tpu.memory_space<vmem>>) offsets(%dma_start3A_209 : memref<128xi32, #tpu.memory_space<vmem>>) semaphore(%arg26 : memref<!tpu.dma_semaphore, #tpu.memory_space<semaphore_mem>>)
    } else {
    }
    %while3A = arith.constant 0 : i32
    %while3A_181 = arith.constant 0 : i32
    %while3A_182 = arith.subi %shift_right_logical3A_177, %while3A_181 : i32
    %while3A_183 = arith.addi %while3A_181, %while3A_182 : i32
    %while3A_184 = arith.constant 1 : i32
    %while3A_185 = arith.divsi %while3A_182, %while3A_184 : i32
    %while3A_186 = arith.muli %while3A_185, %while3A_184 : i32
    %while3A_187 = arith.addi %while3A_181, %while3A_186 : i32
    %while3A_188 = arith.constant 1 : i32
    scf.for %while3A_209 = %while3A_181 to %while3A_187 step %while3A_188  : i32 {
      %mul3A_210 = arith.constant 128 : i32
      %mul3A_211 = arith.muli %while3A_209, %mul3A_210 : i32
      %add3A_212 = arith.constant 0 : i32
      %add3A_213 = arith.addi %mul3A_211, %add3A_212 : i32
      %get3A = arith.index_cast %add3A_213 : i32 to index
      %get3A_214 = tpu.vector_load %arg17[%get3A] {strides = array<i32>} : memref<10240xi32, #tpu.memory_space<vmem>>, vector<16xi32>,
      %swap3A_215 = arith.constant 0 : index
      %swap3A_216 = tpu.vector_load %arg21[%swap3A_215] {strides = array<i32>} : memref<128xi32, #tpu.memory_space<vmem>>, vector<16xi32>,
      tpu.vector_store %arg21[%swap3A_215], %get3A_214 {strides = array<i32>} : memref<128xi32, #tpu.memory_space<vmem>>, vector<16xi32>,
      %mul3A_217 = arith.constant 128 : i32
      %mul3A_218 = arith.muli %while3A_209, %mul3A_217 : i32
      %add3A_219 = arith.constant 16 : i32
      %add3A_220 = arith.addi %mul3A_218, %add3A_219 : i32
      %get3A_221 = arith.index_cast %add3A_220 : i32 to index
      %get3A_222 = tpu.vector_load %arg17[%get3A_221] {strides = array<i32>} : memref<10240xi32, #tpu.memory_space<vmem>>, vector<16xi32>,
      %swap3A_223 = arith.constant 16 : index
      %swap3A_224 = tpu.vector_load %arg21[%swap3A_223] {strides = array<i32>} : memref<128xi32, #tpu.memory_space<vmem>>, vector<16xi32>,
      tpu.vector_store %arg21[%swap3A_223], %get3A_222 {strides = array<i32>} : memref<128xi32, #tpu.memory_space<vmem>>, vector<16xi32>,
      %mul3A_225 = arith.constant 128 : i32
      %mul3A_226 = arith.muli %while3A_209, %mul3A_225 : i32
      %add3A_227 = arith.constant 32 : i32
      %add3A_228 = arith.addi %mul3A_226, %add3A_227 : i32
      %get3A_229 = arith.index_cast %add3A_228 : i32 to index
      %get3A_230 = tpu.vector_load %arg17[%get3A_229] {strides = array<i32>} : memref<10240xi32, #tpu.memory_space<vmem>>, vector<16xi32>,
      %swap3A_231 = arith.constant 32 : index
      %swap3A_232 = tpu.vector_load %arg21[%swap3A_231] {strides = array<i32>} : memref<128xi32, #tpu.memory_space<vmem>>, vector<16xi32>,
      tpu.vector_store %arg21[%swap3A_231], %get3A_230 {strides = array<i32>} : memref<128xi32, #tpu.memory_space<vmem>>, vector<16xi32>,
      %mul3A_233 = arith.constant 128 : i32
      %mul3A_234 = arith.muli %while3A_209, %mul3A_233 : i32
      %add3A_235 = arith.constant 48 : i32
      %add3A_236 = arith.addi %mul3A_234, %add3A_235 : i32
      %get3A_237 = arith.index_cast %add3A_236 : i32 to index
      %get3A_238 = tpu.vector_load %arg17[%get3A_237] {strides = array<i32>} : memref<10240xi32, #tpu.memory_space<vmem>>, vector<16xi32>,
      %swap3A_239 = arith.constant 48 : index
      %swap3A_240 = tpu.vector_load %arg21[%swap3A_239] {strides = array<i32>} : memref<128xi32, #tpu.memory_space<vmem>>, vector<16xi32>,
      tpu.vector_store %arg21[%swap3A_239], %get3A_238 {strides = array<i32>} : memref<128xi32, #tpu.memory_space<vmem>>, vector<16xi32>,
      %mul3A_241 = arith.constant 128 : i32
      %mul3A_242 = arith.muli %while3A_209, %mul3A_241 : i32
      %add3A_243 = arith.constant 64 : i32
      %add3A_244 = arith.addi %mul3A_242, %add3A_243 : i32
      %get3A_245 = arith.index_cast %add3A_244 : i32 to index
      %get3A_246 = tpu.vector_load %arg17[%get3A_245] {strides = array<i32>} : memref<10240xi32, #tpu.memory_space<vmem>>, vector<16xi32>,
      %swap3A_247 = arith.constant 64 : index
      %swap3A_248 = tpu.vector_load %arg21[%swap3A_247] {strides = array<i32>} : memref<128xi32, #tpu.memory_space<vmem>>, vector<16xi32>,
      tpu.vector_store %arg21[%swap3A_247], %get3A_246 {strides = array<i32>} : memref<128xi32, #tpu.memory_space<vmem>>, vector<16xi32>,
      %mul3A_249 = arith.constant 128 : i32
      %mul3A_250 = arith.muli %while3A_209, %mul3A_249 : i32
      %add3A_251 = arith.constant 80 : i32
      %add3A_252 = arith.addi %mul3A_250, %add3A_251 : i32
      %get3A_253 = arith.index_cast %add3A_252 : i32 to index
      %get3A_254 = tpu.vector_load %arg17[%get3A_253] {strides = array<i32>} : memref<10240xi32, #tpu.memory_space<vmem>>, vector<16xi32>,
      %swap3A_255 = arith.constant 80 : index
      %swap3A_256 = tpu.vector_load %arg21[%swap3A_255] {strides = array<i32>} : memref<128xi32, #tpu.memory_space<vmem>>, vector<16xi32>,
      tpu.vector_store %arg21[%swap3A_255], %get3A_254 {strides = array<i32>} : memref<128xi32, #tpu.memory_space<vmem>>, vector<16xi32>,
      %mul3A_257 = arith.constant 128 : i32
      %mul3A_258 = arith.muli %while3A_209, %mul3A_257 : i32
      %add3A_259 = arith.constant 96 : i32
      %add3A_260 = arith.addi %mul3A_258, %add3A_259 : i32
      %get3A_261 = arith.index_cast %add3A_260 : i32 to index
      %get3A_262 = tpu.vector_load %arg17[%get3A_261] {strides = array<i32>} : memref<10240xi32, #tpu.memory_space<vmem>>, vector<16xi32>,
      %swap3A_263 = arith.constant 96 : index
      %swap3A_264 = tpu.vector_load %arg21[%swap3A_263] {strides = array<i32>} : memref<128xi32, #tpu.memory_space<vmem>>, vector<16xi32>,
      tpu.vector_store %arg21[%swap3A_263], %get3A_262 {strides = array<i32>} : memref<128xi32, #tpu.memory_space<vmem>>, vector<16xi32>,
      %mul3A_265 = arith.constant 128 : i32
      %mul3A_266 = arith.muli %while3A_209, %mul3A_265 : i32
      %add3A_267 = arith.constant 112 : i32
      %add3A_268 = arith.addi %mul3A_266, %add3A_267 : i32
      %get3A_269 = arith.index_cast %add3A_268 : i32 to index
      %get3A_270 = tpu.vector_load %arg17[%get3A_269] {strides = array<i32>} : memref<10240xi32, #tpu.memory_space<vmem>>, vector<16xi32>,
      %swap3A_271 = arith.constant 112 : index
      %swap3A_272 = tpu.vector_load %arg21[%swap3A_271] {strides = array<i32>} : memref<128xi32, #tpu.memory_space<vmem>>, vector<16xi32>,
      tpu.vector_store %arg21[%swap3A_271], %get3A_270 {strides = array<i32>} : memref<128xi32, #tpu.memory_space<vmem>>, vector<16xi32>,
      %add3A_273 = arith.constant 1 : i32
      %add3A_274 = arith.addi %while3A_209, %add3A_273 : i32
      %and3A = arith.constant 1 : i32
      %and3A_275 = arith.andi %while3A_209, %and3A : i32
      %eq3A_276 = arith.constant 0 : i32
      %eq3A_277 = arith.cmpi eq, %and3A_275, %eq3A_276 : i32
      %convert_element_type3A_278 = arith.extui %eq3A_277 : i1 to i32
      %cond3A_279 = arith.constant 0 : i32
      %cond3A_280 = arith.cmpi ne, %convert_element_type3A_278, %cond3A_279 : i32
      scf.if %cond3A_280 {
        %mul3A_285 = arith.constant 128 : i32
        %mul3A_286 = arith.muli %while3A_209, %mul3A_285 : i32
        %dma_wait3A = tpu.memref_slice %arg18[%mul3A_286] : memref<10240xi32, #tpu.memory_space<vmem>> -> memref<128xi32, #tpu.memory_space<vmem>>
        %dma_wait3A_287 = arith.constant 0 : i32
        %dma_wait3A_288 = arith.constant 0 : i32
        %dma_wait3A_289 = tpu.memref_slice %arg6[%dma_wait3A_287, %dma_wait3A_288] : memref<10000x128xf32, #tpu.memory_space<hbm>> -> memref<10000x128xf32, #tpu.memory_space<hbm>>
        tpu.wait_indirect_dma semaphore(%arg26 : memref<!tpu.dma_semaphore, #tpu.memory_space<semaphore_mem>>) src(%dma_wait3A_289 : memref<10000x128xf32, #tpu.memory_space<hbm>>) dst(%arg19 : memref<128x128xf32, #tpu.memory_space<vmem>>)
        %lt3A_290 = arith.cmpi slt, %add3A_274, %shift_right_logical3A_177 : i32
        %convert_element_type3A_291 = arith.extui %lt3A_290 : i1 to i32
        %cond3A_292 = arith.constant 0 : i32
        %cond3A_293 = arith.cmpi ne, %convert_element_type3A_291, %cond3A_292 : i32
        scf.if %cond3A_293 {
          %mul3A_294 = arith.constant 128 : i32
          %mul3A_295 = arith.muli %add3A_274, %mul3A_294 : i32
          %dma_start3A = tpu.memref_slice %arg18[%mul3A_295] : memref<10240xi32, #tpu.memory_space<vmem>> -> memref<128xi32, #tpu.memory_space<vmem>>
          %dma_start3A_296 = arith.constant 0 : i32
          %dma_start3A_297 = arith.constant 0 : i32
          %dma_start3A_298 = tpu.memref_slice %arg6[%dma_start3A_296, %dma_start3A_297] : memref<10000x128xf32, #tpu.memory_space<hbm>> -> memref<10000x128xf32, #tpu.memory_space<hbm>>
          tpu.enqueue_indirect_dma source(%dma_start3A_298 : memref<10000x128xf32, #tpu.memory_space<hbm>>) target(%arg20 : memref<128x128xf32, #tpu.memory_space<vmem>>) offsets(%dma_start3A : memref<128xi32, #tpu.memory_space<vmem>>) semaphore(%arg27 : memref<!tpu.dma_semaphore, #tpu.memory_space<semaphore_mem>>)
        } else {
        }
        "tpu.region"() ({
          %run_scoped3A = tpu.sem_alloc : memref<!tpu.dma_semaphore, #tpu.memory_space<semaphore_mem>>
          %dma_start3A = arith.constant 0 : i32
          %dma_start3A_294 = arith.constant 0 : i32
          %dma_start3A_295 = tpu.memref_slice %arg28[%dma_start3A, %dma_start3A_294] : memref<5376x128xf32, #tpu.memory_space<vmem_shared>> -> memref<5376x128xf32, #tpu.memory_space<vmem_shared>>
          tpu.enqueue_indirect_dma source(%arg19 : memref<128x128xf32, #tpu.memory_space<vmem>>) target(%dma_start3A_295 : memref<5376x128xf32, #tpu.memory_space<vmem_shared>>) offsets(%arg21 : memref<128xi32, #tpu.memory_space<vmem>>) semaphore(%run_scoped3A : memref<!tpu.dma_semaphore, #tpu.memory_space<semaphore_mem>>) {add = true}
          %dma_wait3A_296 = arith.constant 0 : i32
          %dma_wait3A_297 = arith.constant 0 : i32
          %dma_wait3A_298 = tpu.memref_slice %arg28[%dma_wait3A_296, %dma_wait3A_297] : memref<5376x128xf32, #tpu.memory_space<vmem_shared>> -> memref<5376x128xf32, #tpu.memory_space<vmem_shared>>
          tpu.wait_indirect_dma semaphore(%run_scoped3A : memref<!tpu.dma_semaphore, #tpu.memory_space<semaphore_mem>>) src(%arg19 : memref<128x128xf32, #tpu.memory_space<vmem>>) dst(%dma_wait3A_298 : memref<5376x128xf32, #tpu.memory_space<vmem_shared>>)
          tpu.yield
        }) : () -> ()
      } else {
      }
      %not3A = arith.constant true
      %not3A_281 = arith.xori %eq3A_277, %not3A : i1
      %convert_element_type3A_282 = arith.extui %not3A_281 : i1 to i32
      %cond3A_283 = arith.constant 0 : i32
      %cond3A_284 = arith.cmpi ne, %convert_element_type3A_282, %cond3A_283 : i32
      scf.if %cond3A_284 {
        %mul3A_285 = arith.constant 128 : i32
        %mul3A_286 = arith.muli %while3A_209, %mul3A_285 : i32
        %dma_wait3A = tpu.memref_slice %arg18[%mul3A_286] : memref<10240xi32, #tpu.memory_space<vmem>> -> memref<128xi32, #tpu.memory_space<vmem>>
        %dma_wait3A_287 = arith.constant 0 : i32
        %dma_wait3A_288 = arith.constant 0 : i32
        %dma_wait3A_289 = tpu.memref_slice %arg6[%dma_wait3A_287, %dma_wait3A_288] : memref<10000x128xf32, #tpu.memory_space<hbm>> -> memref<10000x128xf32, #tpu.memory_space<hbm>>
        tpu.wait_indirect_dma semaphore(%arg27 : memref<!tpu.dma_semaphore, #tpu.memory_space<semaphore_mem>>) src(%dma_wait3A_289 : memref<10000x128xf32, #tpu.memory_space<hbm>>) dst(%arg20 : memref<128x128xf32, #tpu.memory_space<vmem>>)
        %lt3A_290 = arith.cmpi slt, %add3A_274, %shift_right_logical3A_177 : i32
        %convert_element_type3A_291 = arith.extui %lt3A_290 : i1 to i32
        %cond3A_292 = arith.constant 0 : i32
        %cond3A_293 = arith.cmpi ne, %convert_element_type3A_291, %cond3A_292 : i32
        scf.if %cond3A_293 {
          %mul3A_294 = arith.constant 128 : i32
          %mul3A_295 = arith.muli %add3A_274, %mul3A_294 : i32
          %dma_start3A = tpu.memref_slice %arg18[%mul3A_295] : memref<10240xi32, #tpu.memory_space<vmem>> -> memref<128xi32, #tpu.memory_space<vmem>>
          %dma_start3A_296 = arith.constant 0 : i32
          %dma_start3A_297 = arith.constant 0 : i32
          %dma_start3A_298 = tpu.memref_slice %arg6[%dma_start3A_296, %dma_start3A_297] : memref<10000x128xf32, #tpu.memory_space<hbm>> -> memref<10000x128xf32, #tpu.memory_space<hbm>>
          tpu.enqueue_indirect_dma source(%dma_start3A_298 : memref<10000x128xf32, #tpu.memory_space<hbm>>) target(%arg19 : memref<128x128xf32, #tpu.memory_space<vmem>>) offsets(%dma_start3A : memref<128xi32, #tpu.memory_space<vmem>>) semaphore(%arg26 : memref<!tpu.dma_semaphore, #tpu.memory_space<semaphore_mem>>)
        } else {
        }
        "tpu.region"() ({
          %run_scoped3A = tpu.sem_alloc : memref<!tpu.dma_semaphore, #tpu.memory_space<semaphore_mem>>
          %dma_start3A = arith.constant 0 : i32
          %dma_start3A_294 = arith.constant 0 : i32
          %dma_start3A_295 = tpu.memref_slice %arg28[%dma_start3A, %dma_start3A_294] : memref<5376x128xf32, #tpu.memory_space<vmem_shared>> -> memref<5376x128xf32, #tpu.memory_space<vmem_shared>>
          tpu.enqueue_indirect_dma source(%arg20 : memref<128x128xf32, #tpu.memory_space<vmem>>) target(%dma_start3A_295 : memref<5376x128xf32, #tpu.memory_space<vmem_shared>>) offsets(%arg21 : memref<128xi32, #tpu.memory_space<vmem>>) semaphore(%run_scoped3A : memref<!tpu.dma_semaphore, #tpu.memory_space<semaphore_mem>>) {add = true}
          %dma_wait3A_296 = arith.constant 0 : i32
          %dma_wait3A_297 = arith.constant 0 : i32
          %dma_wait3A_298 = tpu.memref_slice %arg28[%dma_wait3A_296, %dma_wait3A_297] : memref<5376x128xf32, #tpu.memory_space<vmem_shared>> -> memref<5376x128xf32, #tpu.memory_space<vmem_shared>>
          tpu.wait_indirect_dma semaphore(%run_scoped3A : memref<!tpu.dma_semaphore, #tpu.memory_space<semaphore_mem>>) src(%arg20 : memref<128x128xf32, #tpu.memory_space<vmem>>) dst(%dma_wait3A_298 : memref<5376x128xf32, #tpu.memory_space<vmem_shared>>)
          tpu.yield
        }) : () -> ()
      } else {
      }
    }
    %while3A_189 = arith.constant 1 : i32
    scf.for %while3A_209 = %while3A_187 to %while3A_183 step %while3A_189  : i32 {
      %mul3A_210 = arith.constant 128 : i32
      %mul3A_211 = arith.muli %while3A_209, %mul3A_210 : i32
      %add3A_212 = arith.constant 0 : i32
      %add3A_213 = arith.addi %mul3A_211, %add3A_212 : i32
      %get3A = arith.index_cast %add3A_213 : i32 to index
      %get3A_214 = tpu.vector_load %arg17[%get3A] {strides = array<i32>} : memref<10240xi32, #tpu.memory_space<vmem>>, vector<16xi32>,
      %swap3A_215 = arith.constant 0 : index
      %swap3A_216 = tpu.vector_load %arg21[%swap3A_215] {strides = array<i32>} : memref<128xi32, #tpu.memory_space<vmem>>, vector<16xi32>,
      tpu.vector_store %arg21[%swap3A_215], %get3A_214 {strides = array<i32>} : memref<128xi32, #tpu.memory_space<vmem>>, vector<16xi32>,
      %mul3A_217 = arith.constant 128 : i32
      %mul3A_218 = arith.muli %while3A_209, %mul3A_217 : i32
      %add3A_219 = arith.constant 16 : i32
      %add3A_220 = arith.addi %mul3A_218, %add3A_219 : i32
      %get3A_221 = arith.index_cast %add3A_220 : i32 to index
      %get3A_222 = tpu.vector_load %arg17[%get3A_221] {strides = array<i32>} : memref<10240xi32, #tpu.memory_space<vmem>>, vector<16xi32>,
      %swap3A_223 = arith.constant 16 : index
      %swap3A_224 = tpu.vector_load %arg21[%swap3A_223] {strides = array<i32>} : memref<128xi32, #tpu.memory_space<vmem>>, vector<16xi32>,
      tpu.vector_store %arg21[%swap3A_223], %get3A_222 {strides = array<i32>} : memref<128xi32, #tpu.memory_space<vmem>>, vector<16xi32>,
      %mul3A_225 = arith.constant 128 : i32
      %mul3A_226 = arith.muli %while3A_209, %mul3A_225 : i32
      %add3A_227 = arith.constant 32 : i32
      %add3A_228 = arith.addi %mul3A_226, %add3A_227 : i32
      %get3A_229 = arith.index_cast %add3A_228 : i32 to index
      %get3A_230 = tpu.vector_load %arg17[%get3A_229] {strides = array<i32>} : memref<10240xi32, #tpu.memory_space<vmem>>, vector<16xi32>,
      %swap3A_231 = arith.constant 32 : index
      %swap3A_232 = tpu.vector_load %arg21[%swap3A_231] {strides = array<i32>} : memref<128xi32, #tpu.memory_space<vmem>>, vector<16xi32>,
      tpu.vector_store %arg21[%swap3A_231], %get3A_230 {strides = array<i32>} : memref<128xi32, #tpu.memory_space<vmem>>, vector<16xi32>,
      %mul3A_233 = arith.constant 128 : i32
      %mul3A_234 = arith.muli %while3A_209, %mul3A_233 : i32
      %add3A_235 = arith.constant 48 : i32
      %add3A_236 = arith.addi %mul3A_234, %add3A_235 : i32
      %get3A_237 = arith.index_cast %add3A_236 : i32 to index
      %get3A_238 = tpu.vector_load %arg17[%get3A_237] {strides = array<i32>} : memref<10240xi32, #tpu.memory_space<vmem>>, vector<16xi32>,
      %swap3A_239 = arith.constant 48 : index
      %swap3A_240 = tpu.vector_load %arg21[%swap3A_239] {strides = array<i32>} : memref<128xi32, #tpu.memory_space<vmem>>, vector<16xi32>,
      tpu.vector_store %arg21[%swap3A_239], %get3A_238 {strides = array<i32>} : memref<128xi32, #tpu.memory_space<vmem>>, vector<16xi32>,
      %mul3A_241 = arith.constant 128 : i32
      %mul3A_242 = arith.muli %while3A_209, %mul3A_241 : i32
      %add3A_243 = arith.constant 64 : i32
      %add3A_244 = arith.addi %mul3A_242, %add3A_243 : i32
      %get3A_245 = arith.index_cast %add3A_244 : i32 to index
      %get3A_246 = tpu.vector_load %arg17[%get3A_245] {strides = array<i32>} : memref<10240xi32, #tpu.memory_space<vmem>>, vector<16xi32>,
      %swap3A_247 = arith.constant 64 : index
      %swap3A_248 = tpu.vector_load %arg21[%swap3A_247] {strides = array<i32>} : memref<128xi32, #tpu.memory_space<vmem>>, vector<16xi32>,
      tpu.vector_store %arg21[%swap3A_247], %get3A_246 {strides = array<i32>} : memref<128xi32, #tpu.memory_space<vmem>>, vector<16xi32>,
      %mul3A_249 = arith.constant 128 : i32
      %mul3A_250 = arith.muli %while3A_209, %mul3A_249 : i32
      %add3A_251 = arith.constant 80 : i32
      %add3A_252 = arith.addi %mul3A_250, %add3A_251 : i32
      %get3A_253 = arith.index_cast %add3A_252 : i32 to index
      %get3A_254 = tpu.vector_load %arg17[%get3A_253] {strides = array<i32>} : memref<10240xi32, #tpu.memory_space<vmem>>, vector<16xi32>,
      %swap3A_255 = arith.constant 80 : index
      %swap3A_256 = tpu.vector_load %arg21[%swap3A_255] {strides = array<i32>} : memref<128xi32, #tpu.memory_space<vmem>>, vector<16xi32>,
      tpu.vector_store %arg21[%swap3A_255], %get3A_254 {strides = array<i32>} : memref<128xi32, #tpu.memory_space<vmem>>, vector<16xi32>,
      %mul3A_257 = arith.constant 128 : i32
      %mul3A_258 = arith.muli %while3A_209, %mul3A_257 : i32
      %add3A_259 = arith.constant 96 : i32
      %add3A_260 = arith.addi %mul3A_258, %add3A_259 : i32
      %get3A_261 = arith.index_cast %add3A_260 : i32 to index
      %get3A_262 = tpu.vector_load %arg17[%get3A_261] {strides = array<i32>} : memref<10240xi32, #tpu.memory_space<vmem>>, vector<16xi32>,
      %swap3A_263 = arith.constant 96 : index
      %swap3A_264 = tpu.vector_load %arg21[%swap3A_263] {strides = array<i32>} : memref<128xi32, #tpu.memory_space<vmem>>, vector<16xi32>,
      tpu.vector_store %arg21[%swap3A_263], %get3A_262 {strides = array<i32>} : memref<128xi32, #tpu.memory_space<vmem>>, vector<16xi32>,
      %mul3A_265 = arith.constant 128 : i32
      %mul3A_266 = arith.muli %while3A_209, %mul3A_265 : i32
      %add3A_267 = arith.constant 112 : i32
      %add3A_268 = arith.addi %mul3A_266, %add3A_267 : i32
      %get3A_269 = arith.index_cast %add3A_268 : i32 to index
      %get3A_270 = tpu.vector_load %arg17[%get3A_269] {strides = array<i32>} : memref<10240xi32, #tpu.memory_space<vmem>>, vector<16xi32>,
      %swap3A_271 = arith.constant 112 : index
      %swap3A_272 = tpu.vector_load %arg21[%swap3A_271] {strides = array<i32>} : memref<128xi32, #tpu.memory_space<vmem>>, vector<16xi32>,
      tpu.vector_store %arg21[%swap3A_271], %get3A_270 {strides = array<i32>} : memref<128xi32, #tpu.memory_space<vmem>>, vector<16xi32>,
      %add3A_273 = arith.constant 1 : i32
      %add3A_274 = arith.addi %while3A_209, %add3A_273 : i32
      %and3A = arith.constant 1 : i32
      %and3A_275 = arith.andi %while3A_209, %and3A : i32
      %eq3A_276 = arith.constant 0 : i32
      %eq3A_277 = arith.cmpi eq, %and3A_275, %eq3A_276 : i32
      %convert_element_type3A_278 = arith.extui %eq3A_277 : i1 to i32
      %cond3A_279 = arith.constant 0 : i32
      %cond3A_280 = arith.cmpi ne, %convert_element_type3A_278, %cond3A_279 : i32
      scf.if %cond3A_280 {
        %mul3A_285 = arith.constant 128 : i32
        %mul3A_286 = arith.muli %while3A_209, %mul3A_285 : i32
        %dma_wait3A = tpu.memref_slice %arg18[%mul3A_286] : memref<10240xi32, #tpu.memory_space<vmem>> -> memref<128xi32, #tpu.memory_space<vmem>>
        %dma_wait3A_287 = arith.constant 0 : i32
        %dma_wait3A_288 = arith.constant 0 : i32
        %dma_wait3A_289 = tpu.memref_slice %arg6[%dma_wait3A_287, %dma_wait3A_288] : memref<10000x128xf32, #tpu.memory_space<hbm>> -> memref<10000x128xf32, #tpu.memory_space<hbm>>
        tpu.wait_indirect_dma semaphore(%arg26 : memref<!tpu.dma_semaphore, #tpu.memory_space<semaphore_mem>>) src(%dma_wait3A_289 : memref<10000x128xf32, #tpu.memory_space<hbm>>) dst(%arg19 : memref<128x128xf32, #tpu.memory_space<vmem>>)
        %lt3A_290 = arith.cmpi slt, %add3A_274, %shift_right_logical3A_177 : i32
        %convert_element_type3A_291 = arith.extui %lt3A_290 : i1 to i32
        %cond3A_292 = arith.constant 0 : i32
        %cond3A_293 = arith.cmpi ne, %convert_element_type3A_291, %cond3A_292 : i32
        scf.if %cond3A_293 {
          %mul3A_294 = arith.constant 128 : i32
          %mul3A_295 = arith.muli %add3A_274, %mul3A_294 : i32
          %dma_start3A = tpu.memref_slice %arg18[%mul3A_295] : memref<10240xi32, #tpu.memory_space<vmem>> -> memref<128xi32, #tpu.memory_space<vmem>>
          %dma_start3A_296 = arith.constant 0 : i32
          %dma_start3A_297 = arith.constant 0 : i32
          %dma_start3A_298 = tpu.memref_slice %arg6[%dma_start3A_296, %dma_start3A_297] : memref<10000x128xf32, #tpu.memory_space<hbm>> -> memref<10000x128xf32, #tpu.memory_space<hbm>>
          tpu.enqueue_indirect_dma source(%dma_start3A_298 : memref<10000x128xf32, #tpu.memory_space<hbm>>) target(%arg20 : memref<128x128xf32, #tpu.memory_space<vmem>>) offsets(%dma_start3A : memref<128xi32, #tpu.memory_space<vmem>>) semaphore(%arg27 : memref<!tpu.dma_semaphore, #tpu.memory_space<semaphore_mem>>)
        } else {
        }
        "tpu.region"() ({
          %run_scoped3A = tpu.sem_alloc : memref<!tpu.dma_semaphore, #tpu.memory_space<semaphore_mem>>
          %dma_start3A = arith.constant 0 : i32
          %dma_start3A_294 = arith.constant 0 : i32
          %dma_start3A_295 = tpu.memref_slice %arg28[%dma_start3A, %dma_start3A_294] : memref<5376x128xf32, #tpu.memory_space<vmem_shared>> -> memref<5376x128xf32, #tpu.memory_space<vmem_shared>>
          tpu.enqueue_indirect_dma source(%arg19 : memref<128x128xf32, #tpu.memory_space<vmem>>) target(%dma_start3A_295 : memref<5376x128xf32, #tpu.memory_space<vmem_shared>>) offsets(%arg21 : memref<128xi32, #tpu.memory_space<vmem>>) semaphore(%run_scoped3A : memref<!tpu.dma_semaphore, #tpu.memory_space<semaphore_mem>>) {add = true}
          %dma_wait3A_296 = arith.constant 0 : i32
          %dma_wait3A_297 = arith.constant 0 : i32
          %dma_wait3A_298 = tpu.memref_slice %arg28[%dma_wait3A_296, %dma_wait3A_297] : memref<5376x128xf32, #tpu.memory_space<vmem_shared>> -> memref<5376x128xf32, #tpu.memory_space<vmem_shared>>
          tpu.wait_indirect_dma semaphore(%run_scoped3A : memref<!tpu.dma_semaphore, #tpu.memory_space<semaphore_mem>>) src(%arg19 : memref<128x128xf32, #tpu.memory_space<vmem>>) dst(%dma_wait3A_298 : memref<5376x128xf32, #tpu.memory_space<vmem_shared>>)
          tpu.yield
        }) : () -> ()
      } else {
      }
      %not3A = arith.constant true
      %not3A_281 = arith.xori %eq3A_277, %not3A : i1
      %convert_element_type3A_282 = arith.extui %not3A_281 : i1 to i32
      %cond3A_283 = arith.constant 0 : i32
      %cond3A_284 = arith.cmpi ne, %convert_element_type3A_282, %cond3A_283 : i32
      scf.if %cond3A_284 {
        %mul3A_285 = arith.constant 128 : i32
        %mul3A_286 = arith.muli %while3A_209, %mul3A_285 : i32
        %dma_wait3A = tpu.memref_slice %arg18[%mul3A_286] : memref<10240xi32, #tpu.memory_space<vmem>> -> memref<128xi32, #tpu.memory_space<vmem>>
        %dma_wait3A_287 = arith.constant 0 : i32
        %dma_wait3A_288 = arith.constant 0 : i32
        %dma_wait3A_289 = tpu.memref_slice %arg6[%dma_wait3A_287, %dma_wait3A_288] : memref<10000x128xf32, #tpu.memory_space<hbm>> -> memref<10000x128xf32, #tpu.memory_space<hbm>>
        tpu.wait_indirect_dma semaphore(%arg27 : memref<!tpu.dma_semaphore, #tpu.memory_space<semaphore_mem>>) src(%dma_wait3A_289 : memref<10000x128xf32, #tpu.memory_space<hbm>>) dst(%arg20 : memref<128x128xf32, #tpu.memory_space<vmem>>)
        %lt3A_290 = arith.cmpi slt, %add3A_274, %shift_right_logical3A_177 : i32
        %convert_element_type3A_291 = arith.extui %lt3A_290 : i1 to i32
        %cond3A_292 = arith.constant 0 : i32
        %cond3A_293 = arith.cmpi ne, %convert_element_type3A_291, %cond3A_292 : i32
        scf.if %cond3A_293 {
          %mul3A_294 = arith.constant 128 : i32
          %mul3A_295 = arith.muli %add3A_274, %mul3A_294 : i32
          %dma_start3A = tpu.memref_slice %arg18[%mul3A_295] : memref<10240xi32, #tpu.memory_space<vmem>> -> memref<128xi32, #tpu.memory_space<vmem>>
          %dma_start3A_296 = arith.constant 0 : i32
          %dma_start3A_297 = arith.constant 0 : i32
          %dma_start3A_298 = tpu.memref_slice %arg6[%dma_start3A_296, %dma_start3A_297] : memref<10000x128xf32, #tpu.memory_space<hbm>> -> memref<10000x128xf32, #tpu.memory_space<hbm>>
          tpu.enqueue_indirect_dma source(%dma_start3A_298 : memref<10000x128xf32, #tpu.memory_space<hbm>>) target(%arg19 : memref<128x128xf32, #tpu.memory_space<vmem>>) offsets(%dma_start3A : memref<128xi32, #tpu.memory_space<vmem>>) semaphore(%arg26 : memref<!tpu.dma_semaphore, #tpu.memory_space<semaphore_mem>>)
        } else {
        }
        "tpu.region"() ({
          %run_scoped3A = tpu.sem_alloc : memref<!tpu.dma_semaphore, #tpu.memory_space<semaphore_mem>>
          %dma_start3A = arith.constant 0 : i32
          %dma_start3A_294 = arith.constant 0 : i32
          %dma_start3A_295 = tpu.memref_slice %arg28[%dma_start3A, %dma_start3A_294] : memref<5376x128xf32, #tpu.memory_space<vmem_shared>> -> memref<5376x128xf32, #tpu.memory_space<vmem_shared>>
          tpu.enqueue_indirect_dma source(%arg20 : memref<128x128xf32, #tpu.memory_space<vmem>>) target(%dma_start3A_295 : memref<5376x128xf32, #tpu.memory_space<vmem_shared>>) offsets(%arg21 : memref<128xi32, #tpu.memory_space<vmem>>) semaphore(%run_scoped3A : memref<!tpu.dma_semaphore, #tpu.memory_space<semaphore_mem>>) {add = true}
          %dma_wait3A_296 = arith.constant 0 : i32
          %dma_wait3A_297 = arith.constant 0 : i32
          %dma_wait3A_298 = tpu.memref_slice %arg28[%dma_wait3A_296, %dma_wait3A_297] : memref<5376x128xf32, #tpu.memory_space<vmem_shared>> -> memref<5376x128xf32, #tpu.memory_space<vmem_shared>>
          tpu.wait_indirect_dma semaphore(%run_scoped3A : memref<!tpu.dma_semaphore, #tpu.memory_space<semaphore_mem>>) src(%arg20 : memref<128x128xf32, #tpu.memory_space<vmem>>) dst(%dma_wait3A_298 : memref<5376x128xf32, #tpu.memory_space<vmem_shared>>)
          tpu.yield
        }) : () -> ()
      } else {
      }
    }
    %eq3A = arith.constant 0 : i32
    %eq3A_190 = arith.cmpi eq, %add3A, %eq3A : i32
    %convert_element_type3A_191 = arith.extui %eq3A_190 : i1 to i32
    %cond3A_192 = arith.constant 0 : i32
    %cond3A_193 = arith.cmpi ne, %convert_element_type3A_191, %cond3A_192 : i32
    scf.if %cond3A_193 {
      %add3A_209 = arith.constant 640 : i32
      %add3A_210 = vector.broadcast %add3A_209 : i32 to vector<16xi32>
      %add3A_211 = arith.addi %mul3A_3, %add3A_210 : vector<16xi32>
      %swap3A_212 = arith.constant 0 : i32
      %swap3A_213 = arith.index_cast %swap3A_212 : i32 to index
      %swap3A_214 = arith.constant 0 : index
      %swap3A_215 = tpu.vector_load %arg24[%swap3A_213, %swap3A_214] {strides = array<i32>} : memref<64x16xi32, #tpu.memory_space<vmem>>, vector<16xi32>,
      tpu.vector_store %arg24[%swap3A_213, %swap3A_214], %add3A_211 {strides = array<i32>} : memref<64x16xi32, #tpu.memory_space<vmem>>, vector<16xi32>,
      %add3A_216 = arith.constant 640 : i32
      %add3A_217 = vector.broadcast %add3A_216 : i32 to vector<16xi32>
      %add3A_218 = arith.addi %mul3A_3, %add3A_217 : vector<16xi32>
      %swap3A_219 = arith.constant 1 : i32
      %swap3A_220 = arith.index_cast %swap3A_219 : i32 to index
      %swap3A_221 = arith.constant 0 : index
      %swap3A_222 = tpu.vector_load %arg24[%swap3A_220, %swap3A_221] {strides = array<i32>} : memref<64x16xi32, #tpu.memory_space<vmem>>, vector<16xi32>,
      tpu.vector_store %arg24[%swap3A_220, %swap3A_221], %add3A_218 {strides = array<i32>} : memref<64x16xi32, #tpu.memory_space<vmem>>, vector<16xi32>,
      %add3A_223 = arith.constant 640 : i32
      %add3A_224 = vector.broadcast %add3A_223 : i32 to vector<16xi32>
      %add3A_225 = arith.addi %mul3A_3, %add3A_224 : vector<16xi32>
      %swap3A_226 = arith.constant 2 : i32
      %swap3A_227 = arith.index_cast %swap3A_226 : i32 to index
      %swap3A_228 = arith.constant 0 : index
      %swap3A_229 = tpu.vector_load %arg24[%swap3A_227, %swap3A_228] {strides = array<i32>} : memref<64x16xi32, #tpu.memory_space<vmem>>, vector<16xi32>,
      tpu.vector_store %arg24[%swap3A_227, %swap3A_228], %add3A_225 {strides = array<i32>} : memref<64x16xi32, #tpu.memory_space<vmem>>, vector<16xi32>,
      %add3A_230 = arith.constant 640 : i32
      %add3A_231 = vector.broadcast %add3A_230 : i32 to vector<16xi32>
      %add3A_232 = arith.addi %mul3A_3, %add3A_231 : vector<16xi32>
      %swap3A_233 = arith.constant 3 : i32
      %swap3A_234 = arith.index_cast %swap3A_233 : i32 to index
      %swap3A_235 = arith.constant 0 : index
      %swap3A_236 = tpu.vector_load %arg24[%swap3A_234, %swap3A_235] {strides = array<i32>} : memref<64x16xi32, #tpu.memory_space<vmem>>, vector<16xi32>,
      tpu.vector_store %arg24[%swap3A_234, %swap3A_235], %add3A_232 {strides = array<i32>} : memref<64x16xi32, #tpu.memory_space<vmem>>, vector<16xi32>,
      %add3A_237 = arith.constant 640 : i32
      %add3A_238 = vector.broadcast %add3A_237 : i32 to vector<16xi32>
      %add3A_239 = arith.addi %mul3A_3, %add3A_238 : vector<16xi32>
      %swap3A_240 = arith.constant 4 : i32
      %swap3A_241 = arith.index_cast %swap3A_240 : i32 to index
      %swap3A_242 = arith.constant 0 : index
      %swap3A_243 = tpu.vector_load %arg24[%swap3A_241, %swap3A_242] {strides = array<i32>} : memref<64x16xi32, #tpu.memory_space<vmem>>, vector<16xi32>,
      tpu.vector_store %arg24[%swap3A_241, %swap3A_242], %add3A_239 {strides = array<i32>} : memref<64x16xi32, #tpu.memory_space<vmem>>, vector<16xi32>,
      %add3A_244 = arith.constant 640 : i32
      %add3A_245 = vector.broadcast %add3A_244 : i32 to vector<16xi32>
      %add3A_246 = arith.addi %mul3A_3, %add3A_245 : vector<16xi32>
      %swap3A_247 = arith.constant 5 : i32
      %swap3A_248 = arith.index_cast %swap3A_247 : i32 to index
      %swap3A_249 = arith.constant 0 : index
      %swap3A_250 = tpu.vector_load %arg24[%swap3A_248, %swap3A_249] {strides = array<i32>} : memref<64x16xi32, #tpu.memory_space<vmem>>, vector<16xi32>,
      tpu.vector_store %arg24[%swap3A_248, %swap3A_249], %add3A_246 {strides = array<i32>} : memref<64x16xi32, #tpu.memory_space<vmem>>, vector<16xi32>,
      %add3A_251 = arith.constant 640 : i32
      %add3A_252 = vector.broadcast %add3A_251 : i32 to vector<16xi32>
      %add3A_253 = arith.addi %mul3A_3, %add3A_252 : vector<16xi32>
      %swap3A_254 = arith.constant 6 : i32
      %swap3A_255 = arith.index_cast %swap3A_254 : i32 to index
      %swap3A_256 = arith.constant 0 : index
      %swap3A_257 = tpu.vector_load %arg24[%swap3A_255, %swap3A_256] {strides = array<i32>} : memref<64x16xi32, #tpu.memory_space<vmem>>, vector<16xi32>,
      tpu.vector_store %arg24[%swap3A_255, %swap3A_256], %add3A_253 {strides = array<i32>} : memref<64x16xi32, #tpu.memory_space<vmem>>, vector<16xi32>,
      %add3A_258 = arith.constant 640 : i32
      %add3A_259 = vector.broadcast %add3A_258 : i32 to vector<16xi32>
      %add3A_260 = arith.addi %mul3A_3, %add3A_259 : vector<16xi32>
      %swap3A_261 = arith.constant 7 : i32
      %swap3A_262 = arith.index_cast %swap3A_261 : i32 to index
      %swap3A_263 = arith.constant 0 : index
      %swap3A_264 = tpu.vector_load %arg24[%swap3A_262, %swap3A_263] {strides = array<i32>} : memref<64x16xi32, #tpu.memory_space<vmem>>, vector<16xi32>,
      tpu.vector_store %arg24[%swap3A_262, %swap3A_263], %add3A_260 {strides = array<i32>} : memref<64x16xi32, #tpu.memory_space<vmem>>, vector<16xi32>,
      %add3A_265 = arith.constant 640 : i32
      %add3A_266 = vector.broadcast %add3A_265 : i32 to vector<16xi32>
      %add3A_267 = arith.addi %mul3A_3, %add3A_266 : vector<16xi32>
      %swap3A_268 = arith.constant 8 : i32
      %swap3A_269 = arith.index_cast %swap3A_268 : i32 to index
      %swap3A_270 = arith.constant 0 : index
      %swap3A_271 = tpu.vector_load %arg24[%swap3A_269, %swap3A_270] {strides = array<i32>} : memref<64x16xi32, #tpu.memory_space<vmem>>, vector<16xi32>,
      tpu.vector_store %arg24[%swap3A_269, %swap3A_270], %add3A_267 {strides = array<i32>} : memref<64x16xi32, #tpu.memory_space<vmem>>, vector<16xi32>,
      %add3A_272 = arith.constant 640 : i32
      %add3A_273 = vector.broadcast %add3A_272 : i32 to vector<16xi32>
      %add3A_274 = arith.addi %mul3A_3, %add3A_273 : vector<16xi32>
      %swap3A_275 = arith.constant 9 : i32
      %swap3A_276 = arith.index_cast %swap3A_275 : i32 to index
      %swap3A_277 = arith.constant 0 : index
      %swap3A_278 = tpu.vector_load %arg24[%swap3A_276, %swap3A_277] {strides = array<i32>} : memref<64x16xi32, #tpu.memory_space<vmem>>, vector<16xi32>,
      tpu.vector_store %arg24[%swap3A_276, %swap3A_277], %add3A_274 {strides = array<i32>} : memref<64x16xi32, #tpu.memory_space<vmem>>, vector<16xi32>,
      %add3A_279 = arith.constant 640 : i32
      %add3A_280 = vector.broadcast %add3A_279 : i32 to vector<16xi32>
      %add3A_281 = arith.addi %mul3A_3, %add3A_280 : vector<16xi32>
      %swap3A_282 = arith.constant 10 : i32
      %swap3A_283 = arith.index_cast %swap3A_282 : i32 to index
      %swap3A_284 = arith.constant 0 : index
      %swap3A_285 = tpu.vector_load %arg24[%swap3A_283, %swap3A_284] {strides = array<i32>} : memref<64x16xi32, #tpu.memory_space<vmem>>, vector<16xi32>,
      tpu.vector_store %arg24[%swap3A_283, %swap3A_284], %add3A_281 {strides = array<i32>} : memref<64x16xi32, #tpu.memory_space<vmem>>, vector<16xi32>,
      %add3A_286 = arith.constant 640 : i32
      %add3A_287 = vector.broadcast %add3A_286 : i32 to vector<16xi32>
      %add3A_288 = arith.addi %mul3A_3, %add3A_287 : vector<16xi32>
      %swap3A_289 = arith.constant 11 : i32
      %swap3A_290 = arith.index_cast %swap3A_289 : i32 to index
      %swap3A_291 = arith.constant 0 : index
      %swap3A_292 = tpu.vector_load %arg24[%swap3A_290, %swap3A_291] {strides = array<i32>} : memref<64x16xi32, #tpu.memory_space<vmem>>, vector<16xi32>,
      tpu.vector_store %arg24[%swap3A_290, %swap3A_291], %add3A_288 {strides = array<i32>} : memref<64x16xi32, #tpu.memory_space<vmem>>, vector<16xi32>,
      %add3A_293 = arith.constant 640 : i32
      %add3A_294 = vector.broadcast %add3A_293 : i32 to vector<16xi32>
      %add3A_295 = arith.addi %mul3A_3, %add3A_294 : vector<16xi32>
      %swap3A_296 = arith.constant 12 : i32
      %swap3A_297 = arith.index_cast %swap3A_296 : i32 to index
      %swap3A_298 = arith.constant 0 : index
      %swap3A_299 = tpu.vector_load %arg24[%swap3A_297, %swap3A_298] {strides = array<i32>} : memref<64x16xi32, #tpu.memory_space<vmem>>, vector<16xi32>,
      tpu.vector_store %arg24[%swap3A_297, %swap3A_298], %add3A_295 {strides = array<i32>} : memref<64x16xi32, #tpu.memory_space<vmem>>, vector<16xi32>,
      %add3A_300 = arith.constant 640 : i32
      %add3A_301 = vector.broadcast %add3A_300 : i32 to vector<16xi32>
      %add3A_302 = arith.addi %mul3A_3, %add3A_301 : vector<16xi32>
      %swap3A_303 = arith.constant 13 : i32
      %swap3A_304 = arith.index_cast %swap3A_303 : i32 to index
      %swap3A_305 = arith.constant 0 : index
      %swap3A_306 = tpu.vector_load %arg24[%swap3A_304, %swap3A_305] {strides = array<i32>} : memref<64x16xi32, #tpu.memory_space<vmem>>, vector<16xi32>,
      tpu.vector_store %arg24[%swap3A_304, %swap3A_305], %add3A_302 {strides = array<i32>} : memref<64x16xi32, #tpu.memory_space<vmem>>, vector<16xi32>,
      %add3A_307 = arith.constant 640 : i32
      %add3A_308 = vector.broadcast %add3A_307 : i32 to vector<16xi32>
      %add3A_309 = arith.addi %mul3A_3, %add3A_308 : vector<16xi32>
      %swap3A_310 = arith.constant 14 : i32
      %swap3A_311 = arith.index_cast %swap3A_310 : i32 to index
      %swap3A_312 = arith.constant 0 : index
      %swap3A_313 = tpu.vector_load %arg24[%swap3A_311, %swap3A_312] {strides = array<i32>} : memref<64x16xi32, #tpu.memory_space<vmem>>, vector<16xi32>,
      tpu.vector_store %arg24[%swap3A_311, %swap3A_312], %add3A_309 {strides = array<i32>} : memref<64x16xi32, #tpu.memory_space<vmem>>, vector<16xi32>,
      %add3A_314 = arith.constant 640 : i32
      %add3A_315 = vector.broadcast %add3A_314 : i32 to vector<16xi32>
      %add3A_316 = arith.addi %mul3A_3, %add3A_315 : vector<16xi32>
      %swap3A_317 = arith.constant 15 : i32
      %swap3A_318 = arith.index_cast %swap3A_317 : i32 to index
      %swap3A_319 = arith.constant 0 : index
      %swap3A_320 = tpu.vector_load %arg24[%swap3A_318, %swap3A_319] {strides = array<i32>} : memref<64x16xi32, #tpu.memory_space<vmem>>, vector<16xi32>,
      tpu.vector_store %arg24[%swap3A_318, %swap3A_319], %add3A_316 {strides = array<i32>} : memref<64x16xi32, #tpu.memory_space<vmem>>, vector<16xi32>,
      %add3A_321 = arith.constant 640 : i32
      %add3A_322 = vector.broadcast %add3A_321 : i32 to vector<16xi32>
      %add3A_323 = arith.addi %mul3A_3, %add3A_322 : vector<16xi32>
      %swap3A_324 = arith.constant 16 : i32
      %swap3A_325 = arith.index_cast %swap3A_324 : i32 to index
      %swap3A_326 = arith.constant 0 : index
      %swap3A_327 = tpu.vector_load %arg24[%swap3A_325, %swap3A_326] {strides = array<i32>} : memref<64x16xi32, #tpu.memory_space<vmem>>, vector<16xi32>,
      tpu.vector_store %arg24[%swap3A_325, %swap3A_326], %add3A_323 {strides = array<i32>} : memref<64x16xi32, #tpu.memory_space<vmem>>, vector<16xi32>,
      %add3A_328 = arith.constant 640 : i32
      %add3A_329 = vector.broadcast %add3A_328 : i32 to vector<16xi32>
      %add3A_330 = arith.addi %mul3A_3, %add3A_329 : vector<16xi32>
      %swap3A_331 = arith.constant 17 : i32
      %swap3A_332 = arith.index_cast %swap3A_331 : i32 to index
      %swap3A_333 = arith.constant 0 : index
      %swap3A_334 = tpu.vector_load %arg24[%swap3A_332, %swap3A_333] {strides = array<i32>} : memref<64x16xi32, #tpu.memory_space<vmem>>, vector<16xi32>,
      tpu.vector_store %arg24[%swap3A_332, %swap3A_333], %add3A_330 {strides = array<i32>} : memref<64x16xi32, #tpu.memory_space<vmem>>, vector<16xi32>,
      %add3A_335 = arith.constant 640 : i32
      %add3A_336 = vector.broadcast %add3A_335 : i32 to vector<16xi32>
      %add3A_337 = arith.addi %mul3A_3, %add3A_336 : vector<16xi32>
      %swap3A_338 = arith.constant 18 : i32
      %swap3A_339 = arith.index_cast %swap3A_338 : i32 to index
      %swap3A_340 = arith.constant 0 : index
      %swap3A_341 = tpu.vector_load %arg24[%swap3A_339, %swap3A_340] {strides = array<i32>} : memref<64x16xi32, #tpu.memory_space<vmem>>, vector<16xi32>,
      tpu.vector_store %arg24[%swap3A_339, %swap3A_340], %add3A_337 {strides = array<i32>} : memref<64x16xi32, #tpu.memory_space<vmem>>, vector<16xi32>,
      %add3A_342 = arith.constant 640 : i32
      %add3A_343 = vector.broadcast %add3A_342 : i32 to vector<16xi32>
      %add3A_344 = arith.addi %mul3A_3, %add3A_343 : vector<16xi32>
      %swap3A_345 = arith.constant 19 : i32
      %swap3A_346 = arith.index_cast %swap3A_345 : i32 to index
      %swap3A_347 = arith.constant 0 : index
      %swap3A_348 = tpu.vector_load %arg24[%swap3A_346, %swap3A_347] {strides = array<i32>} : memref<64x16xi32, #tpu.memory_space<vmem>>, vector<16xi32>,
      tpu.vector_store %arg24[%swap3A_346, %swap3A_347], %add3A_344 {strides = array<i32>} : memref<64x16xi32, #tpu.memory_space<vmem>>, vector<16xi32>,
      %add3A_349 = arith.constant 640 : i32
      %add3A_350 = vector.broadcast %add3A_349 : i32 to vector<16xi32>
      %add3A_351 = arith.addi %mul3A_3, %add3A_350 : vector<16xi32>
      %swap3A_352 = arith.constant 20 : i32
      %swap3A_353 = arith.index_cast %swap3A_352 : i32 to index
      %swap3A_354 = arith.constant 0 : index
      %swap3A_355 = tpu.vector_load %arg24[%swap3A_353, %swap3A_354] {strides = array<i32>} : memref<64x16xi32, #tpu.memory_space<vmem>>, vector<16xi32>,
      tpu.vector_store %arg24[%swap3A_353, %swap3A_354], %add3A_351 {strides = array<i32>} : memref<64x16xi32, #tpu.memory_space<vmem>>, vector<16xi32>,
      %add3A_356 = arith.constant 640 : i32
      %add3A_357 = vector.broadcast %add3A_356 : i32 to vector<16xi32>
      %add3A_358 = arith.addi %mul3A_3, %add3A_357 : vector<16xi32>
      %swap3A_359 = arith.constant 21 : i32
      %swap3A_360 = arith.index_cast %swap3A_359 : i32 to index
      %swap3A_361 = arith.constant 0 : index
      %swap3A_362 = tpu.vector_load %arg24[%swap3A_360, %swap3A_361] {strides = array<i32>} : memref<64x16xi32, #tpu.memory_space<vmem>>, vector<16xi32>,
      tpu.vector_store %arg24[%swap3A_360, %swap3A_361], %add3A_358 {strides = array<i32>} : memref<64x16xi32, #tpu.memory_space<vmem>>, vector<16xi32>,
      %add3A_363 = arith.constant 640 : i32
      %add3A_364 = vector.broadcast %add3A_363 : i32 to vector<16xi32>
      %add3A_365 = arith.addi %mul3A_3, %add3A_364 : vector<16xi32>
      %swap3A_366 = arith.constant 22 : i32
      %swap3A_367 = arith.index_cast %swap3A_366 : i32 to index
      %swap3A_368 = arith.constant 0 : index
      %swap3A_369 = tpu.vector_load %arg24[%swap3A_367, %swap3A_368] {strides = array<i32>} : memref<64x16xi32, #tpu.memory_space<vmem>>, vector<16xi32>,
      tpu.vector_store %arg24[%swap3A_367, %swap3A_368], %add3A_365 {strides = array<i32>} : memref<64x16xi32, #tpu.memory_space<vmem>>, vector<16xi32>,
      %add3A_370 = arith.constant 640 : i32
      %add3A_371 = vector.broadcast %add3A_370 : i32 to vector<16xi32>
      %add3A_372 = arith.addi %mul3A_3, %add3A_371 : vector<16xi32>
      %swap3A_373 = arith.constant 23 : i32
      %swap3A_374 = arith.index_cast %swap3A_373 : i32 to index
      %swap3A_375 = arith.constant 0 : index
      %swap3A_376 = tpu.vector_load %arg24[%swap3A_374, %swap3A_375] {strides = array<i32>} : memref<64x16xi32, #tpu.memory_space<vmem>>, vector<16xi32>,
      tpu.vector_store %arg24[%swap3A_374, %swap3A_375], %add3A_372 {strides = array<i32>} : memref<64x16xi32, #tpu.memory_space<vmem>>, vector<16xi32>,
      %add3A_377 = arith.constant 640 : i32
      %add3A_378 = vector.broadcast %add3A_377 : i32 to vector<16xi32>
      %add3A_379 = arith.addi %mul3A_3, %add3A_378 : vector<16xi32>
      %swap3A_380 = arith.constant 24 : i32
      %swap3A_381 = arith.index_cast %swap3A_380 : i32 to index
      %swap3A_382 = arith.constant 0 : index
      %swap3A_383 = tpu.vector_load %arg24[%swap3A_381, %swap3A_382] {strides = array<i32>} : memref<64x16xi32, #tpu.memory_space<vmem>>, vector<16xi32>,
      tpu.vector_store %arg24[%swap3A_381, %swap3A_382], %add3A_379 {strides = array<i32>} : memref<64x16xi32, #tpu.memory_space<vmem>>, vector<16xi32>,
      %add3A_384 = arith.constant 640 : i32
      %add3A_385 = vector.broadcast %add3A_384 : i32 to vector<16xi32>
      %add3A_386 = arith.addi %mul3A_3, %add3A_385 : vector<16xi32>
      %swap3A_387 = arith.constant 25 : i32
      %swap3A_388 = arith.index_cast %swap3A_387 : i32 to index
      %swap3A_389 = arith.constant 0 : index
      %swap3A_390 = tpu.vector_load %arg24[%swap3A_388, %swap3A_389] {strides = array<i32>} : memref<64x16xi32, #tpu.memory_space<vmem>>, vector<16xi32>,
      tpu.vector_store %arg24[%swap3A_388, %swap3A_389], %add3A_386 {strides = array<i32>} : memref<64x16xi32, #tpu.memory_space<vmem>>, vector<16xi32>,
      %add3A_391 = arith.constant 640 : i32
      %add3A_392 = vector.broadcast %add3A_391 : i32 to vector<16xi32>
      %add3A_393 = arith.addi %mul3A_3, %add3A_392 : vector<16xi32>
      %swap3A_394 = arith.constant 26 : i32
      %swap3A_395 = arith.index_cast %swap3A_394 : i32 to index
      %swap3A_396 = arith.constant 0 : index
      %swap3A_397 = tpu.vector_load %arg24[%swap3A_395, %swap3A_396] {strides = array<i32>} : memref<64x16xi32, #tpu.memory_space<vmem>>, vector<16xi32>,
      tpu.vector_store %arg24[%swap3A_395, %swap3A_396], %add3A_393 {strides = array<i32>} : memref<64x16xi32, #tpu.memory_space<vmem>>, vector<16xi32>,
      %add3A_398 = arith.constant 640 : i32
      %add3A_399 = vector.broadcast %add3A_398 : i32 to vector<16xi32>
      %add3A_400 = arith.addi %mul3A_3, %add3A_399 : vector<16xi32>
      %swap3A_401 = arith.constant 27 : i32
      %swap3A_402 = arith.index_cast %swap3A_401 : i32 to index
      %swap3A_403 = arith.constant 0 : index
      %swap3A_404 = tpu.vector_load %arg24[%swap3A_402, %swap3A_403] {strides = array<i32>} : memref<64x16xi32, #tpu.memory_space<vmem>>, vector<16xi32>,
      tpu.vector_store %arg24[%swap3A_402, %swap3A_403], %add3A_400 {strides = array<i32>} : memref<64x16xi32, #tpu.memory_space<vmem>>, vector<16xi32>,
      %add3A_405 = arith.constant 640 : i32
      %add3A_406 = vector.broadcast %add3A_405 : i32 to vector<16xi32>
      %add3A_407 = arith.addi %mul3A_3, %add3A_406 : vector<16xi32>
      %swap3A_408 = arith.constant 28 : i32
      %swap3A_409 = arith.index_cast %swap3A_408 : i32 to index
      %swap3A_410 = arith.constant 0 : index
      %swap3A_411 = tpu.vector_load %arg24[%swap3A_409, %swap3A_410] {strides = array<i32>} : memref<64x16xi32, #tpu.memory_space<vmem>>, vector<16xi32>,
      tpu.vector_store %arg24[%swap3A_409, %swap3A_410], %add3A_407 {strides = array<i32>} : memref<64x16xi32, #tpu.memory_space<vmem>>, vector<16xi32>,
      %add3A_412 = arith.constant 640 : i32
      %add3A_413 = vector.broadcast %add3A_412 : i32 to vector<16xi32>
      %add3A_414 = arith.addi %mul3A_3, %add3A_413 : vector<16xi32>
      %swap3A_415 = arith.constant 29 : i32
      %swap3A_416 = arith.index_cast %swap3A_415 : i32 to index
      %swap3A_417 = arith.constant 0 : index
      %swap3A_418 = tpu.vector_load %arg24[%swap3A_416, %swap3A_417] {strides = array<i32>} : memref<64x16xi32, #tpu.memory_space<vmem>>, vector<16xi32>,
      tpu.vector_store %arg24[%swap3A_416, %swap3A_417], %add3A_414 {strides = array<i32>} : memref<64x16xi32, #tpu.memory_space<vmem>>, vector<16xi32>,
      %add3A_419 = arith.constant 640 : i32
      %add3A_420 = vector.broadcast %add3A_419 : i32 to vector<16xi32>
      %add3A_421 = arith.addi %mul3A_3, %add3A_420 : vector<16xi32>
      %swap3A_422 = arith.constant 30 : i32
      %swap3A_423 = arith.index_cast %swap3A_422 : i32 to index
      %swap3A_424 = arith.constant 0 : index
      %swap3A_425 = tpu.vector_load %arg24[%swap3A_423, %swap3A_424] {strides = array<i32>} : memref<64x16xi32, #tpu.memory_space<vmem>>, vector<16xi32>,
      tpu.vector_store %arg24[%swap3A_423, %swap3A_424], %add3A_421 {strides = array<i32>} : memref<64x16xi32, #tpu.memory_space<vmem>>, vector<16xi32>,
      %add3A_426 = arith.constant 640 : i32
      %add3A_427 = vector.broadcast %add3A_426 : i32 to vector<16xi32>
      %add3A_428 = arith.addi %mul3A_3, %add3A_427 : vector<16xi32>
      %swap3A_429 = arith.constant 31 : i32
      %swap3A_430 = arith.index_cast %swap3A_429 : i32 to index
      %swap3A_431 = arith.constant 0 : index
      %swap3A_432 = tpu.vector_load %arg24[%swap3A_430, %swap3A_431] {strides = array<i32>} : memref<64x16xi32, #tpu.memory_space<vmem>>, vector<16xi32>,
      tpu.vector_store %arg24[%swap3A_430, %swap3A_431], %add3A_428 {strides = array<i32>} : memref<64x16xi32, #tpu.memory_space<vmem>>, vector<16xi32>,
      %add3A_433 = arith.constant 640 : i32
      %add3A_434 = vector.broadcast %add3A_433 : i32 to vector<16xi32>
      %add3A_435 = arith.addi %mul3A_3, %add3A_434 : vector<16xi32>
      %swap3A_436 = arith.constant 32 : i32
      %swap3A_437 = arith.index_cast %swap3A_436 : i32 to index
      %swap3A_438 = arith.constant 0 : index
      %swap3A_439 = tpu.vector_load %arg24[%swap3A_437, %swap3A_438] {strides = array<i32>} : memref<64x16xi32, #tpu.memory_space<vmem>>, vector<16xi32>,
      tpu.vector_store %arg24[%swap3A_437, %swap3A_438], %add3A_435 {strides = array<i32>} : memref<64x16xi32, #tpu.memory_space<vmem>>, vector<16xi32>,
      %add3A_440 = arith.constant 640 : i32
      %add3A_441 = vector.broadcast %add3A_440 : i32 to vector<16xi32>
      %add3A_442 = arith.addi %mul3A_3, %add3A_441 : vector<16xi32>
      %swap3A_443 = arith.constant 33 : i32
      %swap3A_444 = arith.index_cast %swap3A_443 : i32 to index
      %swap3A_445 = arith.constant 0 : index
      %swap3A_446 = tpu.vector_load %arg24[%swap3A_444, %swap3A_445] {strides = array<i32>} : memref<64x16xi32, #tpu.memory_space<vmem>>, vector<16xi32>,
      tpu.vector_store %arg24[%swap3A_444, %swap3A_445], %add3A_442 {strides = array<i32>} : memref<64x16xi32, #tpu.memory_space<vmem>>, vector<16xi32>,
      %add3A_447 = arith.constant 640 : i32
      %add3A_448 = vector.broadcast %add3A_447 : i32 to vector<16xi32>
      %add3A_449 = arith.addi %mul3A_3, %add3A_448 : vector<16xi32>
      %swap3A_450 = arith.constant 34 : i32
      %swap3A_451 = arith.index_cast %swap3A_450 : i32 to index
      %swap3A_452 = arith.constant 0 : index
      %swap3A_453 = tpu.vector_load %arg24[%swap3A_451, %swap3A_452] {strides = array<i32>} : memref<64x16xi32, #tpu.memory_space<vmem>>, vector<16xi32>,
      tpu.vector_store %arg24[%swap3A_451, %swap3A_452], %add3A_449 {strides = array<i32>} : memref<64x16xi32, #tpu.memory_space<vmem>>, vector<16xi32>,
      %add3A_454 = arith.constant 640 : i32
      %add3A_455 = vector.broadcast %add3A_454 : i32 to vector<16xi32>
      %add3A_456 = arith.addi %mul3A_3, %add3A_455 : vector<16xi32>
      %swap3A_457 = arith.constant 35 : i32
      %swap3A_458 = arith.index_cast %swap3A_457 : i32 to index
      %swap3A_459 = arith.constant 0 : index
      %swap3A_460 = tpu.vector_load %arg24[%swap3A_458, %swap3A_459] {strides = array<i32>} : memref<64x16xi32, #tpu.memory_space<vmem>>, vector<16xi32>,
      tpu.vector_store %arg24[%swap3A_458, %swap3A_459], %add3A_456 {strides = array<i32>} : memref<64x16xi32, #tpu.memory_space<vmem>>, vector<16xi32>,
      %add3A_461 = arith.constant 640 : i32
      %add3A_462 = vector.broadcast %add3A_461 : i32 to vector<16xi32>
      %add3A_463 = arith.addi %mul3A_3, %add3A_462 : vector<16xi32>
      %swap3A_464 = arith.constant 36 : i32
      %swap3A_465 = arith.index_cast %swap3A_464 : i32 to index
      %swap3A_466 = arith.constant 0 : index
      %swap3A_467 = tpu.vector_load %arg24[%swap3A_465, %swap3A_466] {strides = array<i32>} : memref<64x16xi32, #tpu.memory_space<vmem>>, vector<16xi32>,
      tpu.vector_store %arg24[%swap3A_465, %swap3A_466], %add3A_463 {strides = array<i32>} : memref<64x16xi32, #tpu.memory_space<vmem>>, vector<16xi32>,
      %add3A_468 = arith.constant 640 : i32
      %add3A_469 = vector.broadcast %add3A_468 : i32 to vector<16xi32>
      %add3A_470 = arith.addi %mul3A_3, %add3A_469 : vector<16xi32>
      %swap3A_471 = arith.constant 37 : i32
      %swap3A_472 = arith.index_cast %swap3A_471 : i32 to index
      %swap3A_473 = arith.constant 0 : index
      %swap3A_474 = tpu.vector_load %arg24[%swap3A_472, %swap3A_473] {strides = array<i32>} : memref<64x16xi32, #tpu.memory_space<vmem>>, vector<16xi32>,
      tpu.vector_store %arg24[%swap3A_472, %swap3A_473], %add3A_470 {strides = array<i32>} : memref<64x16xi32, #tpu.memory_space<vmem>>, vector<16xi32>,
      %add3A_475 = arith.constant 640 : i32
      %add3A_476 = vector.broadcast %add3A_475 : i32 to vector<16xi32>
      %add3A_477 = arith.addi %mul3A_3, %add3A_476 : vector<16xi32>
      %swap3A_478 = arith.constant 38 : i32
      %swap3A_479 = arith.index_cast %swap3A_478 : i32 to index
      %swap3A_480 = arith.constant 0 : index
      %swap3A_481 = tpu.vector_load %arg24[%swap3A_479, %swap3A_480] {strides = array<i32>} : memref<64x16xi32, #tpu.memory_space<vmem>>, vector<16xi32>,
      tpu.vector_store %arg24[%swap3A_479, %swap3A_480], %add3A_477 {strides = array<i32>} : memref<64x16xi32, #tpu.memory_space<vmem>>, vector<16xi32>,
      %add3A_482 = arith.constant 640 : i32
      %add3A_483 = vector.broadcast %add3A_482 : i32 to vector<16xi32>
      %add3A_484 = arith.addi %mul3A_3, %add3A_483 : vector<16xi32>
      %swap3A_485 = arith.constant 39 : i32
      %swap3A_486 = arith.index_cast %swap3A_485 : i32 to index
      %swap3A_487 = arith.constant 0 : index
      %swap3A_488 = tpu.vector_load %arg24[%swap3A_486, %swap3A_487] {strides = array<i32>} : memref<64x16xi32, #tpu.memory_space<vmem>>, vector<16xi32>,
      tpu.vector_store %arg24[%swap3A_486, %swap3A_487], %add3A_484 {strides = array<i32>} : memref<64x16xi32, #tpu.memory_space<vmem>>, vector<16xi32>,
      %add3A_489 = arith.constant 640 : i32
      %add3A_490 = vector.broadcast %add3A_489 : i32 to vector<16xi32>
      %add3A_491 = arith.addi %mul3A_3, %add3A_490 : vector<16xi32>
      %swap3A_492 = arith.constant 40 : i32
      %swap3A_493 = arith.index_cast %swap3A_492 : i32 to index
      %swap3A_494 = arith.constant 0 : index
      %swap3A_495 = tpu.vector_load %arg24[%swap3A_493, %swap3A_494] {strides = array<i32>} : memref<64x16xi32, #tpu.memory_space<vmem>>, vector<16xi32>,
      tpu.vector_store %arg24[%swap3A_493, %swap3A_494], %add3A_491 {strides = array<i32>} : memref<64x16xi32, #tpu.memory_space<vmem>>, vector<16xi32>,
      %add3A_496 = arith.constant 640 : i32
      %add3A_497 = vector.broadcast %add3A_496 : i32 to vector<16xi32>
      %add3A_498 = arith.addi %mul3A_3, %add3A_497 : vector<16xi32>
      %swap3A_499 = arith.constant 41 : i32
      %swap3A_500 = arith.index_cast %swap3A_499 : i32 to index
      %swap3A_501 = arith.constant 0 : index
      %swap3A_502 = tpu.vector_load %arg24[%swap3A_500, %swap3A_501] {strides = array<i32>} : memref<64x16xi32, #tpu.memory_space<vmem>>, vector<16xi32>,
      tpu.vector_store %arg24[%swap3A_500, %swap3A_501], %add3A_498 {strides = array<i32>} : memref<64x16xi32, #tpu.memory_space<vmem>>, vector<16xi32>,
      %add3A_503 = arith.constant 640 : i32
      %add3A_504 = vector.broadcast %add3A_503 : i32 to vector<16xi32>
      %add3A_505 = arith.addi %mul3A_3, %add3A_504 : vector<16xi32>
      %swap3A_506 = arith.constant 42 : i32
      %swap3A_507 = arith.index_cast %swap3A_506 : i32 to index
      %swap3A_508 = arith.constant 0 : index
      %swap3A_509 = tpu.vector_load %arg24[%swap3A_507, %swap3A_508] {strides = array<i32>} : memref<64x16xi32, #tpu.memory_space<vmem>>, vector<16xi32>,
      tpu.vector_store %arg24[%swap3A_507, %swap3A_508], %add3A_505 {strides = array<i32>} : memref<64x16xi32, #tpu.memory_space<vmem>>, vector<16xi32>,
      %add3A_510 = arith.constant 640 : i32
      %add3A_511 = vector.broadcast %add3A_510 : i32 to vector<16xi32>
      %add3A_512 = arith.addi %mul3A_3, %add3A_511 : vector<16xi32>
      %swap3A_513 = arith.constant 43 : i32
      %swap3A_514 = arith.index_cast %swap3A_513 : i32 to index
      %swap3A_515 = arith.constant 0 : index
      %swap3A_516 = tpu.vector_load %arg24[%swap3A_514, %swap3A_515] {strides = array<i32>} : memref<64x16xi32, #tpu.memory_space<vmem>>, vector<16xi32>,
      tpu.vector_store %arg24[%swap3A_514, %swap3A_515], %add3A_512 {strides = array<i32>} : memref<64x16xi32, #tpu.memory_space<vmem>>, vector<16xi32>,
      %add3A_517 = arith.constant 640 : i32
      %add3A_518 = vector.broadcast %add3A_517 : i32 to vector<16xi32>
      %add3A_519 = arith.addi %mul3A_3, %add3A_518 : vector<16xi32>
      %swap3A_520 = arith.constant 44 : i32
      %swap3A_521 = arith.index_cast %swap3A_520 : i32 to index
      %swap3A_522 = arith.constant 0 : index
      %swap3A_523 = tpu.vector_load %arg24[%swap3A_521, %swap3A_522] {strides = array<i32>} : memref<64x16xi32, #tpu.memory_space<vmem>>, vector<16xi32>,
      tpu.vector_store %arg24[%swap3A_521, %swap3A_522], %add3A_519 {strides = array<i32>} : memref<64x16xi32, #tpu.memory_space<vmem>>, vector<16xi32>,
      %add3A_524 = arith.constant 640 : i32
      %add3A_525 = vector.broadcast %add3A_524 : i32 to vector<16xi32>
      %add3A_526 = arith.addi %mul3A_3, %add3A_525 : vector<16xi32>
      %swap3A_527 = arith.constant 45 : i32
      %swap3A_528 = arith.index_cast %swap3A_527 : i32 to index
      %swap3A_529 = arith.constant 0 : index
      %swap3A_530 = tpu.vector_load %arg24[%swap3A_528, %swap3A_529] {strides = array<i32>} : memref<64x16xi32, #tpu.memory_space<vmem>>, vector<16xi32>,
      tpu.vector_store %arg24[%swap3A_528, %swap3A_529], %add3A_526 {strides = array<i32>} : memref<64x16xi32, #tpu.memory_space<vmem>>, vector<16xi32>,
      %add3A_531 = arith.constant 640 : i32
      %add3A_532 = vector.broadcast %add3A_531 : i32 to vector<16xi32>
      %add3A_533 = arith.addi %mul3A_3, %add3A_532 : vector<16xi32>
      %swap3A_534 = arith.constant 46 : i32
      %swap3A_535 = arith.index_cast %swap3A_534 : i32 to index
      %swap3A_536 = arith.constant 0 : index
      %swap3A_537 = tpu.vector_load %arg24[%swap3A_535, %swap3A_536] {strides = array<i32>} : memref<64x16xi32, #tpu.memory_space<vmem>>, vector<16xi32>,
      tpu.vector_store %arg24[%swap3A_535, %swap3A_536], %add3A_533 {strides = array<i32>} : memref<64x16xi32, #tpu.memory_space<vmem>>, vector<16xi32>,
      %add3A_538 = arith.constant 640 : i32
      %add3A_539 = vector.broadcast %add3A_538 : i32 to vector<16xi32>
      %add3A_540 = arith.addi %mul3A_3, %add3A_539 : vector<16xi32>
      %swap3A_541 = arith.constant 47 : i32
      %swap3A_542 = arith.index_cast %swap3A_541 : i32 to index
      %swap3A_543 = arith.constant 0 : index
      %swap3A_544 = tpu.vector_load %arg24[%swap3A_542, %swap3A_543] {strides = array<i32>} : memref<64x16xi32, #tpu.memory_space<vmem>>, vector<16xi32>,
      tpu.vector_store %arg24[%swap3A_542, %swap3A_543], %add3A_540 {strides = array<i32>} : memref<64x16xi32, #tpu.memory_space<vmem>>, vector<16xi32>,
      %add3A_545 = arith.constant 640 : i32
      %add3A_546 = vector.broadcast %add3A_545 : i32 to vector<16xi32>
      %add3A_547 = arith.addi %mul3A_3, %add3A_546 : vector<16xi32>
      %swap3A_548 = arith.constant 48 : i32
      %swap3A_549 = arith.index_cast %swap3A_548 : i32 to index
      %swap3A_550 = arith.constant 0 : index
      %swap3A_551 = tpu.vector_load %arg24[%swap3A_549, %swap3A_550] {strides = array<i32>} : memref<64x16xi32, #tpu.memory_space<vmem>>, vector<16xi32>,
      tpu.vector_store %arg24[%swap3A_549, %swap3A_550], %add3A_547 {strides = array<i32>} : memref<64x16xi32, #tpu.memory_space<vmem>>, vector<16xi32>,
      %add3A_552 = arith.constant 640 : i32
      %add3A_553 = vector.broadcast %add3A_552 : i32 to vector<16xi32>
      %add3A_554 = arith.addi %mul3A_3, %add3A_553 : vector<16xi32>
      %swap3A_555 = arith.constant 49 : i32
      %swap3A_556 = arith.index_cast %swap3A_555 : i32 to index
      %swap3A_557 = arith.constant 0 : index
      %swap3A_558 = tpu.vector_load %arg24[%swap3A_556, %swap3A_557] {strides = array<i32>} : memref<64x16xi32, #tpu.memory_space<vmem>>, vector<16xi32>,
      tpu.vector_store %arg24[%swap3A_556, %swap3A_557], %add3A_554 {strides = array<i32>} : memref<64x16xi32, #tpu.memory_space<vmem>>, vector<16xi32>,
      %add3A_559 = arith.constant 640 : i32
      %add3A_560 = vector.broadcast %add3A_559 : i32 to vector<16xi32>
      %add3A_561 = arith.addi %mul3A_3, %add3A_560 : vector<16xi32>
      %swap3A_562 = arith.constant 50 : i32
      %swap3A_563 = arith.index_cast %swap3A_562 : i32 to index
      %swap3A_564 = arith.constant 0 : index
      %swap3A_565 = tpu.vector_load %arg24[%swap3A_563, %swap3A_564] {strides = array<i32>} : memref<64x16xi32, #tpu.memory_space<vmem>>, vector<16xi32>,
      tpu.vector_store %arg24[%swap3A_563, %swap3A_564], %add3A_561 {strides = array<i32>} : memref<64x16xi32, #tpu.memory_space<vmem>>, vector<16xi32>,
      %add3A_566 = arith.constant 640 : i32
      %add3A_567 = vector.broadcast %add3A_566 : i32 to vector<16xi32>
      %add3A_568 = arith.addi %mul3A_3, %add3A_567 : vector<16xi32>
      %swap3A_569 = arith.constant 51 : i32
      %swap3A_570 = arith.index_cast %swap3A_569 : i32 to index
      %swap3A_571 = arith.constant 0 : index
      %swap3A_572 = tpu.vector_load %arg24[%swap3A_570, %swap3A_571] {strides = array<i32>} : memref<64x16xi32, #tpu.memory_space<vmem>>, vector<16xi32>,
      tpu.vector_store %arg24[%swap3A_570, %swap3A_571], %add3A_568 {strides = array<i32>} : memref<64x16xi32, #tpu.memory_space<vmem>>, vector<16xi32>,
      %add3A_573 = arith.constant 640 : i32
      %add3A_574 = vector.broadcast %add3A_573 : i32 to vector<16xi32>
      %add3A_575 = arith.addi %mul3A_3, %add3A_574 : vector<16xi32>
      %swap3A_576 = arith.constant 52 : i32
      %swap3A_577 = arith.index_cast %swap3A_576 : i32 to index
      %swap3A_578 = arith.constant 0 : index
      %swap3A_579 = tpu.vector_load %arg24[%swap3A_577, %swap3A_578] {strides = array<i32>} : memref<64x16xi32, #tpu.memory_space<vmem>>, vector<16xi32>,
      tpu.vector_store %arg24[%swap3A_577, %swap3A_578], %add3A_575 {strides = array<i32>} : memref<64x16xi32, #tpu.memory_space<vmem>>, vector<16xi32>,
      %add3A_580 = arith.constant 640 : i32
      %add3A_581 = vector.broadcast %add3A_580 : i32 to vector<16xi32>
      %add3A_582 = arith.addi %mul3A_3, %add3A_581 : vector<16xi32>
      %swap3A_583 = arith.constant 53 : i32
      %swap3A_584 = arith.index_cast %swap3A_583 : i32 to index
      %swap3A_585 = arith.constant 0 : index
      %swap3A_586 = tpu.vector_load %arg24[%swap3A_584, %swap3A_585] {strides = array<i32>} : memref<64x16xi32, #tpu.memory_space<vmem>>, vector<16xi32>,
      tpu.vector_store %arg24[%swap3A_584, %swap3A_585], %add3A_582 {strides = array<i32>} : memref<64x16xi32, #tpu.memory_space<vmem>>, vector<16xi32>,
      %add3A_587 = arith.constant 640 : i32
      %add3A_588 = vector.broadcast %add3A_587 : i32 to vector<16xi32>
      %add3A_589 = arith.addi %mul3A_3, %add3A_588 : vector<16xi32>
      %swap3A_590 = arith.constant 54 : i32
      %swap3A_591 = arith.index_cast %swap3A_590 : i32 to index
      %swap3A_592 = arith.constant 0 : index
      %swap3A_593 = tpu.vector_load %arg24[%swap3A_591, %swap3A_592] {strides = array<i32>} : memref<64x16xi32, #tpu.memory_space<vmem>>, vector<16xi32>,
      tpu.vector_store %arg24[%swap3A_591, %swap3A_592], %add3A_589 {strides = array<i32>} : memref<64x16xi32, #tpu.memory_space<vmem>>, vector<16xi32>,
      %add3A_594 = arith.constant 640 : i32
      %add3A_595 = vector.broadcast %add3A_594 : i32 to vector<16xi32>
      %add3A_596 = arith.addi %mul3A_3, %add3A_595 : vector<16xi32>
      %swap3A_597 = arith.constant 55 : i32
      %swap3A_598 = arith.index_cast %swap3A_597 : i32 to index
      %swap3A_599 = arith.constant 0 : index
      %swap3A_600 = tpu.vector_load %arg24[%swap3A_598, %swap3A_599] {strides = array<i32>} : memref<64x16xi32, #tpu.memory_space<vmem>>, vector<16xi32>,
      tpu.vector_store %arg24[%swap3A_598, %swap3A_599], %add3A_596 {strides = array<i32>} : memref<64x16xi32, #tpu.memory_space<vmem>>, vector<16xi32>,
      %add3A_601 = arith.constant 640 : i32
      %add3A_602 = vector.broadcast %add3A_601 : i32 to vector<16xi32>
      %add3A_603 = arith.addi %mul3A_3, %add3A_602 : vector<16xi32>
      %swap3A_604 = arith.constant 56 : i32
      %swap3A_605 = arith.index_cast %swap3A_604 : i32 to index
      %swap3A_606 = arith.constant 0 : index
      %swap3A_607 = tpu.vector_load %arg24[%swap3A_605, %swap3A_606] {strides = array<i32>} : memref<64x16xi32, #tpu.memory_space<vmem>>, vector<16xi32>,
      tpu.vector_store %arg24[%swap3A_605, %swap3A_606], %add3A_603 {strides = array<i32>} : memref<64x16xi32, #tpu.memory_space<vmem>>, vector<16xi32>,
      %add3A_608 = arith.constant 640 : i32
      %add3A_609 = vector.broadcast %add3A_608 : i32 to vector<16xi32>
      %add3A_610 = arith.addi %mul3A_3, %add3A_609 : vector<16xi32>
      %swap3A_611 = arith.constant 57 : i32
      %swap3A_612 = arith.index_cast %swap3A_611 : i32 to index
      %swap3A_613 = arith.constant 0 : index
      %swap3A_614 = tpu.vector_load %arg24[%swap3A_612, %swap3A_613] {strides = array<i32>} : memref<64x16xi32, #tpu.memory_space<vmem>>, vector<16xi32>,
      tpu.vector_store %arg24[%swap3A_612, %swap3A_613], %add3A_610 {strides = array<i32>} : memref<64x16xi32, #tpu.memory_space<vmem>>, vector<16xi32>,
      %add3A_615 = arith.constant 640 : i32
      %add3A_616 = vector.broadcast %add3A_615 : i32 to vector<16xi32>
      %add3A_617 = arith.addi %mul3A_3, %add3A_616 : vector<16xi32>
      %swap3A_618 = arith.constant 58 : i32
      %swap3A_619 = arith.index_cast %swap3A_618 : i32 to index
      %swap3A_620 = arith.constant 0 : index
      %swap3A_621 = tpu.vector_load %arg24[%swap3A_619, %swap3A_620] {strides = array<i32>} : memref<64x16xi32, #tpu.memory_space<vmem>>, vector<16xi32>,
      tpu.vector_store %arg24[%swap3A_619, %swap3A_620], %add3A_617 {strides = array<i32>} : memref<64x16xi32, #tpu.memory_space<vmem>>, vector<16xi32>,
      %add3A_622 = arith.constant 640 : i32
      %add3A_623 = vector.broadcast %add3A_622 : i32 to vector<16xi32>
      %add3A_624 = arith.addi %mul3A_3, %add3A_623 : vector<16xi32>
      %swap3A_625 = arith.constant 59 : i32
      %swap3A_626 = arith.index_cast %swap3A_625 : i32 to index
      %swap3A_627 = arith.constant 0 : index
      %swap3A_628 = tpu.vector_load %arg24[%swap3A_626, %swap3A_627] {strides = array<i32>} : memref<64x16xi32, #tpu.memory_space<vmem>>, vector<16xi32>,
      tpu.vector_store %arg24[%swap3A_626, %swap3A_627], %add3A_624 {strides = array<i32>} : memref<64x16xi32, #tpu.memory_space<vmem>>, vector<16xi32>,
      %add3A_629 = arith.constant 640 : i32
      %add3A_630 = vector.broadcast %add3A_629 : i32 to vector<16xi32>
      %add3A_631 = arith.addi %mul3A_3, %add3A_630 : vector<16xi32>
      %swap3A_632 = arith.constant 60 : i32
      %swap3A_633 = arith.index_cast %swap3A_632 : i32 to index
      %swap3A_634 = arith.constant 0 : index
      %swap3A_635 = tpu.vector_load %arg24[%swap3A_633, %swap3A_634] {strides = array<i32>} : memref<64x16xi32, #tpu.memory_space<vmem>>, vector<16xi32>,
      tpu.vector_store %arg24[%swap3A_633, %swap3A_634], %add3A_631 {strides = array<i32>} : memref<64x16xi32, #tpu.memory_space<vmem>>, vector<16xi32>,
      %add3A_636 = arith.constant 640 : i32
      %add3A_637 = vector.broadcast %add3A_636 : i32 to vector<16xi32>
      %add3A_638 = arith.addi %mul3A_3, %add3A_637 : vector<16xi32>
      %swap3A_639 = arith.constant 61 : i32
      %swap3A_640 = arith.index_cast %swap3A_639 : i32 to index
      %swap3A_641 = arith.constant 0 : index
      %swap3A_642 = tpu.vector_load %arg24[%swap3A_640, %swap3A_641] {strides = array<i32>} : memref<64x16xi32, #tpu.memory_space<vmem>>, vector<16xi32>,
      tpu.vector_store %arg24[%swap3A_640, %swap3A_641], %add3A_638 {strides = array<i32>} : memref<64x16xi32, #tpu.memory_space<vmem>>, vector<16xi32>,
      %add3A_643 = arith.constant 640 : i32
      %add3A_644 = vector.broadcast %add3A_643 : i32 to vector<16xi32>
      %add3A_645 = arith.addi %mul3A_3, %add3A_644 : vector<16xi32>
      %swap3A_646 = arith.constant 62 : i32
      %swap3A_647 = arith.index_cast %swap3A_646 : i32 to index
      %swap3A_648 = arith.constant 0 : index
      %swap3A_649 = tpu.vector_load %arg24[%swap3A_647, %swap3A_648] {strides = array<i32>} : memref<64x16xi32, #tpu.memory_space<vmem>>, vector<16xi32>,
      tpu.vector_store %arg24[%swap3A_647, %swap3A_648], %add3A_645 {strides = array<i32>} : memref<64x16xi32, #tpu.memory_space<vmem>>, vector<16xi32>,
      %add3A_650 = arith.constant 640 : i32
      %add3A_651 = vector.broadcast %add3A_650 : i32 to vector<16xi32>
      %add3A_652 = arith.addi %mul3A_3, %add3A_651 : vector<16xi32>
      %swap3A_653 = arith.constant 63 : i32
      %swap3A_654 = arith.index_cast %swap3A_653 : i32 to index
      %swap3A_655 = arith.constant 0 : index
      %swap3A_656 = tpu.vector_load %arg24[%swap3A_654, %swap3A_655] {strides = array<i32>} : memref<64x16xi32, #tpu.memory_space<vmem>>, vector<16xi32>,
      tpu.vector_store %arg24[%swap3A_654, %swap3A_655], %add3A_652 {strides = array<i32>} : memref<64x16xi32, #tpu.memory_space<vmem>>, vector<16xi32>,
      %get3A = arith.constant 0 : index
      %get3A_657 = tpu.vector_load %arg23[%get3A] {strides = array<i32>} : memref<704xi32, #tpu.memory_space<vmem>>, vector<16xi32>,
      %gather3A = tpu.vector_load_idx %arg13[%get3A_657] : memref<10240xi32, #tpu.memory_space<vmem>>[vector<16xi32>], vector<16xi32>,
      %add3A_658 = arith.constant 0 : i32
      %add3A_659 = vector.broadcast %add3A_658 : i32 to vector<16xi32>
      %add3A_660 = arith.addi %iota3A, %add3A_659 : vector<16xi32>
      %mul3A_661 = arith.constant 6554 : i32
      %mul3A_662 = vector.broadcast %mul3A_661 : i32 to vector<16xi32>
      %mul3A_663 = arith.muli %add3A_660, %mul3A_662 : vector<16xi32>
      %shift_right_logical3A_664 = arith.constant 16 : i32
      %shift_right_logical3A_665 = vector.broadcast %shift_right_logical3A_664 : i32 to vector<16xi32>
      %shift_right_logical3A_666 = arith.shrui %mul3A_663, %shift_right_logical3A_665 : vector<16xi32>
      %mul3A_667 = arith.constant 10 : i32
      %mul3A_668 = vector.broadcast %mul3A_667 : i32 to vector<16xi32>
      %mul3A_669 = arith.muli %shift_right_logical3A_666, %mul3A_668 : vector<16xi32>
      %sub3A = arith.subi %add3A_660, %mul3A_669 : vector<16xi32>
      tpu.vector_store_idx %arg24[%shift_right_logical3A_666, %sub3A], %gather3A : memref<64x16xi32, #tpu.memory_space<vmem>>[vector<16xi32>, vector<16xi32>], vector<16xi32>,
      %get3A_670 = arith.constant 16 : index
      %get3A_671 = tpu.vector_load %arg23[%get3A_670] {strides = array<i32>} : memref<704xi32, #tpu.memory_space<vmem>>, vector<16xi32>,
      %gather3A_672 = tpu.vector_load_idx %arg13[%get3A_671] : memref<10240xi32, #tpu.memory_space<vmem>>[vector<16xi32>], vector<16xi32>,
      %add3A_673 = arith.constant 16 : i32
      %add3A_674 = vector.broadcast %add3A_673 : i32 to vector<16xi32>
      %add3A_675 = arith.addi %iota3A, %add3A_674 : vector<16xi32>
      %mul3A_676 = arith.constant 6554 : i32
      %mul3A_677 = vector.broadcast %mul3A_676 : i32 to vector<16xi32>
      %mul3A_678 = arith.muli %add3A_675, %mul3A_677 : vector<16xi32>
      %shift_right_logical3A_679 = arith.constant 16 : i32
      %shift_right_logical3A_680 = vector.broadcast %shift_right_logical3A_679 : i32 to vector<16xi32>
      %shift_right_logical3A_681 = arith.shrui %mul3A_678, %shift_right_logical3A_680 : vector<16xi32>
      %mul3A_682 = arith.constant 10 : i32
      %mul3A_683 = vector.broadcast %mul3A_682 : i32 to vector<16xi32>
      %mul3A_684 = arith.muli %shift_right_logical3A_681, %mul3A_683 : vector<16xi32>
      %sub3A_685 = arith.subi %add3A_675, %mul3A_684 : vector<16xi32>
      tpu.vector_store_idx %arg24[%shift_right_logical3A_681, %sub3A_685], %gather3A_672 : memref<64x16xi32, #tpu.memory_space<vmem>>[vector<16xi32>, vector<16xi32>], vector<16xi32>,
      %get3A_686 = arith.constant 32 : index
      %get3A_687 = tpu.vector_load %arg23[%get3A_686] {strides = array<i32>} : memref<704xi32, #tpu.memory_space<vmem>>, vector<16xi32>,
      %gather3A_688 = tpu.vector_load_idx %arg13[%get3A_687] : memref<10240xi32, #tpu.memory_space<vmem>>[vector<16xi32>], vector<16xi32>,
      %add3A_689 = arith.constant 32 : i32
      %add3A_690 = vector.broadcast %add3A_689 : i32 to vector<16xi32>
      %add3A_691 = arith.addi %iota3A, %add3A_690 : vector<16xi32>
      %mul3A_692 = arith.constant 6554 : i32
      %mul3A_693 = vector.broadcast %mul3A_692 : i32 to vector<16xi32>
      %mul3A_694 = arith.muli %add3A_691, %mul3A_693 : vector<16xi32>
      %shift_right_logical3A_695 = arith.constant 16 : i32
      %shift_right_logical3A_696 = vector.broadcast %shift_right_logical3A_695 : i32 to vector<16xi32>
      %shift_right_logical3A_697 = arith.shrui %mul3A_694, %shift_right_logical3A_696 : vector<16xi32>
      %mul3A_698 = arith.constant 10 : i32
      %mul3A_699 = vector.broadcast %mul3A_698 : i32 to vector<16xi32>
      %mul3A_700 = arith.muli %shift_right_logical3A_697, %mul3A_699 : vector<16xi32>
      %sub3A_701 = arith.subi %add3A_691, %mul3A_700 : vector<16xi32>
      tpu.vector_store_idx %arg24[%shift_right_logical3A_697, %sub3A_701], %gather3A_688 : memref<64x16xi32, #tpu.memory_space<vmem>>[vector<16xi32>, vector<16xi32>], vector<16xi32>,
      %get3A_702 = arith.constant 48 : index
      %get3A_703 = tpu.vector_load %arg23[%get3A_702] {strides = array<i32>} : memref<704xi32, #tpu.memory_space<vmem>>, vector<16xi32>,
      %gather3A_704 = tpu.vector_load_idx %arg13[%get3A_703] : memref<10240xi32, #tpu.memory_space<vmem>>[vector<16xi32>], vector<16xi32>,
      %add3A_705 = arith.constant 48 : i32
      %add3A_706 = vector.broadcast %add3A_705 : i32 to vector<16xi32>
      %add3A_707 = arith.addi %iota3A, %add3A_706 : vector<16xi32>
      %mul3A_708 = arith.constant 6554 : i32
      %mul3A_709 = vector.broadcast %mul3A_708 : i32 to vector<16xi32>
      %mul3A_710 = arith.muli %add3A_707, %mul3A_709 : vector<16xi32>
      %shift_right_logical3A_711 = arith.constant 16 : i32
      %shift_right_logical3A_712 = vector.broadcast %shift_right_logical3A_711 : i32 to vector<16xi32>
      %shift_right_logical3A_713 = arith.shrui %mul3A_710, %shift_right_logical3A_712 : vector<16xi32>
      %mul3A_714 = arith.constant 10 : i32
      %mul3A_715 = vector.broadcast %mul3A_714 : i32 to vector<16xi32>
      %mul3A_716 = arith.muli %shift_right_logical3A_713, %mul3A_715 : vector<16xi32>
      %sub3A_717 = arith.subi %add3A_707, %mul3A_716 : vector<16xi32>
      tpu.vector_store_idx %arg24[%shift_right_logical3A_713, %sub3A_717], %gather3A_704 : memref<64x16xi32, #tpu.memory_space<vmem>>[vector<16xi32>, vector<16xi32>], vector<16xi32>,
      %get3A_718 = arith.constant 64 : index
      %get3A_719 = tpu.vector_load %arg23[%get3A_718] {strides = array<i32>} : memref<704xi32, #tpu.memory_space<vmem>>, vector<16xi32>,
      %gather3A_720 = tpu.vector_load_idx %arg13[%get3A_719] : memref<10240xi32, #tpu.memory_space<vmem>>[vector<16xi32>], vector<16xi32>,
      %add3A_721 = arith.constant 64 : i32
      %add3A_722 = vector.broadcast %add3A_721 : i32 to vector<16xi32>
      %add3A_723 = arith.addi %iota3A, %add3A_722 : vector<16xi32>
      %mul3A_724 = arith.constant 6554 : i32
      %mul3A_725 = vector.broadcast %mul3A_724 : i32 to vector<16xi32>
      %mul3A_726 = arith.muli %add3A_723, %mul3A_725 : vector<16xi32>
      %shift_right_logical3A_727 = arith.constant 16 : i32
      %shift_right_logical3A_728 = vector.broadcast %shift_right_logical3A_727 : i32 to vector<16xi32>
      %shift_right_logical3A_729 = arith.shrui %mul3A_726, %shift_right_logical3A_728 : vector<16xi32>
      %mul3A_730 = arith.constant 10 : i32
      %mul3A_731 = vector.broadcast %mul3A_730 : i32 to vector<16xi32>
      %mul3A_732 = arith.muli %shift_right_logical3A_729, %mul3A_731 : vector<16xi32>
      %sub3A_733 = arith.subi %add3A_723, %mul3A_732 : vector<16xi32>
      tpu.vector_store_idx %arg24[%shift_right_logical3A_729, %sub3A_733], %gather3A_720 : memref<64x16xi32, #tpu.memory_space<vmem>>[vector<16xi32>, vector<16xi32>], vector<16xi32>,
      %get3A_734 = arith.constant 80 : index
      %get3A_735 = tpu.vector_load %arg23[%get3A_734] {strides = array<i32>} : memref<704xi32, #tpu.memory_space<vmem>>, vector<16xi32>,
      %gather3A_736 = tpu.vector_load_idx %arg13[%get3A_735] : memref<10240xi32, #tpu.memory_space<vmem>>[vector<16xi32>], vector<16xi32>,
      %add3A_737 = arith.constant 80 : i32
      %add3A_738 = vector.broadcast %add3A_737 : i32 to vector<16xi32>
      %add3A_739 = arith.addi %iota3A, %add3A_738 : vector<16xi32>
      %mul3A_740 = arith.constant 6554 : i32
      %mul3A_741 = vector.broadcast %mul3A_740 : i32 to vector<16xi32>
      %mul3A_742 = arith.muli %add3A_739, %mul3A_741 : vector<16xi32>
      %shift_right_logical3A_743 = arith.constant 16 : i32
      %shift_right_logical3A_744 = vector.broadcast %shift_right_logical3A_743 : i32 to vector<16xi32>
      %shift_right_logical3A_745 = arith.shrui %mul3A_742, %shift_right_logical3A_744 : vector<16xi32>
      %mul3A_746 = arith.constant 10 : i32
      %mul3A_747 = vector.broadcast %mul3A_746 : i32 to vector<16xi32>
      %mul3A_748 = arith.muli %shift_right_logical3A_745, %mul3A_747 : vector<16xi32>
      %sub3A_749 = arith.subi %add3A_739, %mul3A_748 : vector<16xi32>
      tpu.vector_store_idx %arg24[%shift_right_logical3A_745, %sub3A_749], %gather3A_736 : memref<64x16xi32, #tpu.memory_space<vmem>>[vector<16xi32>, vector<16xi32>], vector<16xi32>,
      %get3A_750 = arith.constant 96 : index
      %get3A_751 = tpu.vector_load %arg23[%get3A_750] {strides = array<i32>} : memref<704xi32, #tpu.memory_space<vmem>>, vector<16xi32>,
      %gather3A_752 = tpu.vector_load_idx %arg13[%get3A_751] : memref<10240xi32, #tpu.memory_space<vmem>>[vector<16xi32>], vector<16xi32>,
      %add3A_753 = arith.constant 96 : i32
      %add3A_754 = vector.broadcast %add3A_753 : i32 to vector<16xi32>
      %add3A_755 = arith.addi %iota3A, %add3A_754 : vector<16xi32>
      %mul3A_756 = arith.constant 6554 : i32
      %mul3A_757 = vector.broadcast %mul3A_756 : i32 to vector<16xi32>
      %mul3A_758 = arith.muli %add3A_755, %mul3A_757 : vector<16xi32>
      %shift_right_logical3A_759 = arith.constant 16 : i32
      %shift_right_logical3A_760 = vector.broadcast %shift_right_logical3A_759 : i32 to vector<16xi32>
      %shift_right_logical3A_761 = arith.shrui %mul3A_758, %shift_right_logical3A_760 : vector<16xi32>
      %mul3A_762 = arith.constant 10 : i32
      %mul3A_763 = vector.broadcast %mul3A_762 : i32 to vector<16xi32>
      %mul3A_764 = arith.muli %shift_right_logical3A_761, %mul3A_763 : vector<16xi32>
      %sub3A_765 = arith.subi %add3A_755, %mul3A_764 : vector<16xi32>
      tpu.vector_store_idx %arg24[%shift_right_logical3A_761, %sub3A_765], %gather3A_752 : memref<64x16xi32, #tpu.memory_space<vmem>>[vector<16xi32>, vector<16xi32>], vector<16xi32>,
      %get3A_766 = arith.constant 112 : index
      %get3A_767 = tpu.vector_load %arg23[%get3A_766] {strides = array<i32>} : memref<704xi32, #tpu.memory_space<vmem>>, vector<16xi32>,
      %gather3A_768 = tpu.vector_load_idx %arg13[%get3A_767] : memref<10240xi32, #tpu.memory_space<vmem>>[vector<16xi32>], vector<16xi32>,
      %add3A_769 = arith.constant 112 : i32
      %add3A_770 = vector.broadcast %add3A_769 : i32 to vector<16xi32>
      %add3A_771 = arith.addi %iota3A, %add3A_770 : vector<16xi32>
      %mul3A_772 = arith.constant 6554 : i32
      %mul3A_773 = vector.broadcast %mul3A_772 : i32 to vector<16xi32>
      %mul3A_774 = arith.muli %add3A_771, %mul3A_773 : vector<16xi32>
      %shift_right_logical3A_775 = arith.constant 16 : i32
      %shift_right_logical3A_776 = vector.broadcast %shift_right_logical3A_775 : i32 to vector<16xi32>
      %shift_right_logical3A_777 = arith.shrui %mul3A_774, %shift_right_logical3A_776 : vector<16xi32>
      %mul3A_778 = arith.constant 10 : i32
      %mul3A_779 = vector.broadcast %mul3A_778 : i32 to vector<16xi32>
      %mul3A_780 = arith.muli %shift_right_logical3A_777, %mul3A_779 : vector<16xi32>
      %sub3A_781 = arith.subi %add3A_771, %mul3A_780 : vector<16xi32>
      tpu.vector_store_idx %arg24[%shift_right_logical3A_777, %sub3A_781], %gather3A_768 : memref<64x16xi32, #tpu.memory_space<vmem>>[vector<16xi32>, vector<16xi32>], vector<16xi32>,
      %get3A_782 = arith.constant 128 : index
      %get3A_783 = tpu.vector_load %arg23[%get3A_782] {strides = array<i32>} : memref<704xi32, #tpu.memory_space<vmem>>, vector<16xi32>,
      %gather3A_784 = tpu.vector_load_idx %arg13[%get3A_783] : memref<10240xi32, #tpu.memory_space<vmem>>[vector<16xi32>], vector<16xi32>,
      %add3A_785 = arith.constant 128 : i32
      %add3A_786 = vector.broadcast %add3A_785 : i32 to vector<16xi32>
      %add3A_787 = arith.addi %iota3A, %add3A_786 : vector<16xi32>
      %mul3A_788 = arith.constant 6554 : i32
      %mul3A_789 = vector.broadcast %mul3A_788 : i32 to vector<16xi32>
      %mul3A_790 = arith.muli %add3A_787, %mul3A_789 : vector<16xi32>
      %shift_right_logical3A_791 = arith.constant 16 : i32
      %shift_right_logical3A_792 = vector.broadcast %shift_right_logical3A_791 : i32 to vector<16xi32>
      %shift_right_logical3A_793 = arith.shrui %mul3A_790, %shift_right_logical3A_792 : vector<16xi32>
      %mul3A_794 = arith.constant 10 : i32
      %mul3A_795 = vector.broadcast %mul3A_794 : i32 to vector<16xi32>
      %mul3A_796 = arith.muli %shift_right_logical3A_793, %mul3A_795 : vector<16xi32>
      %sub3A_797 = arith.subi %add3A_787, %mul3A_796 : vector<16xi32>
      tpu.vector_store_idx %arg24[%shift_right_logical3A_793, %sub3A_797], %gather3A_784 : memref<64x16xi32, #tpu.memory_space<vmem>>[vector<16xi32>, vector<16xi32>], vector<16xi32>,
      %get3A_798 = arith.constant 144 : index
      %get3A_799 = tpu.vector_load %arg23[%get3A_798] {strides = array<i32>} : memref<704xi32, #tpu.memory_space<vmem>>, vector<16xi32>,
      %gather3A_800 = tpu.vector_load_idx %arg13[%get3A_799] : memref<10240xi32, #tpu.memory_space<vmem>>[vector<16xi32>], vector<16xi32>,
      %add3A_801 = arith.constant 144 : i32
      %add3A_802 = vector.broadcast %add3A_801 : i32 to vector<16xi32>
      %add3A_803 = arith.addi %iota3A, %add3A_802 : vector<16xi32>
      %mul3A_804 = arith.constant 6554 : i32
      %mul3A_805 = vector.broadcast %mul3A_804 : i32 to vector<16xi32>
      %mul3A_806 = arith.muli %add3A_803, %mul3A_805 : vector<16xi32>
      %shift_right_logical3A_807 = arith.constant 16 : i32
      %shift_right_logical3A_808 = vector.broadcast %shift_right_logical3A_807 : i32 to vector<16xi32>
      %shift_right_logical3A_809 = arith.shrui %mul3A_806, %shift_right_logical3A_808 : vector<16xi32>
      %mul3A_810 = arith.constant 10 : i32
      %mul3A_811 = vector.broadcast %mul3A_810 : i32 to vector<16xi32>
      %mul3A_812 = arith.muli %shift_right_logical3A_809, %mul3A_811 : vector<16xi32>
      %sub3A_813 = arith.subi %add3A_803, %mul3A_812 : vector<16xi32>
      tpu.vector_store_idx %arg24[%shift_right_logical3A_809, %sub3A_813], %gather3A_800 : memref<64x16xi32, #tpu.memory_space<vmem>>[vector<16xi32>, vector<16xi32>], vector<16xi32>,
      %get3A_814 = arith.constant 160 : index
      %get3A_815 = tpu.vector_load %arg23[%get3A_814] {strides = array<i32>} : memref<704xi32, #tpu.memory_space<vmem>>, vector<16xi32>,
      %gather3A_816 = tpu.vector_load_idx %arg13[%get3A_815] : memref<10240xi32, #tpu.memory_space<vmem>>[vector<16xi32>], vector<16xi32>,
      %add3A_817 = arith.constant 160 : i32
      %add3A_818 = vector.broadcast %add3A_817 : i32 to vector<16xi32>
      %add3A_819 = arith.addi %iota3A, %add3A_818 : vector<16xi32>
      %mul3A_820 = arith.constant 6554 : i32
      %mul3A_821 = vector.broadcast %mul3A_820 : i32 to vector<16xi32>
      %mul3A_822 = arith.muli %add3A_819, %mul3A_821 : vector<16xi32>
      %shift_right_logical3A_823 = arith.constant 16 : i32
      %shift_right_logical3A_824 = vector.broadcast %shift_right_logical3A_823 : i32 to vector<16xi32>
      %shift_right_logical3A_825 = arith.shrui %mul3A_822, %shift_right_logical3A_824 : vector<16xi32>
      %mul3A_826 = arith.constant 10 : i32
      %mul3A_827 = vector.broadcast %mul3A_826 : i32 to vector<16xi32>
      %mul3A_828 = arith.muli %shift_right_logical3A_825, %mul3A_827 : vector<16xi32>
      %sub3A_829 = arith.subi %add3A_819, %mul3A_828 : vector<16xi32>
      tpu.vector_store_idx %arg24[%shift_right_logical3A_825, %sub3A_829], %gather3A_816 : memref<64x16xi32, #tpu.memory_space<vmem>>[vector<16xi32>, vector<16xi32>], vector<16xi32>,
      %get3A_830 = arith.constant 176 : index
      %get3A_831 = tpu.vector_load %arg23[%get3A_830] {strides = array<i32>} : memref<704xi32, #tpu.memory_space<vmem>>, vector<16xi32>,
      %gather3A_832 = tpu.vector_load_idx %arg13[%get3A_831] : memref<10240xi32, #tpu.memory_space<vmem>>[vector<16xi32>], vector<16xi32>,
      %add3A_833 = arith.constant 176 : i32
      %add3A_834 = vector.broadcast %add3A_833 : i32 to vector<16xi32>
      %add3A_835 = arith.addi %iota3A, %add3A_834 : vector<16xi32>
      %mul3A_836 = arith.constant 6554 : i32
      %mul3A_837 = vector.broadcast %mul3A_836 : i32 to vector<16xi32>
      %mul3A_838 = arith.muli %add3A_835, %mul3A_837 : vector<16xi32>
      %shift_right_logical3A_839 = arith.constant 16 : i32
      %shift_right_logical3A_840 = vector.broadcast %shift_right_logical3A_839 : i32 to vector<16xi32>
      %shift_right_logical3A_841 = arith.shrui %mul3A_838, %shift_right_logical3A_840 : vector<16xi32>
      %mul3A_842 = arith.constant 10 : i32
      %mul3A_843 = vector.broadcast %mul3A_842 : i32 to vector<16xi32>
      %mul3A_844 = arith.muli %shift_right_logical3A_841, %mul3A_843 : vector<16xi32>
      %sub3A_845 = arith.subi %add3A_835, %mul3A_844 : vector<16xi32>
      tpu.vector_store_idx %arg24[%shift_right_logical3A_841, %sub3A_845], %gather3A_832 : memref<64x16xi32, #tpu.memory_space<vmem>>[vector<16xi32>, vector<16xi32>], vector<16xi32>,
      %get3A_846 = arith.constant 192 : index
      %get3A_847 = tpu.vector_load %arg23[%get3A_846] {strides = array<i32>} : memref<704xi32, #tpu.memory_space<vmem>>, vector<16xi32>,
      %gather3A_848 = tpu.vector_load_idx %arg13[%get3A_847] : memref<10240xi32, #tpu.memory_space<vmem>>[vector<16xi32>], vector<16xi32>,
      %add3A_849 = arith.constant 192 : i32
      %add3A_850 = vector.broadcast %add3A_849 : i32 to vector<16xi32>
      %add3A_851 = arith.addi %iota3A, %add3A_850 : vector<16xi32>
      %mul3A_852 = arith.constant 6554 : i32
      %mul3A_853 = vector.broadcast %mul3A_852 : i32 to vector<16xi32>
      %mul3A_854 = arith.muli %add3A_851, %mul3A_853 : vector<16xi32>
      %shift_right_logical3A_855 = arith.constant 16 : i32
      %shift_right_logical3A_856 = vector.broadcast %shift_right_logical3A_855 : i32 to vector<16xi32>
      %shift_right_logical3A_857 = arith.shrui %mul3A_854, %shift_right_logical3A_856 : vector<16xi32>
      %mul3A_858 = arith.constant 10 : i32
      %mul3A_859 = vector.broadcast %mul3A_858 : i32 to vector<16xi32>
      %mul3A_860 = arith.muli %shift_right_logical3A_857, %mul3A_859 : vector<16xi32>
      %sub3A_861 = arith.subi %add3A_851, %mul3A_860 : vector<16xi32>
      tpu.vector_store_idx %arg24[%shift_right_logical3A_857, %sub3A_861], %gather3A_848 : memref<64x16xi32, #tpu.memory_space<vmem>>[vector<16xi32>, vector<16xi32>], vector<16xi32>,
      %get3A_862 = arith.constant 208 : index
      %get3A_863 = tpu.vector_load %arg23[%get3A_862] {strides = array<i32>} : memref<704xi32, #tpu.memory_space<vmem>>, vector<16xi32>,
      %gather3A_864 = tpu.vector_load_idx %arg13[%get3A_863] : memref<10240xi32, #tpu.memory_space<vmem>>[vector<16xi32>], vector<16xi32>,
      %add3A_865 = arith.constant 208 : i32
      %add3A_866 = vector.broadcast %add3A_865 : i32 to vector<16xi32>
      %add3A_867 = arith.addi %iota3A, %add3A_866 : vector<16xi32>
      %mul3A_868 = arith.constant 6554 : i32
      %mul3A_869 = vector.broadcast %mul3A_868 : i32 to vector<16xi32>
      %mul3A_870 = arith.muli %add3A_867, %mul3A_869 : vector<16xi32>
      %shift_right_logical3A_871 = arith.constant 16 : i32
      %shift_right_logical3A_872 = vector.broadcast %shift_right_logical3A_871 : i32 to vector<16xi32>
      %shift_right_logical3A_873 = arith.shrui %mul3A_870, %shift_right_logical3A_872 : vector<16xi32>
      %mul3A_874 = arith.constant 10 : i32
      %mul3A_875 = vector.broadcast %mul3A_874 : i32 to vector<16xi32>
      %mul3A_876 = arith.muli %shift_right_logical3A_873, %mul3A_875 : vector<16xi32>
      %sub3A_877 = arith.subi %add3A_867, %mul3A_876 : vector<16xi32>
      tpu.vector_store_idx %arg24[%shift_right_logical3A_873, %sub3A_877], %gather3A_864 : memref<64x16xi32, #tpu.memory_space<vmem>>[vector<16xi32>, vector<16xi32>], vector<16xi32>,
      %get3A_878 = arith.constant 224 : index
      %get3A_879 = tpu.vector_load %arg23[%get3A_878] {strides = array<i32>} : memref<704xi32, #tpu.memory_space<vmem>>, vector<16xi32>,
      %gather3A_880 = tpu.vector_load_idx %arg13[%get3A_879] : memref<10240xi32, #tpu.memory_space<vmem>>[vector<16xi32>], vector<16xi32>,
      %add3A_881 = arith.constant 224 : i32
      %add3A_882 = vector.broadcast %add3A_881 : i32 to vector<16xi32>
      %add3A_883 = arith.addi %iota3A, %add3A_882 : vector<16xi32>
      %mul3A_884 = arith.constant 6554 : i32
      %mul3A_885 = vector.broadcast %mul3A_884 : i32 to vector<16xi32>
      %mul3A_886 = arith.muli %add3A_883, %mul3A_885 : vector<16xi32>
      %shift_right_logical3A_887 = arith.constant 16 : i32
      %shift_right_logical3A_888 = vector.broadcast %shift_right_logical3A_887 : i32 to vector<16xi32>
      %shift_right_logical3A_889 = arith.shrui %mul3A_886, %shift_right_logical3A_888 : vector<16xi32>
      %mul3A_890 = arith.constant 10 : i32
      %mul3A_891 = vector.broadcast %mul3A_890 : i32 to vector<16xi32>
      %mul3A_892 = arith.muli %shift_right_logical3A_889, %mul3A_891 : vector<16xi32>
      %sub3A_893 = arith.subi %add3A_883, %mul3A_892 : vector<16xi32>
      tpu.vector_store_idx %arg24[%shift_right_logical3A_889, %sub3A_893], %gather3A_880 : memref<64x16xi32, #tpu.memory_space<vmem>>[vector<16xi32>, vector<16xi32>], vector<16xi32>,
      %get3A_894 = arith.constant 240 : index
      %get3A_895 = tpu.vector_load %arg23[%get3A_894] {strides = array<i32>} : memref<704xi32, #tpu.memory_space<vmem>>, vector<16xi32>,
      %gather3A_896 = tpu.vector_load_idx %arg13[%get3A_895] : memref<10240xi32, #tpu.memory_space<vmem>>[vector<16xi32>], vector<16xi32>,
      %add3A_897 = arith.constant 240 : i32
      %add3A_898 = vector.broadcast %add3A_897 : i32 to vector<16xi32>
      %add3A_899 = arith.addi %iota3A, %add3A_898 : vector<16xi32>
      %mul3A_900 = arith.constant 6554 : i32
      %mul3A_901 = vector.broadcast %mul3A_900 : i32 to vector<16xi32>
      %mul3A_902 = arith.muli %add3A_899, %mul3A_901 : vector<16xi32>
      %shift_right_logical3A_903 = arith.constant 16 : i32
      %shift_right_logical3A_904 = vector.broadcast %shift_right_logical3A_903 : i32 to vector<16xi32>
      %shift_right_logical3A_905 = arith.shrui %mul3A_902, %shift_right_logical3A_904 : vector<16xi32>
      %mul3A_906 = arith.constant 10 : i32
      %mul3A_907 = vector.broadcast %mul3A_906 : i32 to vector<16xi32>
      %mul3A_908 = arith.muli %shift_right_logical3A_905, %mul3A_907 : vector<16xi32>
      %sub3A_909 = arith.subi %add3A_899, %mul3A_908 : vector<16xi32>
      tpu.vector_store_idx %arg24[%shift_right_logical3A_905, %sub3A_909], %gather3A_896 : memref<64x16xi32, #tpu.memory_space<vmem>>[vector<16xi32>, vector<16xi32>], vector<16xi32>,
      %get3A_910 = arith.constant 256 : index
      %get3A_911 = tpu.vector_load %arg23[%get3A_910] {strides = array<i32>} : memref<704xi32, #tpu.memory_space<vmem>>, vector<16xi32>,
      %gather3A_912 = tpu.vector_load_idx %arg13[%get3A_911] : memref<10240xi32, #tpu.memory_space<vmem>>[vector<16xi32>], vector<16xi32>,
      %add3A_913 = arith.constant 256 : i32
      %add3A_914 = vector.broadcast %add3A_913 : i32 to vector<16xi32>
      %add3A_915 = arith.addi %iota3A, %add3A_914 : vector<16xi32>
      %mul3A_916 = arith.constant 6554 : i32
      %mul3A_917 = vector.broadcast %mul3A_916 : i32 to vector<16xi32>
      %mul3A_918 = arith.muli %add3A_915, %mul3A_917 : vector<16xi32>
      %shift_right_logical3A_919 = arith.constant 16 : i32
      %shift_right_logical3A_920 = vector.broadcast %shift_right_logical3A_919 : i32 to vector<16xi32>
      %shift_right_logical3A_921 = arith.shrui %mul3A_918, %shift_right_logical3A_920 : vector<16xi32>
      %mul3A_922 = arith.constant 10 : i32
      %mul3A_923 = vector.broadcast %mul3A_922 : i32 to vector<16xi32>
      %mul3A_924 = arith.muli %shift_right_logical3A_921, %mul3A_923 : vector<16xi32>
      %sub3A_925 = arith.subi %add3A_915, %mul3A_924 : vector<16xi32>
      tpu.vector_store_idx %arg24[%shift_right_logical3A_921, %sub3A_925], %gather3A_912 : memref<64x16xi32, #tpu.memory_space<vmem>>[vector<16xi32>, vector<16xi32>], vector<16xi32>,
      %get3A_926 = arith.constant 272 : index
      %get3A_927 = tpu.vector_load %arg23[%get3A_926] {strides = array<i32>} : memref<704xi32, #tpu.memory_space<vmem>>, vector<16xi32>,
      %gather3A_928 = tpu.vector_load_idx %arg13[%get3A_927] : memref<10240xi32, #tpu.memory_space<vmem>>[vector<16xi32>], vector<16xi32>,
      %add3A_929 = arith.constant 272 : i32
      %add3A_930 = vector.broadcast %add3A_929 : i32 to vector<16xi32>
      %add3A_931 = arith.addi %iota3A, %add3A_930 : vector<16xi32>
      %mul3A_932 = arith.constant 6554 : i32
      %mul3A_933 = vector.broadcast %mul3A_932 : i32 to vector<16xi32>
      %mul3A_934 = arith.muli %add3A_931, %mul3A_933 : vector<16xi32>
      %shift_right_logical3A_935 = arith.constant 16 : i32
      %shift_right_logical3A_936 = vector.broadcast %shift_right_logical3A_935 : i32 to vector<16xi32>
      %shift_right_logical3A_937 = arith.shrui %mul3A_934, %shift_right_logical3A_936 : vector<16xi32>
      %mul3A_938 = arith.constant 10 : i32
      %mul3A_939 = vector.broadcast %mul3A_938 : i32 to vector<16xi32>
      %mul3A_940 = arith.muli %shift_right_logical3A_937, %mul3A_939 : vector<16xi32>
      %sub3A_941 = arith.subi %add3A_931, %mul3A_940 : vector<16xi32>
      tpu.vector_store_idx %arg24[%shift_right_logical3A_937, %sub3A_941], %gather3A_928 : memref<64x16xi32, #tpu.memory_space<vmem>>[vector<16xi32>, vector<16xi32>], vector<16xi32>,
      %get3A_942 = arith.constant 288 : index
      %get3A_943 = tpu.vector_load %arg23[%get3A_942] {strides = array<i32>} : memref<704xi32, #tpu.memory_space<vmem>>, vector<16xi32>,
      %gather3A_944 = tpu.vector_load_idx %arg13[%get3A_943] : memref<10240xi32, #tpu.memory_space<vmem>>[vector<16xi32>], vector<16xi32>,
      %add3A_945 = arith.constant 288 : i32
      %add3A_946 = vector.broadcast %add3A_945 : i32 to vector<16xi32>
      %add3A_947 = arith.addi %iota3A, %add3A_946 : vector<16xi32>
      %mul3A_948 = arith.constant 6554 : i32
      %mul3A_949 = vector.broadcast %mul3A_948 : i32 to vector<16xi32>
      %mul3A_950 = arith.muli %add3A_947, %mul3A_949 : vector<16xi32>
      %shift_right_logical3A_951 = arith.constant 16 : i32
      %shift_right_logical3A_952 = vector.broadcast %shift_right_logical3A_951 : i32 to vector<16xi32>
      %shift_right_logical3A_953 = arith.shrui %mul3A_950, %shift_right_logical3A_952 : vector<16xi32>
      %mul3A_954 = arith.constant 10 : i32
      %mul3A_955 = vector.broadcast %mul3A_954 : i32 to vector<16xi32>
      %mul3A_956 = arith.muli %shift_right_logical3A_953, %mul3A_955 : vector<16xi32>
      %sub3A_957 = arith.subi %add3A_947, %mul3A_956 : vector<16xi32>
      tpu.vector_store_idx %arg24[%shift_right_logical3A_953, %sub3A_957], %gather3A_944 : memref<64x16xi32, #tpu.memory_space<vmem>>[vector<16xi32>, vector<16xi32>], vector<16xi32>,
      %get3A_958 = arith.constant 304 : index
      %get3A_959 = tpu.vector_load %arg23[%get3A_958] {strides = array<i32>} : memref<704xi32, #tpu.memory_space<vmem>>, vector<16xi32>,
      %gather3A_960 = tpu.vector_load_idx %arg13[%get3A_959] : memref<10240xi32, #tpu.memory_space<vmem>>[vector<16xi32>], vector<16xi32>,
      %add3A_961 = arith.constant 304 : i32
      %add3A_962 = vector.broadcast %add3A_961 : i32 to vector<16xi32>
      %add3A_963 = arith.addi %iota3A, %add3A_962 : vector<16xi32>
      %mul3A_964 = arith.constant 6554 : i32
      %mul3A_965 = vector.broadcast %mul3A_964 : i32 to vector<16xi32>
      %mul3A_966 = arith.muli %add3A_963, %mul3A_965 : vector<16xi32>
      %shift_right_logical3A_967 = arith.constant 16 : i32
      %shift_right_logical3A_968 = vector.broadcast %shift_right_logical3A_967 : i32 to vector<16xi32>
      %shift_right_logical3A_969 = arith.shrui %mul3A_966, %shift_right_logical3A_968 : vector<16xi32>
      %mul3A_970 = arith.constant 10 : i32
      %mul3A_971 = vector.broadcast %mul3A_970 : i32 to vector<16xi32>
      %mul3A_972 = arith.muli %shift_right_logical3A_969, %mul3A_971 : vector<16xi32>
      %sub3A_973 = arith.subi %add3A_963, %mul3A_972 : vector<16xi32>
      tpu.vector_store_idx %arg24[%shift_right_logical3A_969, %sub3A_973], %gather3A_960 : memref<64x16xi32, #tpu.memory_space<vmem>>[vector<16xi32>, vector<16xi32>], vector<16xi32>,
      %get3A_974 = arith.constant 320 : index
      %get3A_975 = tpu.vector_load %arg23[%get3A_974] {strides = array<i32>} : memref<704xi32, #tpu.memory_space<vmem>>, vector<16xi32>,
      %gather3A_976 = tpu.vector_load_idx %arg13[%get3A_975] : memref<10240xi32, #tpu.memory_space<vmem>>[vector<16xi32>], vector<16xi32>,
      %add3A_977 = arith.constant 320 : i32
      %add3A_978 = vector.broadcast %add3A_977 : i32 to vector<16xi32>
      %add3A_979 = arith.addi %iota3A, %add3A_978 : vector<16xi32>
      %mul3A_980 = arith.constant 6554 : i32
      %mul3A_981 = vector.broadcast %mul3A_980 : i32 to vector<16xi32>
      %mul3A_982 = arith.muli %add3A_979, %mul3A_981 : vector<16xi32>
      %shift_right_logical3A_983 = arith.constant 16 : i32
      %shift_right_logical3A_984 = vector.broadcast %shift_right_logical3A_983 : i32 to vector<16xi32>
      %shift_right_logical3A_985 = arith.shrui %mul3A_982, %shift_right_logical3A_984 : vector<16xi32>
      %mul3A_986 = arith.constant 10 : i32
      %mul3A_987 = vector.broadcast %mul3A_986 : i32 to vector<16xi32>
      %mul3A_988 = arith.muli %shift_right_logical3A_985, %mul3A_987 : vector<16xi32>
      %sub3A_989 = arith.subi %add3A_979, %mul3A_988 : vector<16xi32>
      tpu.vector_store_idx %arg24[%shift_right_logical3A_985, %sub3A_989], %gather3A_976 : memref<64x16xi32, #tpu.memory_space<vmem>>[vector<16xi32>, vector<16xi32>], vector<16xi32>,
      %get3A_990 = arith.constant 336 : index
      %get3A_991 = tpu.vector_load %arg23[%get3A_990] {strides = array<i32>} : memref<704xi32, #tpu.memory_space<vmem>>, vector<16xi32>,
      %gather3A_992 = tpu.vector_load_idx %arg13[%get3A_991] : memref<10240xi32, #tpu.memory_space<vmem>>[vector<16xi32>], vector<16xi32>,
      %add3A_993 = arith.constant 336 : i32
      %add3A_994 = vector.broadcast %add3A_993 : i32 to vector<16xi32>
      %add3A_995 = arith.addi %iota3A, %add3A_994 : vector<16xi32>
      %mul3A_996 = arith.constant 6554 : i32
      %mul3A_997 = vector.broadcast %mul3A_996 : i32 to vector<16xi32>
      %mul3A_998 = arith.muli %add3A_995, %mul3A_997 : vector<16xi32>
      %shift_right_logical3A_999 = arith.constant 16 : i32
      %shift_right_logical3A_1000 = vector.broadcast %shift_right_logical3A_999 : i32 to vector<16xi32>
      %shift_right_logical3A_1001 = arith.shrui %mul3A_998, %shift_right_logical3A_1000 : vector<16xi32>
      %mul3A_1002 = arith.constant 10 : i32
      %mul3A_1003 = vector.broadcast %mul3A_1002 : i32 to vector<16xi32>
      %mul3A_1004 = arith.muli %shift_right_logical3A_1001, %mul3A_1003 : vector<16xi32>
      %sub3A_1005 = arith.subi %add3A_995, %mul3A_1004 : vector<16xi32>
      tpu.vector_store_idx %arg24[%shift_right_logical3A_1001, %sub3A_1005], %gather3A_992 : memref<64x16xi32, #tpu.memory_space<vmem>>[vector<16xi32>, vector<16xi32>], vector<16xi32>,
      %get3A_1006 = arith.constant 352 : index
      %get3A_1007 = tpu.vector_load %arg23[%get3A_1006] {strides = array<i32>} : memref<704xi32, #tpu.memory_space<vmem>>, vector<16xi32>,
      %gather3A_1008 = tpu.vector_load_idx %arg13[%get3A_1007] : memref<10240xi32, #tpu.memory_space<vmem>>[vector<16xi32>], vector<16xi32>,
      %add3A_1009 = arith.constant 352 : i32
      %add3A_1010 = vector.broadcast %add3A_1009 : i32 to vector<16xi32>
      %add3A_1011 = arith.addi %iota3A, %add3A_1010 : vector<16xi32>
      %mul3A_1012 = arith.constant 6554 : i32
      %mul3A_1013 = vector.broadcast %mul3A_1012 : i32 to vector<16xi32>
      %mul3A_1014 = arith.muli %add3A_1011, %mul3A_1013 : vector<16xi32>
      %shift_right_logical3A_1015 = arith.constant 16 : i32
      %shift_right_logical3A_1016 = vector.broadcast %shift_right_logical3A_1015 : i32 to vector<16xi32>
      %shift_right_logical3A_1017 = arith.shrui %mul3A_1014, %shift_right_logical3A_1016 : vector<16xi32>
      %mul3A_1018 = arith.constant 10 : i32
      %mul3A_1019 = vector.broadcast %mul3A_1018 : i32 to vector<16xi32>
      %mul3A_1020 = arith.muli %shift_right_logical3A_1017, %mul3A_1019 : vector<16xi32>
      %sub3A_1021 = arith.subi %add3A_1011, %mul3A_1020 : vector<16xi32>
      tpu.vector_store_idx %arg24[%shift_right_logical3A_1017, %sub3A_1021], %gather3A_1008 : memref<64x16xi32, #tpu.memory_space<vmem>>[vector<16xi32>, vector<16xi32>], vector<16xi32>,
      %get3A_1022 = arith.constant 368 : index
      %get3A_1023 = tpu.vector_load %arg23[%get3A_1022] {strides = array<i32>} : memref<704xi32, #tpu.memory_space<vmem>>, vector<16xi32>,
      %gather3A_1024 = tpu.vector_load_idx %arg13[%get3A_1023] : memref<10240xi32, #tpu.memory_space<vmem>>[vector<16xi32>], vector<16xi32>,
      %add3A_1025 = arith.constant 368 : i32
      %add3A_1026 = vector.broadcast %add3A_1025 : i32 to vector<16xi32>
      %add3A_1027 = arith.addi %iota3A, %add3A_1026 : vector<16xi32>
      %mul3A_1028 = arith.constant 6554 : i32
      %mul3A_1029 = vector.broadcast %mul3A_1028 : i32 to vector<16xi32>
      %mul3A_1030 = arith.muli %add3A_1027, %mul3A_1029 : vector<16xi32>
      %shift_right_logical3A_1031 = arith.constant 16 : i32
      %shift_right_logical3A_1032 = vector.broadcast %shift_right_logical3A_1031 : i32 to vector<16xi32>
      %shift_right_logical3A_1033 = arith.shrui %mul3A_1030, %shift_right_logical3A_1032 : vector<16xi32>
      %mul3A_1034 = arith.constant 10 : i32
      %mul3A_1035 = vector.broadcast %mul3A_1034 : i32 to vector<16xi32>
      %mul3A_1036 = arith.muli %shift_right_logical3A_1033, %mul3A_1035 : vector<16xi32>
      %sub3A_1037 = arith.subi %add3A_1027, %mul3A_1036 : vector<16xi32>
      tpu.vector_store_idx %arg24[%shift_right_logical3A_1033, %sub3A_1037], %gather3A_1024 : memref<64x16xi32, #tpu.memory_space<vmem>>[vector<16xi32>, vector<16xi32>], vector<16xi32>,
      %get3A_1038 = arith.constant 384 : index
      %get3A_1039 = tpu.vector_load %arg23[%get3A_1038] {strides = array<i32>} : memref<704xi32, #tpu.memory_space<vmem>>, vector<16xi32>,
      %gather3A_1040 = tpu.vector_load_idx %arg13[%get3A_1039] : memref<10240xi32, #tpu.memory_space<vmem>>[vector<16xi32>], vector<16xi32>,
      %add3A_1041 = arith.constant 384 : i32
      %add3A_1042 = vector.broadcast %add3A_1041 : i32 to vector<16xi32>
      %add3A_1043 = arith.addi %iota3A, %add3A_1042 : vector<16xi32>
      %mul3A_1044 = arith.constant 6554 : i32
      %mul3A_1045 = vector.broadcast %mul3A_1044 : i32 to vector<16xi32>
      %mul3A_1046 = arith.muli %add3A_1043, %mul3A_1045 : vector<16xi32>
      %shift_right_logical3A_1047 = arith.constant 16 : i32
      %shift_right_logical3A_1048 = vector.broadcast %shift_right_logical3A_1047 : i32 to vector<16xi32>
      %shift_right_logical3A_1049 = arith.shrui %mul3A_1046, %shift_right_logical3A_1048 : vector<16xi32>
      %mul3A_1050 = arith.constant 10 : i32
      %mul3A_1051 = vector.broadcast %mul3A_1050 : i32 to vector<16xi32>
      %mul3A_1052 = arith.muli %shift_right_logical3A_1049, %mul3A_1051 : vector<16xi32>
      %sub3A_1053 = arith.subi %add3A_1043, %mul3A_1052 : vector<16xi32>
      tpu.vector_store_idx %arg24[%shift_right_logical3A_1049, %sub3A_1053], %gather3A_1040 : memref<64x16xi32, #tpu.memory_space<vmem>>[vector<16xi32>, vector<16xi32>], vector<16xi32>,
      %get3A_1054 = arith.constant 400 : index
      %get3A_1055 = tpu.vector_load %arg23[%get3A_1054] {strides = array<i32>} : memref<704xi32, #tpu.memory_space<vmem>>, vector<16xi32>,
      %gather3A_1056 = tpu.vector_load_idx %arg13[%get3A_1055] : memref<10240xi32, #tpu.memory_space<vmem>>[vector<16xi32>], vector<16xi32>,
      %add3A_1057 = arith.constant 400 : i32
      %add3A_1058 = vector.broadcast %add3A_1057 : i32 to vector<16xi32>
      %add3A_1059 = arith.addi %iota3A, %add3A_1058 : vector<16xi32>
      %mul3A_1060 = arith.constant 6554 : i32
      %mul3A_1061 = vector.broadcast %mul3A_1060 : i32 to vector<16xi32>
      %mul3A_1062 = arith.muli %add3A_1059, %mul3A_1061 : vector<16xi32>
      %shift_right_logical3A_1063 = arith.constant 16 : i32
      %shift_right_logical3A_1064 = vector.broadcast %shift_right_logical3A_1063 : i32 to vector<16xi32>
      %shift_right_logical3A_1065 = arith.shrui %mul3A_1062, %shift_right_logical3A_1064 : vector<16xi32>
      %mul3A_1066 = arith.constant 10 : i32
      %mul3A_1067 = vector.broadcast %mul3A_1066 : i32 to vector<16xi32>
      %mul3A_1068 = arith.muli %shift_right_logical3A_1065, %mul3A_1067 : vector<16xi32>
      %sub3A_1069 = arith.subi %add3A_1059, %mul3A_1068 : vector<16xi32>
      tpu.vector_store_idx %arg24[%shift_right_logical3A_1065, %sub3A_1069], %gather3A_1056 : memref<64x16xi32, #tpu.memory_space<vmem>>[vector<16xi32>, vector<16xi32>], vector<16xi32>,
      %get3A_1070 = arith.constant 416 : index
      %get3A_1071 = tpu.vector_load %arg23[%get3A_1070] {strides = array<i32>} : memref<704xi32, #tpu.memory_space<vmem>>, vector<16xi32>,
      %gather3A_1072 = tpu.vector_load_idx %arg13[%get3A_1071] : memref<10240xi32, #tpu.memory_space<vmem>>[vector<16xi32>], vector<16xi32>,
      %add3A_1073 = arith.constant 416 : i32
      %add3A_1074 = vector.broadcast %add3A_1073 : i32 to vector<16xi32>
      %add3A_1075 = arith.addi %iota3A, %add3A_1074 : vector<16xi32>
      %mul3A_1076 = arith.constant 6554 : i32
      %mul3A_1077 = vector.broadcast %mul3A_1076 : i32 to vector<16xi32>
      %mul3A_1078 = arith.muli %add3A_1075, %mul3A_1077 : vector<16xi32>
      %shift_right_logical3A_1079 = arith.constant 16 : i32
      %shift_right_logical3A_1080 = vector.broadcast %shift_right_logical3A_1079 : i32 to vector<16xi32>
      %shift_right_logical3A_1081 = arith.shrui %mul3A_1078, %shift_right_logical3A_1080 : vector<16xi32>
      %mul3A_1082 = arith.constant 10 : i32
      %mul3A_1083 = vector.broadcast %mul3A_1082 : i32 to vector<16xi32>
      %mul3A_1084 = arith.muli %shift_right_logical3A_1081, %mul3A_1083 : vector<16xi32>
      %sub3A_1085 = arith.subi %add3A_1075, %mul3A_1084 : vector<16xi32>
      tpu.vector_store_idx %arg24[%shift_right_logical3A_1081, %sub3A_1085], %gather3A_1072 : memref<64x16xi32, #tpu.memory_space<vmem>>[vector<16xi32>, vector<16xi32>], vector<16xi32>,
      %get3A_1086 = arith.constant 432 : index
      %get3A_1087 = tpu.vector_load %arg23[%get3A_1086] {strides = array<i32>} : memref<704xi32, #tpu.memory_space<vmem>>, vector<16xi32>,
      %gather3A_1088 = tpu.vector_load_idx %arg13[%get3A_1087] : memref<10240xi32, #tpu.memory_space<vmem>>[vector<16xi32>], vector<16xi32>,
      %add3A_1089 = arith.constant 432 : i32
      %add3A_1090 = vector.broadcast %add3A_1089 : i32 to vector<16xi32>
      %add3A_1091 = arith.addi %iota3A, %add3A_1090 : vector<16xi32>
      %mul3A_1092 = arith.constant 6554 : i32
      %mul3A_1093 = vector.broadcast %mul3A_1092 : i32 to vector<16xi32>
      %mul3A_1094 = arith.muli %add3A_1091, %mul3A_1093 : vector<16xi32>
      %shift_right_logical3A_1095 = arith.constant 16 : i32
      %shift_right_logical3A_1096 = vector.broadcast %shift_right_logical3A_1095 : i32 to vector<16xi32>
      %shift_right_logical3A_1097 = arith.shrui %mul3A_1094, %shift_right_logical3A_1096 : vector<16xi32>
      %mul3A_1098 = arith.constant 10 : i32
      %mul3A_1099 = vector.broadcast %mul3A_1098 : i32 to vector<16xi32>
      %mul3A_1100 = arith.muli %shift_right_logical3A_1097, %mul3A_1099 : vector<16xi32>
      %sub3A_1101 = arith.subi %add3A_1091, %mul3A_1100 : vector<16xi32>
      tpu.vector_store_idx %arg24[%shift_right_logical3A_1097, %sub3A_1101], %gather3A_1088 : memref<64x16xi32, #tpu.memory_space<vmem>>[vector<16xi32>, vector<16xi32>], vector<16xi32>,
      %get3A_1102 = arith.constant 448 : index
      %get3A_1103 = tpu.vector_load %arg23[%get3A_1102] {strides = array<i32>} : memref<704xi32, #tpu.memory_space<vmem>>, vector<16xi32>,
      %gather3A_1104 = tpu.vector_load_idx %arg13[%get3A_1103] : memref<10240xi32, #tpu.memory_space<vmem>>[vector<16xi32>], vector<16xi32>,
      %add3A_1105 = arith.constant 448 : i32
      %add3A_1106 = vector.broadcast %add3A_1105 : i32 to vector<16xi32>
      %add3A_1107 = arith.addi %iota3A, %add3A_1106 : vector<16xi32>
      %mul3A_1108 = arith.constant 6554 : i32
      %mul3A_1109 = vector.broadcast %mul3A_1108 : i32 to vector<16xi32>
      %mul3A_1110 = arith.muli %add3A_1107, %mul3A_1109 : vector<16xi32>
      %shift_right_logical3A_1111 = arith.constant 16 : i32
      %shift_right_logical3A_1112 = vector.broadcast %shift_right_logical3A_1111 : i32 to vector<16xi32>
      %shift_right_logical3A_1113 = arith.shrui %mul3A_1110, %shift_right_logical3A_1112 : vector<16xi32>
      %mul3A_1114 = arith.constant 10 : i32
      %mul3A_1115 = vector.broadcast %mul3A_1114 : i32 to vector<16xi32>
      %mul3A_1116 = arith.muli %shift_right_logical3A_1113, %mul3A_1115 : vector<16xi32>
      %sub3A_1117 = arith.subi %add3A_1107, %mul3A_1116 : vector<16xi32>
      tpu.vector_store_idx %arg24[%shift_right_logical3A_1113, %sub3A_1117], %gather3A_1104 : memref<64x16xi32, #tpu.memory_space<vmem>>[vector<16xi32>, vector<16xi32>], vector<16xi32>,
      %get3A_1118 = arith.constant 464 : index
      %get3A_1119 = tpu.vector_load %arg23[%get3A_1118] {strides = array<i32>} : memref<704xi32, #tpu.memory_space<vmem>>, vector<16xi32>,
      %gather3A_1120 = tpu.vector_load_idx %arg13[%get3A_1119] : memref<10240xi32, #tpu.memory_space<vmem>>[vector<16xi32>], vector<16xi32>,
      %add3A_1121 = arith.constant 464 : i32
      %add3A_1122 = vector.broadcast %add3A_1121 : i32 to vector<16xi32>
      %add3A_1123 = arith.addi %iota3A, %add3A_1122 : vector<16xi32>
      %mul3A_1124 = arith.constant 6554 : i32
      %mul3A_1125 = vector.broadcast %mul3A_1124 : i32 to vector<16xi32>
      %mul3A_1126 = arith.muli %add3A_1123, %mul3A_1125 : vector<16xi32>
      %shift_right_logical3A_1127 = arith.constant 16 : i32
      %shift_right_logical3A_1128 = vector.broadcast %shift_right_logical3A_1127 : i32 to vector<16xi32>
      %shift_right_logical3A_1129 = arith.shrui %mul3A_1126, %shift_right_logical3A_1128 : vector<16xi32>
      %mul3A_1130 = arith.constant 10 : i32
      %mul3A_1131 = vector.broadcast %mul3A_1130 : i32 to vector<16xi32>
      %mul3A_1132 = arith.muli %shift_right_logical3A_1129, %mul3A_1131 : vector<16xi32>
      %sub3A_1133 = arith.subi %add3A_1123, %mul3A_1132 : vector<16xi32>
      tpu.vector_store_idx %arg24[%shift_right_logical3A_1129, %sub3A_1133], %gather3A_1120 : memref<64x16xi32, #tpu.memory_space<vmem>>[vector<16xi32>, vector<16xi32>], vector<16xi32>,
      %get3A_1134 = arith.constant 480 : index
      %get3A_1135 = tpu.vector_load %arg23[%get3A_1134] {strides = array<i32>} : memref<704xi32, #tpu.memory_space<vmem>>, vector<16xi32>,
      %gather3A_1136 = tpu.vector_load_idx %arg13[%get3A_1135] : memref<10240xi32, #tpu.memory_space<vmem>>[vector<16xi32>], vector<16xi32>,
      %add3A_1137 = arith.constant 480 : i32
      %add3A_1138 = vector.broadcast %add3A_1137 : i32 to vector<16xi32>
      %add3A_1139 = arith.addi %iota3A, %add3A_1138 : vector<16xi32>
      %mul3A_1140 = arith.constant 6554 : i32
      %mul3A_1141 = vector.broadcast %mul3A_1140 : i32 to vector<16xi32>
      %mul3A_1142 = arith.muli %add3A_1139, %mul3A_1141 : vector<16xi32>
      %shift_right_logical3A_1143 = arith.constant 16 : i32
      %shift_right_logical3A_1144 = vector.broadcast %shift_right_logical3A_1143 : i32 to vector<16xi32>
      %shift_right_logical3A_1145 = arith.shrui %mul3A_1142, %shift_right_logical3A_1144 : vector<16xi32>
      %mul3A_1146 = arith.constant 10 : i32
      %mul3A_1147 = vector.broadcast %mul3A_1146 : i32 to vector<16xi32>
      %mul3A_1148 = arith.muli %shift_right_logical3A_1145, %mul3A_1147 : vector<16xi32>
      %sub3A_1149 = arith.subi %add3A_1139, %mul3A_1148 : vector<16xi32>
      tpu.vector_store_idx %arg24[%shift_right_logical3A_1145, %sub3A_1149], %gather3A_1136 : memref<64x16xi32, #tpu.memory_space<vmem>>[vector<16xi32>, vector<16xi32>], vector<16xi32>,
      %get3A_1150 = arith.constant 496 : index
      %get3A_1151 = tpu.vector_load %arg23[%get3A_1150] {strides = array<i32>} : memref<704xi32, #tpu.memory_space<vmem>>, vector<16xi32>,
      %gather3A_1152 = tpu.vector_load_idx %arg13[%get3A_1151] : memref<10240xi32, #tpu.memory_space<vmem>>[vector<16xi32>], vector<16xi32>,
      %add3A_1153 = arith.constant 496 : i32
      %add3A_1154 = vector.broadcast %add3A_1153 : i32 to vector<16xi32>
      %add3A_1155 = arith.addi %iota3A, %add3A_1154 : vector<16xi32>
      %mul3A_1156 = arith.constant 6554 : i32
      %mul3A_1157 = vector.broadcast %mul3A_1156 : i32 to vector<16xi32>
      %mul3A_1158 = arith.muli %add3A_1155, %mul3A_1157 : vector<16xi32>
      %shift_right_logical3A_1159 = arith.constant 16 : i32
      %shift_right_logical3A_1160 = vector.broadcast %shift_right_logical3A_1159 : i32 to vector<16xi32>
      %shift_right_logical3A_1161 = arith.shrui %mul3A_1158, %shift_right_logical3A_1160 : vector<16xi32>
      %mul3A_1162 = arith.constant 10 : i32
      %mul3A_1163 = vector.broadcast %mul3A_1162 : i32 to vector<16xi32>
      %mul3A_1164 = arith.muli %shift_right_logical3A_1161, %mul3A_1163 : vector<16xi32>
      %sub3A_1165 = arith.subi %add3A_1155, %mul3A_1164 : vector<16xi32>
      tpu.vector_store_idx %arg24[%shift_right_logical3A_1161, %sub3A_1165], %gather3A_1152 : memref<64x16xi32, #tpu.memory_space<vmem>>[vector<16xi32>, vector<16xi32>], vector<16xi32>,
      %get3A_1166 = arith.constant 512 : index
      %get3A_1167 = tpu.vector_load %arg23[%get3A_1166] {strides = array<i32>} : memref<704xi32, #tpu.memory_space<vmem>>, vector<16xi32>,
      %gather3A_1168 = tpu.vector_load_idx %arg13[%get3A_1167] : memref<10240xi32, #tpu.memory_space<vmem>>[vector<16xi32>], vector<16xi32>,
      %add3A_1169 = arith.constant 512 : i32
      %add3A_1170 = vector.broadcast %add3A_1169 : i32 to vector<16xi32>
      %add3A_1171 = arith.addi %iota3A, %add3A_1170 : vector<16xi32>
      %mul3A_1172 = arith.constant 6554 : i32
      %mul3A_1173 = vector.broadcast %mul3A_1172 : i32 to vector<16xi32>
      %mul3A_1174 = arith.muli %add3A_1171, %mul3A_1173 : vector<16xi32>
      %shift_right_logical3A_1175 = arith.constant 16 : i32
      %shift_right_logical3A_1176 = vector.broadcast %shift_right_logical3A_1175 : i32 to vector<16xi32>
      %shift_right_logical3A_1177 = arith.shrui %mul3A_1174, %shift_right_logical3A_1176 : vector<16xi32>
      %mul3A_1178 = arith.constant 10 : i32
      %mul3A_1179 = vector.broadcast %mul3A_1178 : i32 to vector<16xi32>
      %mul3A_1180 = arith.muli %shift_right_logical3A_1177, %mul3A_1179 : vector<16xi32>
      %sub3A_1181 = arith.subi %add3A_1171, %mul3A_1180 : vector<16xi32>
      tpu.vector_store_idx %arg24[%shift_right_logical3A_1177, %sub3A_1181], %gather3A_1168 : memref<64x16xi32, #tpu.memory_space<vmem>>[vector<16xi32>, vector<16xi32>], vector<16xi32>,
      %get3A_1182 = arith.constant 528 : index
      %get3A_1183 = tpu.vector_load %arg23[%get3A_1182] {strides = array<i32>} : memref<704xi32, #tpu.memory_space<vmem>>, vector<16xi32>,
      %gather3A_1184 = tpu.vector_load_idx %arg13[%get3A_1183] : memref<10240xi32, #tpu.memory_space<vmem>>[vector<16xi32>], vector<16xi32>,
      %add3A_1185 = arith.constant 528 : i32
      %add3A_1186 = vector.broadcast %add3A_1185 : i32 to vector<16xi32>
      %add3A_1187 = arith.addi %iota3A, %add3A_1186 : vector<16xi32>
      %mul3A_1188 = arith.constant 6554 : i32
      %mul3A_1189 = vector.broadcast %mul3A_1188 : i32 to vector<16xi32>
      %mul3A_1190 = arith.muli %add3A_1187, %mul3A_1189 : vector<16xi32>
      %shift_right_logical3A_1191 = arith.constant 16 : i32
      %shift_right_logical3A_1192 = vector.broadcast %shift_right_logical3A_1191 : i32 to vector<16xi32>
      %shift_right_logical3A_1193 = arith.shrui %mul3A_1190, %shift_right_logical3A_1192 : vector<16xi32>
      %mul3A_1194 = arith.constant 10 : i32
      %mul3A_1195 = vector.broadcast %mul3A_1194 : i32 to vector<16xi32>
      %mul3A_1196 = arith.muli %shift_right_logical3A_1193, %mul3A_1195 : vector<16xi32>
      %sub3A_1197 = arith.subi %add3A_1187, %mul3A_1196 : vector<16xi32>
      tpu.vector_store_idx %arg24[%shift_right_logical3A_1193, %sub3A_1197], %gather3A_1184 : memref<64x16xi32, #tpu.memory_space<vmem>>[vector<16xi32>, vector<16xi32>], vector<16xi32>,
      %get3A_1198 = arith.constant 544 : index
      %get3A_1199 = tpu.vector_load %arg23[%get3A_1198] {strides = array<i32>} : memref<704xi32, #tpu.memory_space<vmem>>, vector<16xi32>,
      %gather3A_1200 = tpu.vector_load_idx %arg13[%get3A_1199] : memref<10240xi32, #tpu.memory_space<vmem>>[vector<16xi32>], vector<16xi32>,
      %add3A_1201 = arith.constant 544 : i32
      %add3A_1202 = vector.broadcast %add3A_1201 : i32 to vector<16xi32>
      %add3A_1203 = arith.addi %iota3A, %add3A_1202 : vector<16xi32>
      %mul3A_1204 = arith.constant 6554 : i32
      %mul3A_1205 = vector.broadcast %mul3A_1204 : i32 to vector<16xi32>
      %mul3A_1206 = arith.muli %add3A_1203, %mul3A_1205 : vector<16xi32>
      %shift_right_logical3A_1207 = arith.constant 16 : i32
      %shift_right_logical3A_1208 = vector.broadcast %shift_right_logical3A_1207 : i32 to vector<16xi32>
      %shift_right_logical3A_1209 = arith.shrui %mul3A_1206, %shift_right_logical3A_1208 : vector<16xi32>
      %mul3A_1210 = arith.constant 10 : i32
      %mul3A_1211 = vector.broadcast %mul3A_1210 : i32 to vector<16xi32>
      %mul3A_1212 = arith.muli %shift_right_logical3A_1209, %mul3A_1211 : vector<16xi32>
      %sub3A_1213 = arith.subi %add3A_1203, %mul3A_1212 : vector<16xi32>
      tpu.vector_store_idx %arg24[%shift_right_logical3A_1209, %sub3A_1213], %gather3A_1200 : memref<64x16xi32, #tpu.memory_space<vmem>>[vector<16xi32>, vector<16xi32>], vector<16xi32>,
      %get3A_1214 = arith.constant 560 : index
      %get3A_1215 = tpu.vector_load %arg23[%get3A_1214] {strides = array<i32>} : memref<704xi32, #tpu.memory_space<vmem>>, vector<16xi32>,
      %gather3A_1216 = tpu.vector_load_idx %arg13[%get3A_1215] : memref<10240xi32, #tpu.memory_space<vmem>>[vector<16xi32>], vector<16xi32>,
      %add3A_1217 = arith.constant 560 : i32
      %add3A_1218 = vector.broadcast %add3A_1217 : i32 to vector<16xi32>
      %add3A_1219 = arith.addi %iota3A, %add3A_1218 : vector<16xi32>
      %mul3A_1220 = arith.constant 6554 : i32
      %mul3A_1221 = vector.broadcast %mul3A_1220 : i32 to vector<16xi32>
      %mul3A_1222 = arith.muli %add3A_1219, %mul3A_1221 : vector<16xi32>
      %shift_right_logical3A_1223 = arith.constant 16 : i32
      %shift_right_logical3A_1224 = vector.broadcast %shift_right_logical3A_1223 : i32 to vector<16xi32>
      %shift_right_logical3A_1225 = arith.shrui %mul3A_1222, %shift_right_logical3A_1224 : vector<16xi32>
      %mul3A_1226 = arith.constant 10 : i32
      %mul3A_1227 = vector.broadcast %mul3A_1226 : i32 to vector<16xi32>
      %mul3A_1228 = arith.muli %shift_right_logical3A_1225, %mul3A_1227 : vector<16xi32>
      %sub3A_1229 = arith.subi %add3A_1219, %mul3A_1228 : vector<16xi32>
      tpu.vector_store_idx %arg24[%shift_right_logical3A_1225, %sub3A_1229], %gather3A_1216 : memref<64x16xi32, #tpu.memory_space<vmem>>[vector<16xi32>, vector<16xi32>], vector<16xi32>,
      %get3A_1230 = arith.constant 576 : index
      %get3A_1231 = tpu.vector_load %arg23[%get3A_1230] {strides = array<i32>} : memref<704xi32, #tpu.memory_space<vmem>>, vector<16xi32>,
      %gather3A_1232 = tpu.vector_load_idx %arg13[%get3A_1231] : memref<10240xi32, #tpu.memory_space<vmem>>[vector<16xi32>], vector<16xi32>,
      %add3A_1233 = arith.constant 576 : i32
      %add3A_1234 = vector.broadcast %add3A_1233 : i32 to vector<16xi32>
      %add3A_1235 = arith.addi %iota3A, %add3A_1234 : vector<16xi32>
      %mul3A_1236 = arith.constant 6554 : i32
      %mul3A_1237 = vector.broadcast %mul3A_1236 : i32 to vector<16xi32>
      %mul3A_1238 = arith.muli %add3A_1235, %mul3A_1237 : vector<16xi32>
      %shift_right_logical3A_1239 = arith.constant 16 : i32
      %shift_right_logical3A_1240 = vector.broadcast %shift_right_logical3A_1239 : i32 to vector<16xi32>
      %shift_right_logical3A_1241 = arith.shrui %mul3A_1238, %shift_right_logical3A_1240 : vector<16xi32>
      %mul3A_1242 = arith.constant 10 : i32
      %mul3A_1243 = vector.broadcast %mul3A_1242 : i32 to vector<16xi32>
      %mul3A_1244 = arith.muli %shift_right_logical3A_1241, %mul3A_1243 : vector<16xi32>
      %sub3A_1245 = arith.subi %add3A_1235, %mul3A_1244 : vector<16xi32>
      tpu.vector_store_idx %arg24[%shift_right_logical3A_1241, %sub3A_1245], %gather3A_1232 : memref<64x16xi32, #tpu.memory_space<vmem>>[vector<16xi32>, vector<16xi32>], vector<16xi32>,
      %get3A_1246 = arith.constant 592 : index
      %get3A_1247 = tpu.vector_load %arg23[%get3A_1246] {strides = array<i32>} : memref<704xi32, #tpu.memory_space<vmem>>, vector<16xi32>,
      %gather3A_1248 = tpu.vector_load_idx %arg13[%get3A_1247] : memref<10240xi32, #tpu.memory_space<vmem>>[vector<16xi32>], vector<16xi32>,
      %add3A_1249 = arith.constant 592 : i32
      %add3A_1250 = vector.broadcast %add3A_1249 : i32 to vector<16xi32>
      %add3A_1251 = arith.addi %iota3A, %add3A_1250 : vector<16xi32>
      %mul3A_1252 = arith.constant 6554 : i32
      %mul3A_1253 = vector.broadcast %mul3A_1252 : i32 to vector<16xi32>
      %mul3A_1254 = arith.muli %add3A_1251, %mul3A_1253 : vector<16xi32>
      %shift_right_logical3A_1255 = arith.constant 16 : i32
      %shift_right_logical3A_1256 = vector.broadcast %shift_right_logical3A_1255 : i32 to vector<16xi32>
      %shift_right_logical3A_1257 = arith.shrui %mul3A_1254, %shift_right_logical3A_1256 : vector<16xi32>
      %mul3A_1258 = arith.constant 10 : i32
      %mul3A_1259 = vector.broadcast %mul3A_1258 : i32 to vector<16xi32>
      %mul3A_1260 = arith.muli %shift_right_logical3A_1257, %mul3A_1259 : vector<16xi32>
      %sub3A_1261 = arith.subi %add3A_1251, %mul3A_1260 : vector<16xi32>
      tpu.vector_store_idx %arg24[%shift_right_logical3A_1257, %sub3A_1261], %gather3A_1248 : memref<64x16xi32, #tpu.memory_space<vmem>>[vector<16xi32>, vector<16xi32>], vector<16xi32>,
      %get3A_1262 = arith.constant 608 : index
      %get3A_1263 = tpu.vector_load %arg23[%get3A_1262] {strides = array<i32>} : memref<704xi32, #tpu.memory_space<vmem>>, vector<16xi32>,
      %gather3A_1264 = tpu.vector_load_idx %arg13[%get3A_1263] : memref<10240xi32, #tpu.memory_space<vmem>>[vector<16xi32>], vector<16xi32>,
      %add3A_1265 = arith.constant 608 : i32
      %add3A_1266 = vector.broadcast %add3A_1265 : i32 to vector<16xi32>
      %add3A_1267 = arith.addi %iota3A, %add3A_1266 : vector<16xi32>
      %mul3A_1268 = arith.constant 6554 : i32
      %mul3A_1269 = vector.broadcast %mul3A_1268 : i32 to vector<16xi32>
      %mul3A_1270 = arith.muli %add3A_1267, %mul3A_1269 : vector<16xi32>
      %shift_right_logical3A_1271 = arith.constant 16 : i32
      %shift_right_logical3A_1272 = vector.broadcast %shift_right_logical3A_1271 : i32 to vector<16xi32>
      %shift_right_logical3A_1273 = arith.shrui %mul3A_1270, %shift_right_logical3A_1272 : vector<16xi32>
      %mul3A_1274 = arith.constant 10 : i32
      %mul3A_1275 = vector.broadcast %mul3A_1274 : i32 to vector<16xi32>
      %mul3A_1276 = arith.muli %shift_right_logical3A_1273, %mul3A_1275 : vector<16xi32>
      %sub3A_1277 = arith.subi %add3A_1267, %mul3A_1276 : vector<16xi32>
      tpu.vector_store_idx %arg24[%shift_right_logical3A_1273, %sub3A_1277], %gather3A_1264 : memref<64x16xi32, #tpu.memory_space<vmem>>[vector<16xi32>, vector<16xi32>], vector<16xi32>,
      %get3A_1278 = arith.constant 624 : index
      %get3A_1279 = tpu.vector_load %arg23[%get3A_1278] {strides = array<i32>} : memref<704xi32, #tpu.memory_space<vmem>>, vector<16xi32>,
      %gather3A_1280 = tpu.vector_load_idx %arg13[%get3A_1279] : memref<10240xi32, #tpu.memory_space<vmem>>[vector<16xi32>], vector<16xi32>,
      %add3A_1281 = arith.constant 624 : i32
      %add3A_1282 = vector.broadcast %add3A_1281 : i32 to vector<16xi32>
      %add3A_1283 = arith.addi %iota3A, %add3A_1282 : vector<16xi32>
      %mul3A_1284 = arith.constant 6554 : i32
      %mul3A_1285 = vector.broadcast %mul3A_1284 : i32 to vector<16xi32>
      %mul3A_1286 = arith.muli %add3A_1283, %mul3A_1285 : vector<16xi32>
      %shift_right_logical3A_1287 = arith.constant 16 : i32
      %shift_right_logical3A_1288 = vector.broadcast %shift_right_logical3A_1287 : i32 to vector<16xi32>
      %shift_right_logical3A_1289 = arith.shrui %mul3A_1286, %shift_right_logical3A_1288 : vector<16xi32>
      %mul3A_1290 = arith.constant 10 : i32
      %mul3A_1291 = vector.broadcast %mul3A_1290 : i32 to vector<16xi32>
      %mul3A_1292 = arith.muli %shift_right_logical3A_1289, %mul3A_1291 : vector<16xi32>
      %sub3A_1293 = arith.subi %add3A_1283, %mul3A_1292 : vector<16xi32>
      tpu.vector_store_idx %arg24[%shift_right_logical3A_1289, %sub3A_1293], %gather3A_1280 : memref<64x16xi32, #tpu.memory_space<vmem>>[vector<16xi32>, vector<16xi32>], vector<16xi32>,
      "tpu.region"() ({
        %run_scoped3A = tpu.sem_alloc : memref<!tpu.dma_semaphore, #tpu.memory_space<semaphore_mem>>
        tpu.enqueue_dma source(%arg24 : memref<64x16xi32, #tpu.memory_space<vmem>>) target(%arg11 : memref<64x16xi32, #tpu.memory_space<hbm>>) target_semaphore(%run_scoped3A : memref<!tpu.dma_semaphore, #tpu.memory_space<semaphore_mem>>)
        tpu.wait_dma2 semaphore(%run_scoped3A : memref<!tpu.dma_semaphore, #tpu.memory_space<semaphore_mem>>) src(%arg24 : memref<64x16xi32, #tpu.memory_space<vmem>>) dst(%arg11 : memref<64x16xi32, #tpu.memory_space<hbm>>)
        tpu.yield
      }) : () -> ()
    } else {
    }
    %lt3A_194 = arith.constant 28 : i32
    %lt3A_195 = arith.cmpi slt, %add3A, %lt3A_194 : i32
    %convert_element_type3A_196 = arith.extui %lt3A_195 : i1 to i32
    %cond3A_197 = arith.constant 0 : i32
    %cond3A_198 = arith.cmpi ne, %convert_element_type3A_196, %cond3A_197 : i32
    scf.if %cond3A_198 {
      %mul3A_209 = arith.constant 24 : i32
      %mul3A_210 = arith.muli %add3A, %mul3A_209 : i32
      "tpu.region"() ({
        %run_scoped3A = tpu.sem_alloc : memref<!tpu.dma_semaphore, #tpu.memory_space<semaphore_mem>>
        %dma_start3A = tpu.memref_slice %arg23[%mul3A_210] : memref<704xi32, #tpu.memory_space<vmem>> -> memref<24xi32, #tpu.memory_space<vmem>>
        %dma_start3A_211 = arith.constant 0 : i32
        %dma_start3A_212 = arith.constant 0 : i32
        %dma_start3A_213 = tpu.memref_slice %arg6[%dma_start3A_211, %dma_start3A_212] : memref<10000x128xf32, #tpu.memory_space<hbm>> -> memref<10000x128xf32, #tpu.memory_space<hbm>>
        tpu.enqueue_indirect_dma source(%dma_start3A_213 : memref<10000x128xf32, #tpu.memory_space<hbm>>) target(%arg25 : memref<24x128xf32, #tpu.memory_space<vmem>>) offsets(%dma_start3A : memref<24xi32, #tpu.memory_space<vmem>>) semaphore(%run_scoped3A : memref<!tpu.dma_semaphore, #tpu.memory_space<semaphore_mem>>)
        %dma_wait3A = tpu.memref_slice %arg23[%mul3A_210] : memref<704xi32, #tpu.memory_space<vmem>> -> memref<24xi32, #tpu.memory_space<vmem>>
        %dma_wait3A_214 = arith.constant 0 : i32
        %dma_wait3A_215 = arith.constant 0 : i32
        %dma_wait3A_216 = tpu.memref_slice %arg6[%dma_wait3A_214, %dma_wait3A_215] : memref<10000x128xf32, #tpu.memory_space<hbm>> -> memref<10000x128xf32, #tpu.memory_space<hbm>>
        tpu.wait_indirect_dma semaphore(%run_scoped3A : memref<!tpu.dma_semaphore, #tpu.memory_space<semaphore_mem>>) src(%dma_wait3A_216 : memref<10000x128xf32, #tpu.memory_space<hbm>>) dst(%arg25 : memref<24x128xf32, #tpu.memory_space<vmem>>)
        tpu.yield
      }) : () -> ()
    } else {
    }
    %barrier3A_199 = arith.constant 0 : index
    tpu.barrier barrier_id(%barrier3A_199)
    %mul3A_200 = arith.constant 336 : i32
    %mul3A_201 = arith.muli %arg1, %mul3A_200 : i32
    %mul3A_202 = arith.constant 336 : i32
    %mul3A_203 = arith.muli %arg1, %mul3A_202 : i32
    "tpu.region"() ({
      %run_scoped3A = tpu.sem_alloc : memref<!tpu.dma_semaphore, #tpu.memory_space<semaphore_mem>>
      %dma_start3A = arith.constant 0 : i32
      %dma_start3A_209 = tpu.memref_slice %arg9[%arg0, %mul3A_203, %dma_start3A] : memref<2x5376x128xf32, #tpu.memory_space<hbm>> -> memref<1x336x128xf32, #tpu.memory_space<hbm>>
      %dma_start3A_210 = tpu.memref_squeeze %dma_start3A_209 : memref<1x336x128xf32, #tpu.memory_space<hbm>> -> memref<336x128xf32, #tpu.memory_space<hbm>>
      %dma_start3A_211 = arith.constant 0 : i32
      %dma_start3A_212 = tpu.memref_slice %arg28[%mul3A_201, %dma_start3A_211] : memref<5376x128xf32, #tpu.memory_space<vmem_shared>> -> memref<336x128xf32, #tpu.memory_space<vmem_shared>>
      tpu.enqueue_dma source(%dma_start3A_212 : memref<336x128xf32, #tpu.memory_space<vmem_shared>>) target(%dma_start3A_210 : memref<336x128xf32, #tpu.memory_space<hbm>>) target_semaphore(%run_scoped3A : memref<!tpu.dma_semaphore, #tpu.memory_space<semaphore_mem>>)
      %dma_wait3A = arith.constant 0 : i32
      %dma_wait3A_213 = tpu.memref_slice %arg9[%arg0, %mul3A_203, %dma_wait3A] : memref<2x5376x128xf32, #tpu.memory_space<hbm>> -> memref<1x336x128xf32, #tpu.memory_space<hbm>>
      %dma_wait3A_214 = tpu.memref_squeeze %dma_wait3A_213 : memref<1x336x128xf32, #tpu.memory_space<hbm>> -> memref<336x128xf32, #tpu.memory_space<hbm>>
      %dma_wait3A_215 = arith.constant 0 : i32
      %dma_wait3A_216 = tpu.memref_slice %arg28[%mul3A_201, %dma_wait3A_215] : memref<5376x128xf32, #tpu.memory_space<vmem_shared>> -> memref<336x128xf32, #tpu.memory_space<vmem_shared>>
      tpu.wait_dma2 semaphore(%run_scoped3A : memref<!tpu.dma_semaphore, #tpu.memory_space<semaphore_mem>>) src(%dma_wait3A_216 : memref<336x128xf32, #tpu.memory_space<vmem_shared>>) dst(%dma_wait3A_214 : memref<336x128xf32, #tpu.memory_space<hbm>>)
      tpu.yield
    }) : () -> ()
    "tpu.region"() ({
      %run_scoped3A = tpu.sem_alloc : memref<!tpu.dma_semaphore, #tpu.memory_space<semaphore_mem>>
      %dma_start3A = arith.constant 0 : i32
      %dma_start3A_209 = tpu.memref_slice %arg10[%add3A, %dma_start3A] : memref<32x768xf32, #tpu.memory_space<hbm>> -> memref<1x768xf32, #tpu.memory_space<hbm>>
      %dma_start3A_210 = tpu.memref_squeeze %dma_start3A_209 : memref<1x768xf32, #tpu.memory_space<hbm>> -> memref<768xf32, #tpu.memory_space<hbm>>
      %dma_start3A_211 = arith.constant 0 : i32
      %dma_start3A_212 = tpu.memref_slice %arg10[%add3A, %dma_start3A_211] : memref<32x768xf32, #tpu.memory_space<hbm>> -> memref<1x768xf32, #tpu.memory_space<hbm>>
      %dma_start3A_213 = tpu.memref_squeeze %dma_start3A_212 : memref<1x768xf32, #tpu.memory_space<hbm>> -> memref<768xf32, #tpu.memory_space<hbm>>
      tpu.enqueue_dma source(%arg22 : memref<768xf32, #tpu.memory_space<vmem>>) target(%dma_start3A_213 : memref<768xf32, #tpu.memory_space<hbm>>) target_semaphore(%run_scoped3A : memref<!tpu.dma_semaphore, #tpu.memory_space<semaphore_mem>>)
      %dma_wait3A = arith.constant 0 : i32
      %dma_wait3A_214 = tpu.memref_slice %arg10[%add3A, %dma_wait3A] : memref<32x768xf32, #tpu.memory_space<hbm>> -> memref<1x768xf32, #tpu.memory_space<hbm>>
      %dma_wait3A_215 = tpu.memref_squeeze %dma_wait3A_214 : memref<1x768xf32, #tpu.memory_space<hbm>> -> memref<768xf32, #tpu.memory_space<hbm>>
      %dma_wait3A_216 = arith.constant 0 : i32
      %dma_wait3A_217 = tpu.memref_slice %arg10[%add3A, %dma_wait3A_216] : memref<32x768xf32, #tpu.memory_space<hbm>> -> memref<1x768xf32, #tpu.memory_space<hbm>>
      %dma_wait3A_218 = tpu.memref_squeeze %dma_wait3A_217 : memref<1x768xf32, #tpu.memory_space<hbm>> -> memref<768xf32, #tpu.memory_space<hbm>>
      tpu.wait_dma2 semaphore(%run_scoped3A : memref<!tpu.dma_semaphore, #tpu.memory_space<semaphore_mem>>) src(%arg22 : memref<768xf32, #tpu.memory_space<vmem>>) dst(%dma_wait3A_218 : memref<768xf32, #tpu.memory_space<hbm>>)
      tpu.yield
    }) : () -> ()
    %lt3A_204 = arith.constant 28 : i32
    %lt3A_205 = arith.cmpi slt, %add3A, %lt3A_204 : i32
    %convert_element_type3A_206 = arith.extui %lt3A_205 : i1 to i32
    %cond3A_207 = arith.constant 0 : i32
    %cond3A_208 = arith.cmpi ne, %convert_element_type3A_206, %cond3A_207 : i32
    scf.if %cond3A_208 {
      %mul3A_209 = arith.constant 24 : i32
      %mul3A_210 = arith.muli %add3A, %mul3A_209 : i32
      "tpu.region"() ({
        %run_scoped3A = tpu.sem_alloc : memref<!tpu.dma_semaphore, #tpu.memory_space<semaphore_mem>>
        %dma_start3A = arith.constant 0 : i32
        %dma_start3A_211 = tpu.memref_slice %arg12[%mul3A_210, %dma_start3A] : memref<672x128xf32, #tpu.memory_space<hbm>> -> memref<24x128xf32, #tpu.memory_space<hbm>>
        %dma_start3A_212 = arith.constant 0 : i32
        %dma_start3A_213 = tpu.memref_slice %arg12[%mul3A_210, %dma_start3A_212] : memref<672x128xf32, #tpu.memory_space<hbm>> -> memref<24x128xf32, #tpu.memory_space<hbm>>
        tpu.enqueue_dma source(%arg25 : memref<24x128xf32, #tpu.memory_space<vmem>>) target(%dma_start3A_213 : memref<24x128xf32, #tpu.memory_space<hbm>>) target_semaphore(%run_scoped3A : memref<!tpu.dma_semaphore, #tpu.memory_space<semaphore_mem>>)
        %dma_wait3A = arith.constant 0 : i32
        %dma_wait3A_214 = tpu.memref_slice %arg12[%mul3A_210, %dma_wait3A] : memref<672x128xf32, #tpu.memory_space<hbm>> -> memref<24x128xf32, #tpu.memory_space<hbm>>
        %dma_wait3A_215 = arith.constant 0 : i32
        %dma_wait3A_216 = tpu.memref_slice %arg12[%mul3A_210, %dma_wait3A_215] : memref<672x128xf32, #tpu.memory_space<hbm>> -> memref<24x128xf32, #tpu.memory_space<hbm>>
        tpu.wait_dma2 semaphore(%run_scoped3A : memref<!tpu.dma_semaphore, #tpu.memory_space<semaphore_mem>>) src(%arg25 : memref<24x128xf32, #tpu.memory_space<vmem>>) dst(%dma_wait3A_216 : memref<24x128xf32, #tpu.memory_space<hbm>>)
        tpu.yield
      }) : () -> ()
    } else {
    }
    return
  }
}

module attributes {stable_mosaic.version = 14 : i64} {
  func.func @_tc_kernel(%arg0: memref<2x672x1024xf32, #tpu.memory_space<vmem>>, %arg1: memref<32x768xf32, #tpu.memory_space<vmem>>, %arg2: memref<64x16xi32, #tpu.memory_space<vmem>>, %arg3: memref<672x128xf32, #tpu.memory_space<vmem>>, %arg4: memref<1024x128xf32, #tpu.memory_space<vmem>>, %arg5: memref<128x128xf32, #tpu.memory_space<vmem>>, %arg6: memref<128x128xf32, #tpu.memory_space<vmem>>, %arg7: memref<1x128xf32, #tpu.memory_space<vmem>>, %arg8: memref<128x1xf32, #tpu.memory_space<vmem>>, %arg9: memref<1x1xf32, #tpu.memory_space<vmem>>, %arg10: memref<64x1xf32, #tpu.memory_space<vmem>>) attributes {dimension_semantics = [], scalar_prefetch = 0 : i64, scratch_operands = 0 : i64, tpu.core_type = #tpu.core_type<tc>} {
    %get3A = arith.constant 0 : index
    %get3A_0 = arith.constant 0 : index
    %get3A_1 = arith.constant 0 : index
    %get3A_2 = vector.load %arg0[%get3A, %get3A_0, %get3A_1] : memref<2x672x1024xf32, #tpu.memory_space<vmem>>, vector<1x672x1024xf32>
    %get3A_3 = vector.shape_cast %get3A_2 : vector<1x672x1024xf32> to vector<672x1024xf32>
    %get3A_4 = arith.constant 1 : index
    %get3A_5 = arith.constant 0 : index
    %get3A_6 = arith.constant 0 : index
    %get3A_7 = vector.load %arg0[%get3A_4, %get3A_5, %get3A_6] : memref<2x672x1024xf32, #tpu.memory_space<vmem>>, vector<1x672x1024xf32>
    %get3A_8 = vector.shape_cast %get3A_7 : vector<1x672x1024xf32> to vector<672x1024xf32>
    %add3A = arith.addf %get3A_3, %get3A_8 : vector<672x1024xf32>
    %get3A_9 = arith.constant 0 : index
    %get3A_10 = arith.constant 0 : index
    %get3A_11 = vector.load %arg4[%get3A_9, %get3A_10] : memref<1024x128xf32, #tpu.memory_space<vmem>>, vector<1024x128xf32>
    %dot_general3A = arith.constant dense<0.000000e+00> : vector<672x128xf32>
    %dot_general3A_12 = tpu.matmul %add3A, %get3A_11, %dot_general3A {dimension_numbers = #tpu.dot_dimension_numbers<[1], [0], [0], [1], [0, 0, 1, 1], [], []>, transpose_lhs_hint = false} : vector<672x1024xf32>, vector<1024x128xf32>, vector<672x128xf32> -> vector<672x128xf32>
    %get3A_13 = arith.constant 0 : index
    %get3A_14 = arith.constant 0 : index
    %get3A_15 = vector.load %arg1[%get3A_13, %get3A_14] : memref<32x768xf32, #tpu.memory_space<vmem>>, vector<32x768xf32>
    %reduce_sum3A = arith.constant dense<0.000000e+00> : vector<768xf32>
    %reduce_sum3A_16 = vector.multi_reduction <add>, %get3A_15, %reduce_sum3A [0] : vector<32x768xf32> to vector<768xf32>
    %slice3A = vector.extract_strided_slice %reduce_sum3A_16 {offsets = [0], sizes = [672], strides = [1]} : vector<768xf32> to vector<672xf32>
    %reshape3A = vector.shape_cast %slice3A : vector<672xf32> to vector<1x672xf32>
    %broadcast_in_dim3A = vector.shape_cast %reshape3A : vector<1x672xf32> to vector<1x672xf32>
    %broadcast_in_dim3A_17 = vector.broadcast %broadcast_in_dim3A : vector<1x672xf32> to vector<672x672xf32>
    %iota3A = tpu.iota {dimensions = array<i32: 0>} : vector<672x672xi32>
    %iota3A_18 = tpu.iota {dimensions = array<i32: 1>} : vector<672x672xi32>
    %eq3A = arith.cmpi eq, %iota3A, %iota3A_18 : vector<672x672xi32>
    %jit3A = arith.constant 0.000000e+00 : f32
    %broadcast_in_dim3A_19 = vector.broadcast %jit3A : f32 to vector<672x672xf32>
    %select_n3A = arith.select %eq3A, %broadcast_in_dim3A_17, %broadcast_in_dim3A_19 : vector<672x672xi1>, vector<672x672xf32>
    %reduce_sum3A_20 = arith.constant dense<0.000000e+00> : vector<672xf32>
    %reduce_sum3A_21 = vector.multi_reduction <add>, %select_n3A, %reduce_sum3A_20 [1] : vector<672x672xf32> to vector<672xf32>
    %broadcast_in_dim3A_22 = vector.shape_cast %reduce_sum3A_21 : vector<672xf32> to vector<672x1xf32>
    %max3A = arith.constant 1.000000e+00 : f32
    %max3A_23 = vector.broadcast %max3A : f32 to vector<672x1xf32>
    %max3A_24 = arith.maximumf %broadcast_in_dim3A_22, %max3A_23 : vector<672x1xf32>
    %div3A = vector.broadcast %max3A_24 : vector<672x1xf32> to vector<672x128xf32>
    %div3A_25 = arith.divf %dot_general3A_12, %div3A : vector<672x128xf32>
    %get3A_26 = arith.constant 0 : index
    %get3A_27 = arith.constant 0 : index
    %get3A_28 = vector.load %arg3[%get3A_26, %get3A_27] : memref<672x128xf32, #tpu.memory_space<vmem>>, vector<672x128xf32>
    %get3A_29 = arith.constant 0 : index
    %get3A_30 = arith.constant 0 : index
    %get3A_31 = vector.load %arg5[%get3A_29, %get3A_30] : memref<128x128xf32, #tpu.memory_space<vmem>>, vector<128x128xf32>
    %dot_general3A_32 = arith.constant dense<0.000000e+00> : vector<672x128xf32>
    %dot_general3A_33 = tpu.matmul %get3A_28, %get3A_31, %dot_general3A_32 {dimension_numbers = #tpu.dot_dimension_numbers<[1], [0], [0], [1], [0, 0, 1, 1], [], []>, transpose_lhs_hint = false} : vector<672x128xf32>, vector<128x128xf32>, vector<672x128xf32> -> vector<672x128xf32>
    %add3A_34 = arith.addf %div3A_25, %dot_general3A_33 : vector<672x128xf32>
    %max3A_35 = arith.constant 0.000000e+00 : f32
    %max3A_36 = vector.broadcast %max3A_35 : f32 to vector<672x128xf32>
    %max3A_37 = arith.maximumf %add3A_34, %max3A_36 : vector<672x128xf32>
    %get3A_38 = arith.constant 0 : index
    %get3A_39 = arith.constant 0 : index
    %get3A_40 = vector.load %arg2[%get3A_38, %get3A_39] : memref<64x16xi32, #tpu.memory_space<vmem>>, vector<64x16xi32>
    %iota3A_41 = tpu.iota {dimensions = array<i32: 1>} : vector<64x672xi32>
    %broadcast_in_dim3A_42 = arith.constant 0.000000e+00 : f32
    %broadcast_in_dim3A_43 = vector.broadcast %broadcast_in_dim3A_42 : f32 to vector<64x672xf32>
    %slice3A_44 = vector.extract_strided_slice %get3A_40 {offsets = [0, 0], sizes = [64, 1], strides = [1, 1]} : vector<64x16xi32> to vector<64x1xi32>
    %eq3A_45 = vector.broadcast %slice3A_44 : vector<64x1xi32> to vector<64x672xi32>
    %eq3A_46 = arith.cmpi eq, %eq3A_45, %iota3A_41 : vector<64x672xi32>
    %convert_element_type3A = arith.extui %eq3A_46 : vector<64x672xi1> to vector<64x672xi32>
    %convert_element_type3A_47 = arith.sitofp %convert_element_type3A : vector<64x672xi32> to vector<64x672xf32>
    %add3A_48 = arith.addf %broadcast_in_dim3A_43, %convert_element_type3A_47 : vector<64x672xf32>
    %slice3A_49 = vector.extract_strided_slice %get3A_40 {offsets = [0, 1], sizes = [64, 1], strides = [1, 1]} : vector<64x16xi32> to vector<64x1xi32>
    %eq3A_50 = vector.broadcast %slice3A_49 : vector<64x1xi32> to vector<64x672xi32>
    %eq3A_51 = arith.cmpi eq, %eq3A_50, %iota3A_41 : vector<64x672xi32>
    %convert_element_type3A_52 = arith.extui %eq3A_51 : vector<64x672xi1> to vector<64x672xi32>
    %convert_element_type3A_53 = arith.sitofp %convert_element_type3A_52 : vector<64x672xi32> to vector<64x672xf32>
    %add3A_54 = arith.addf %add3A_48, %convert_element_type3A_53 : vector<64x672xf32>
    %slice3A_55 = vector.extract_strided_slice %get3A_40 {offsets = [0, 2], sizes = [64, 1], strides = [1, 1]} : vector<64x16xi32> to vector<64x1xi32>
    %eq3A_56 = vector.broadcast %slice3A_55 : vector<64x1xi32> to vector<64x672xi32>
    %eq3A_57 = arith.cmpi eq, %eq3A_56, %iota3A_41 : vector<64x672xi32>
    %convert_element_type3A_58 = arith.extui %eq3A_57 : vector<64x672xi1> to vector<64x672xi32>
    %convert_element_type3A_59 = arith.sitofp %convert_element_type3A_58 : vector<64x672xi32> to vector<64x672xf32>
    %add3A_60 = arith.addf %add3A_54, %convert_element_type3A_59 : vector<64x672xf32>
    %slice3A_61 = vector.extract_strided_slice %get3A_40 {offsets = [0, 3], sizes = [64, 1], strides = [1, 1]} : vector<64x16xi32> to vector<64x1xi32>
    %eq3A_62 = vector.broadcast %slice3A_61 : vector<64x1xi32> to vector<64x672xi32>
    %eq3A_63 = arith.cmpi eq, %eq3A_62, %iota3A_41 : vector<64x672xi32>
    %convert_element_type3A_64 = arith.extui %eq3A_63 : vector<64x672xi1> to vector<64x672xi32>
    %convert_element_type3A_65 = arith.sitofp %convert_element_type3A_64 : vector<64x672xi32> to vector<64x672xf32>
    %add3A_66 = arith.addf %add3A_60, %convert_element_type3A_65 : vector<64x672xf32>
    %slice3A_67 = vector.extract_strided_slice %get3A_40 {offsets = [0, 4], sizes = [64, 1], strides = [1, 1]} : vector<64x16xi32> to vector<64x1xi32>
    %eq3A_68 = vector.broadcast %slice3A_67 : vector<64x1xi32> to vector<64x672xi32>
    %eq3A_69 = arith.cmpi eq, %eq3A_68, %iota3A_41 : vector<64x672xi32>
    %convert_element_type3A_70 = arith.extui %eq3A_69 : vector<64x672xi1> to vector<64x672xi32>
    %convert_element_type3A_71 = arith.sitofp %convert_element_type3A_70 : vector<64x672xi32> to vector<64x672xf32>
    %add3A_72 = arith.addf %add3A_66, %convert_element_type3A_71 : vector<64x672xf32>
    %slice3A_73 = vector.extract_strided_slice %get3A_40 {offsets = [0, 5], sizes = [64, 1], strides = [1, 1]} : vector<64x16xi32> to vector<64x1xi32>
    %eq3A_74 = vector.broadcast %slice3A_73 : vector<64x1xi32> to vector<64x672xi32>
    %eq3A_75 = arith.cmpi eq, %eq3A_74, %iota3A_41 : vector<64x672xi32>
    %convert_element_type3A_76 = arith.extui %eq3A_75 : vector<64x672xi1> to vector<64x672xi32>
    %convert_element_type3A_77 = arith.sitofp %convert_element_type3A_76 : vector<64x672xi32> to vector<64x672xf32>
    %add3A_78 = arith.addf %add3A_72, %convert_element_type3A_77 : vector<64x672xf32>
    %slice3A_79 = vector.extract_strided_slice %get3A_40 {offsets = [0, 6], sizes = [64, 1], strides = [1, 1]} : vector<64x16xi32> to vector<64x1xi32>
    %eq3A_80 = vector.broadcast %slice3A_79 : vector<64x1xi32> to vector<64x672xi32>
    %eq3A_81 = arith.cmpi eq, %eq3A_80, %iota3A_41 : vector<64x672xi32>
    %convert_element_type3A_82 = arith.extui %eq3A_81 : vector<64x672xi1> to vector<64x672xi32>
    %convert_element_type3A_83 = arith.sitofp %convert_element_type3A_82 : vector<64x672xi32> to vector<64x672xf32>
    %add3A_84 = arith.addf %add3A_78, %convert_element_type3A_83 : vector<64x672xf32>
    %slice3A_85 = vector.extract_strided_slice %get3A_40 {offsets = [0, 7], sizes = [64, 1], strides = [1, 1]} : vector<64x16xi32> to vector<64x1xi32>
    %eq3A_86 = vector.broadcast %slice3A_85 : vector<64x1xi32> to vector<64x672xi32>
    %eq3A_87 = arith.cmpi eq, %eq3A_86, %iota3A_41 : vector<64x672xi32>
    %convert_element_type3A_88 = arith.extui %eq3A_87 : vector<64x672xi1> to vector<64x672xi32>
    %convert_element_type3A_89 = arith.sitofp %convert_element_type3A_88 : vector<64x672xi32> to vector<64x672xf32>
    %add3A_90 = arith.addf %add3A_84, %convert_element_type3A_89 : vector<64x672xf32>
    %slice3A_91 = vector.extract_strided_slice %get3A_40 {offsets = [0, 8], sizes = [64, 1], strides = [1, 1]} : vector<64x16xi32> to vector<64x1xi32>
    %eq3A_92 = vector.broadcast %slice3A_91 : vector<64x1xi32> to vector<64x672xi32>
    %eq3A_93 = arith.cmpi eq, %eq3A_92, %iota3A_41 : vector<64x672xi32>
    %convert_element_type3A_94 = arith.extui %eq3A_93 : vector<64x672xi1> to vector<64x672xi32>
    %convert_element_type3A_95 = arith.sitofp %convert_element_type3A_94 : vector<64x672xi32> to vector<64x672xf32>
    %add3A_96 = arith.addf %add3A_90, %convert_element_type3A_95 : vector<64x672xf32>
    %slice3A_97 = vector.extract_strided_slice %get3A_40 {offsets = [0, 9], sizes = [64, 1], strides = [1, 1]} : vector<64x16xi32> to vector<64x1xi32>
    %eq3A_98 = vector.broadcast %slice3A_97 : vector<64x1xi32> to vector<64x672xi32>
    %eq3A_99 = arith.cmpi eq, %eq3A_98, %iota3A_41 : vector<64x672xi32>
    %convert_element_type3A_100 = arith.extui %eq3A_99 : vector<64x672xi1> to vector<64x672xi32>
    %convert_element_type3A_101 = arith.sitofp %convert_element_type3A_100 : vector<64x672xi32> to vector<64x672xf32>
    %add3A_102 = arith.addf %add3A_96, %convert_element_type3A_101 : vector<64x672xf32>
    %dot_general3A_103 = arith.constant dense<0.000000e+00> : vector<64x128xf32>
    %dot_general3A_104 = tpu.matmul %add3A_102, %max3A_37, %dot_general3A_103 {dimension_numbers = #tpu.dot_dimension_numbers<[1], [0], [0], [1], [0, 0, 1, 1], [], []>, transpose_lhs_hint = false} : vector<64x672xf32>, vector<672x128xf32>, vector<64x128xf32> -> vector<64x128xf32>
    %mul3A = arith.constant 1.000000e-01 : f32
    %mul3A_105 = vector.broadcast %mul3A : f32 to vector<64x128xf32>
    %mul3A_106 = arith.mulf %dot_general3A_104, %mul3A_105 : vector<64x128xf32>
    %get3A_107 = arith.constant 0 : index
    %get3A_108 = arith.constant 0 : index
    %get3A_109 = vector.load %arg6[%get3A_107, %get3A_108] : memref<128x128xf32, #tpu.memory_space<vmem>>, vector<128x128xf32>
    %dot_general3A_110 = arith.constant dense<0.000000e+00> : vector<64x128xf32>
    %dot_general3A_111 = tpu.matmul %mul3A_106, %get3A_109, %dot_general3A_110 {dimension_numbers = #tpu.dot_dimension_numbers<[1], [0], [0], [1], [0, 0, 1, 1], [], []>, transpose_lhs_hint = false} : vector<64x128xf32>, vector<128x128xf32>, vector<64x128xf32> -> vector<64x128xf32>
    %get3A_112 = arith.constant 0 : index
    %get3A_113 = arith.constant 0 : index
    %get3A_114 = vector.load %arg7[%get3A_112, %get3A_113] : memref<1x128xf32, #tpu.memory_space<vmem>>, vector<1x128xf32>
    %add3A_115 = vector.broadcast %get3A_114 : vector<1x128xf32> to vector<64x128xf32>
    %add3A_116 = arith.addf %dot_general3A_111, %add3A_115 : vector<64x128xf32>
    %max3A_117 = arith.constant 0.000000e+00 : f32
    %max3A_118 = vector.broadcast %max3A_117 : f32 to vector<64x128xf32>
    %max3A_119 = arith.maximumf %add3A_116, %max3A_118 : vector<64x128xf32>
    %get3A_120 = arith.constant 0 : index
    %get3A_121 = arith.constant 0 : index
    %get3A_122 = vector.load %arg8[%get3A_120, %get3A_121] : memref<128x1xf32, #tpu.memory_space<vmem>>, vector<128x1xf32>
    %dot_general3A_123 = arith.constant dense<0.000000e+00> : vector<64x1xf32>
    %dot_general3A_124 = tpu.matmul %max3A_119, %get3A_122, %dot_general3A_123 {dimension_numbers = #tpu.dot_dimension_numbers<[1], [0], [0], [1], [0, 0, 1, 1], [], []>, transpose_lhs_hint = false} : vector<64x128xf32>, vector<128x1xf32>, vector<64x1xf32> -> vector<64x1xf32>
    %get3A_125 = arith.constant 0 : index
    %get3A_126 = arith.constant 0 : index
    %get3A_127 = vector.load %arg9[%get3A_125, %get3A_126] : memref<1x1xf32, #tpu.memory_space<vmem>>, vector<1x1xf32>
    %add3A_128 = vector.broadcast %get3A_127 : vector<1x1xf32> to vector<64x1xf32>
    %add3A_129 = arith.addf %dot_general3A_124, %add3A_128 : vector<64x1xf32>
    %logistic3A = arith.negf %add3A_129 : vector<64x1xf32>
    %logistic3A_130 = math.exp %logistic3A : vector<64x1xf32>
    %logistic3A_131 = arith.constant 1.000000e+00 : f32
    %logistic3A_132 = vector.broadcast %logistic3A_131 : f32 to vector<64x1xf32>
    %logistic3A_133 = arith.addf %logistic3A_132, %logistic3A_130 : vector<64x1xf32>
    %logistic3A_134 = arith.divf %logistic3A_132, %logistic3A_133 : vector<64x1xf32>
    %swap3A = arith.constant 0 : index
    %swap3A_135 = arith.constant 0 : index
    %swap3A_136 = vector.load %arg10[%swap3A, %swap3A_135] : memref<64x1xf32, #tpu.memory_space<vmem>>, vector<64x1xf32>
    tpu.vector_store %arg10[%swap3A, %swap3A_135], %logistic3A_134 {strides = array<i32>} : memref<64x1xf32, #tpu.memory_space<vmem>>, vector<64x1xf32>,
    return
  }
}

</mosaic_0001>

<sc_bundles>
// kernel: kernel.4.cloned.1.call-start
scs
__scs_entry_jumppad:
0x0: {  	(pc) =	sbr.rel $0x88, $3  }
0x1: {  	(tag) =	ssettag $0x0;
	lr =	simm.s32 $0x1  }
0x2: {  	[smem:$0x3F97] =	sst lr;
	_ =	strace $0xD0000000  }
0x3: {  	_ = 	snop  }
0x4: {  	_ = 	snop  }
0x5: {  	_ = 	snop  }
0x6: {  	_ = 	snop  }
0x7: {  	_ = 	snop  }
__scs_overlays_trampoline_lowered:
0x8: {  	[smem:$0x3FA6] =	sst s0  }
0x9: {  	[smem:$0x3FA7] =	sst s1  }
0xa: {  	[smem:$0x3FA8] =	sst s2  }
0xb: {  	[smem:$0x3FA9] =	sst s3  }
0xc: {  	[smem:$0x3FAA] =	sst s4  }
0xd: {  	[smem:$0x3FAB] =	sst s5  }
0xe: {  	[smem:$0x3FAC] =	sst s6  }
0xf: {  	[smem:$0x3FAD] =	sst s7  }
0x10: {  	[smem:$0x3FAE] =	sst s8  }
0x11: {  	[smem:$0x3FAF] =	sst s9;
	s0 =	simm.s32 @!p0 $0x0  }
0x12: {  	s1 =	sld [smem:$0x3F95];
	s0 =	simm.s32 @p0 $0x1  }
0x13: {  	[smem:$0x3FB0] =	sst s0;
	s0 =	simm.s32 @!p1 $0x0  }
0x14: {  	s2 =	sld [smem:$0x3F94];
	s0 =	simm.s32 @p1 $0x1  }
0x15: {  	[smem:$0x3FB1] =	sst s0;
	s0 =	simm.s32 @!p2 $0x0  }
0x16: {  	s3 =	sld [smem:$0x3FDB];
	s0 =	simm.s32 @p2 $0x1  }
0x17: {  	s4 =	simm.s32 $0x1BF5;
	[smem:$0x3FB3] =	sst s0  }
0x18: {  	s0 =	sld [smem:$0x3F96];
	_ =	swait.ge [sflag:s4], $0x0  }
0x19: {  	s7 =	sld [smem:$0x3F97]  }
0x1a: {  	s8 =	sadd.s32 $0xFFFFE003, lr  }
0x1b: {  	s9 =	sadd.s32 $0xFFFFFEF7, lr;
	s5 =	simm.s32 $0xFFFFFFFF;
	p2 =	slt.u32 s8, $0xFFFFF086  }
0x1c: {  	p1 =	slt.u32 s9, $0xF7A;
	s5 =	simm.s32 @!p2 $0x0  }
0x1d: {  	s5 =	simm.s32 @p1 $0x1;
	p0 =	seq.s32 s7, s2  }
0x1e: {  	s7 =	smul.u32 @!p0 $0xF7A, s2;
	p2 =	seq.s32 @!p0 s5, $0x0  }
0x1f: {  	s9 =	smul.u32 $0xF7A, s1;
	s8 =	simm.s32 @!p0 $0x1BF5;
	p2 =	por !p2, p0  }
0x20: {  	[sflag:s8] =	ssyncset.s32 @!p0 $0xFFFFF086;
	s6 =	sadd.s32 @!p0 s3, s7;
	s7 =	simm.s32 @!p0 $0x108  }
0x21: {  	s3 =	sadd.s32 s3, s9;
	s6 =	sadd.s32 @!p0 $0x88, s6;
	s7 =	simm.s32 @p2 $0x1082  }
0x22: {  	[simem:s7], [sflag:s8] =	dma.local @!p0 [hbm:s6], $0xF7A  }
0x23: {  	s9 =	sor.u32 $0xD0000000, s2;
	s6 =	simm.s32 $0x108;
	_ =	swait.ge @!p0 [sflag:s8], $0x0  }
0x24: {  	s3 =	sadd.s32 $0x88, s3;
	s6 =	simm.s32 @!p1 $0x1082;
	[sflag:s4] =	ssyncset.s32 $0xFFFFF086  }
0x25: {  	[simem:s6], [sflag:s4] =	dma.local [hbm:s3], $0xF7A  }
0x26: {  	[smem:$0x3F97] =	sst s1;
	(tag) =	ssettag s2;
	_ =	strace s9  }
0x27: {  	s1 =	sld [smem:$0x3FA7]  }
0x28: {  	s2 =	sld [smem:$0x3FA8]  }
0x29: {  	s4 =	sld [smem:$0x3FAA]  }
0x2a: {  	p0 =	seq.s32 s5, $0x0;
	s5 =	sld [smem:$0x3FAB]  }
0x2b: {  	s6 =	sld [smem:$0x3FAC]  }
0x2c: {  	s7 =	sld [smem:$0x3FAD]  }
0x2d: {  	s3 =	simm.s32 $0x108;
	s8 =	sld [smem:$0x3FAE]  }
0x2e: {  	s3 =	simm.s32 @!p0 $0x1082;
	s9 =	sld [smem:$0x3FAF]  }
0x2f: {  	lr =	sadd.s32 s0, s3;
	s0 =	sld [smem:$0x3FA6]  }
0x30: {  	s3 =	sld [smem:$0x3FA9]  }
0x31: {  	[smem:$0x3FB2] =	sst s10  }
0x32: {  	s10 =	sld [smem:$0x3FB0];
	_ =	sdelay $0x3  }
0x33: {  	p0 =	seq.s32 s10, $0x1;
	s10 =	sld [smem:$0x3FB2];
	_ =	sdelay $0x3  }
0x34: {  	[smem:$0x3FB2] =	sst s10  }
0x35: {  	s10 =	sld [smem:$0x3FB1];
	_ =	sdelay $0x3  }
0x36: {  	p1 =	seq.s32 s10, $0x1;
	s10 =	sld [smem:$0x3FB2];
	_ =	sdelay $0x3  }
0x37: {  	[smem:$0x3FB2] =	sst s10  }
0x38: {  	s10 =	sld [smem:$0x3FB3]  }
0x39: {  	_ = 	snop;
	(pc) =	sbr.ind lr, $3  }
0x3a: {  	_ = 	snop  }
0x3b: {  	_ = 	snop  }
0x3c: {  	p2 =	seq.s32 s10, $0x1;
	s10 =	sld [smem:$0x3FB2]  }
0x3d: {  	_ =	shalt  }
0x3e: {  	_ =	shalt  }
0x3f: {  	_ =	shalt  }
0x40: {  	_ =	shalt  }
0x41: {  	_ =	shalt  }
0x42: {  	_ =	shalt  }
0x43: {  	_ =	shalt  }
0x44: {  	_ =	shalt  }
0x45: {  	_ =	shalt  }
0x46: {  	_ =	shalt  }
0x47: {  	_ =	shalt  }
0x48: {  	_ =	shalt  }
0x49: {  	_ =	shalt  }
0x4a: {  	_ =	shalt  }
0x4b: {  	_ =	shalt  }
0x4c: {  	_ =	shalt  }
0x4d: {  	_ =	shalt  }
0x4e: {  	_ =	shalt  }
0x4f: {  	_ =	shalt  }
0x50: {  	_ =	shalt  }
0x51: {  	_ =	shalt  }
0x52: {  	_ =	shalt  }
0x53: {  	_ =	shalt  }
0x54: {  	_ =	shalt  }
0x55: {  	_ =	shalt  }
0x56: {  	_ =	shalt  }
0x57: {  	_ =	shalt  }
0x58: {  	_ =	shalt  }
0x59: {  	_ =	shalt  }
0x5a: {  	_ =	shalt  }
0x5b: {  	_ =	shalt  }
0x5c: {  	_ =	shalt  }
0x5d: {  	_ =	shalt  }
0x5e: {  	_ =	shalt  }
0x5f: {  	_ =	shalt  }
0x60: {  	_ =	shalt  }
0x61: {  	_ =	shalt  }
0x62: {  	_ =	shalt  }
0x63: {  	_ =	shalt  }
0x64: {  	_ =	shalt  }
0x65: {  	_ =	shalt  }
0x66: {  	_ =	shalt  }
0x67: {  	_ =	shalt  }
0x68: {  	_ =	shalt  }
0x69: {  	_ =	shalt  }
0x6a: {  	_ =	shalt  }
0x6b: {  	_ =	shalt  }
0x6c: {  	_ =	shalt  }
0x6d: {  	_ =	shalt  }
0x6e: {  	_ =	shalt  }
0x6f: {  	_ =	shalt  }
0x70: {  	_ =	shalt  }
0x71: {  	_ =	shalt  }
0x72: {  	_ =	shalt  }
0x73: {  	_ =	shalt  }
0x74: {  	_ =	shalt  }
0x75: {  	_ =	shalt  }
0x76: {  	_ =	shalt  }
0x77: {  	_ =	shalt  }
0x78: {  	_ =	shalt  }
0x79: {  	_ =	shalt  }
0x7a: {  	_ =	shalt  }
0x7b: {  	_ =	shalt  }
0x7c: {  	_ =	shalt  }
0x7d: {  	_ =	shalt  }
0x7e: {  	_ =	shalt  }
0x7f: {  	_ =	shalt  }
0x80: {  	_ =	shalt  }
0x81: {  	_ =	shalt  }
0x82: {  	_ =	shalt  }
0x83: {  	_ =	shalt  }
0x84: {  	_ =	shalt  }
0x85: {  	_ =	shalt  }
0x86: {  	_ =	shalt  }
0x87: {  	_ =	shalt  }
.Lfunc_end0:
.L_simem_size_0:
called_computation_lowered:
.L_overlay_start_0:
0x88: {  	s2 =	sld [smem:$0x3FD9]  }
0x89: {  	s3 =	sld [smem:$0x3FFE];
	_ =	sdelay $0x1  }
0x8a: {  	s1 =	srdreg.scid  }
0x8b: {  	s0 =	sand.u32 $0x1, s1  }
0x8c: {  	s17 =	sshll.u32 s0, $0xA;
	s2 =	sadd.s32 s3, s2  }
0x8d: {  	s2 =	sadd.s32 s2, s17  }
0x8e: {  	[smem:$0x3FBE] =	sst s2  }
0x8f: {  	_ = 	snop  }
0x90: {  	s2 =	sld [smem:$0x3FC7]  }
0x91: {  	s18 =	sld [smem:$0x3FC6];
	(tm) =	ssettm $0x1  }
0x92: {  	s4 =	sld [smem:$0x3FFB];
	_ =	sdelay $0x3  }
0x93: {  	_ =	strace s4  }
0x94: {  	s4 =	sld [smem:$0x3FFC];
	_ =	sdelay $0x3  }
0x95: {  	_ =	strace s4  }
0x96: {  	s4 =	sld [smem:$0x3FFD];
	_ =	sdelay $0x3  }
0x97: {  	_ =	strace s4  }
0x98: {  	_ =	strace $0x8FFFFFFF  }
0x99: {  	s19 =	sld [smem:$0x3FDB];
	_ =	sdelay $0x1  }
0x9a: {  	s5 =	simm.s32 $_scs_section_size  }
0x9b: {  	s6 =	simm.s32 $_size__tile_overlayer_lowered;
	s7 =	simm.s32 $_tile_overlayer_lowered  }
0x9c: {  	s22 =	simm.s32 $0x1BFF;
	s21 =	sshll.u32 s7, $0x1;
	s4 =	sadd.s32 s5, s19  }
0x9d: {  	s8 =	simm.s32 $0x0;
	s20 =	sshll.u32 s6, $0x1;
	s6 =	sadd.s32 s21, s4  }
0x9e: {  	[timem:s8], [sflag:s22] =	dma.local [hbm:s6], s20  }
0x9f: {  	_ =	swait.ge [sflag:s22], s20  }
0xa0: {  	s5 =	ssub.s32 $0x0, s20;
	[sflag:s22] =	ssyncset.done $0x0  }
0xa1: {  	[sflag:s22] =	ssyncadd.s32 s5;
	_ =	sdelay $0x1  }
0xa2: {  	s23 =	simm.s32 $0x1B8B  }
0xa3: {  	_ =	swait.ge [sflag:s23], $0x1  }
0xa4: {  	[sflag:s23] =	ssyncset.done $0x0  }
0xa5: {  	s25 =	simm.s32 $0x1B8E;
	s24 =	sld [smem:$0x3FFE];
	[sflag:s23] =	ssyncadd.s32 $0xFFFFFFFF  }
0xa6: {  	s26 =	simm.s32 $execute0_lowered;
	[smem:$0x3FD2] =	sst s25  }
0xa7: {  	s6 =	sshll.u32 s26, $0x1;
	_ =	strace $0x80000046;
	[dreg:$0x1] =	wrdreg $0xFFFFFFFF  }
0xa8: {  	s28 =	simm.s32 $_size_execute0_lowered;
	s4 =	sadd.s32 s4, s6;
	[dreg:$0x0] =	wrdreg $0x0  }
0xa9: {  	s6 =	sshll.u32 s28, $0x1;
	[dreg:$0x2] =	wrdreg s4  }
0xaa: {  	[dreg:$0x3] =	wrdreg s6  }
0xab: {  	[dreg:$0x4] =	wrdreg $0xC0  }
0xac: {  	_ =	task [dreg:s8], $0x5FFFF  }
0xad: {  	[dreg:$0x1] =	wrdreg $0xFFFFFFFF  }
0xae: {  	[dreg:$0x0] =	wrdreg $0x60  }
0xaf: {  	[dreg:$0x2] =	wrdreg s24  }
0xb0: {  	[dreg:$0x3] =	wrdreg s2  }
0xb1: {  	[dreg:$0x4] =	wrdreg s18  }
0xb2: {  	[dreg:$0x5] =	wrdreg $0x142800  }
0xb3: {  	[dreg:$0x6] =	wrdreg $0x9  }
0xb4: {  	_ =	task.clear_ibuf [dreg:s8], $0x7FFFF;
	_ =	strace $0x90000046  }
0xb5: {  	s29 =	simm.s32 $0x9;
	_ =	strace $0x80000048  }
0xb6: {  	_ =	swait.ge [sflag:s29], $0x1  }
0xb7: {  	[sflag:s29] =	ssyncadd.s32 $0xFFFFFFFF  }
0xb8: {  	_ =	strace $0x90000048  }
0xb9: {  	_ =	sfence  }
0xba: {  	s30 =	sld [smem:$0x0];
	_ =	sdelay $0x2  }
0xbb: {  	s31 =	sshll.u32 s1, $0xD;
	s1 =	sshrl.u32 s1, $0x2  }
0xbc: {  	s3 =	sand.u32 $0x4000, s31;
	s1 =	sadd.s32 s1, s30  }
0xbd: {  	s0 =	sor.u32 s3, s0;
	s1 =	sshll.u32 s1, $0x11  }
0xbe: {  	s0 =	sor.u32 s1, s0  }
0xbf: {  	s0 =	sadd.s32 $0x8F2B, s0  }
0xc0: {  	[sflag:s0] =	ssyncadd.remote.s32 $0x1  }
0xc1: {  	_ =	sfence.sel $0xFFFF  }
0xc2: {  	[dreg:$0x0] =	wrdreg $0xFFFFFFFF;
	(pc) =	sbr.abs _section_cstart, $3  }
0xc3: {  	[dreg:$0x1] =	wrdreg $0xFFFFFFFF  }
0xc4: {  	_ =	task.clear_ibuf [dreg:s8], $0x2FFFF;
	_ =	strace $0x9FFFFFFF  }
0xc5: {  	(tm) =	ssettm $0x7FFFFFFF  }
tec
execute0_lowered:
.L_overlay_start_1:
0x0: {  	(tag) =	ssettag $0x1  }
0x1: {  	v0 =	vimm.f32 $0.0e+00;
	v1 =	vimm.s32 $0x0  }
0x2: {  	v2 =	vlaneseq.u32;
	v3 =	vimm.s32 $0x81800908;
	v4 =	vimm.s32 $0x89888786  }
0x3: {  	v5 =	vimm.s32 $0x85848382;
	v6 =	vimm.s32 $0x76543210;
	vm0 =	vcmask $0x1F10  }
0x4: {  	vm1 =	vcmask $0xF00;
	vm7 =	vcmask $0x1310;
	vm3 =	vcmask $0x1714  }
0x5: {  	vm2 =	vcmask $0x1B18;
	v7 =	vimm.s32 $0x207;
	vm14 =	vcmask $0x300  }
0x6: {  	v8 =	vimm.s32 $0x303;
	vm13 =	vcmask $0x704;
	vm12 =	vcmask $0xB08  }
0x7: {  	vm11 =	vcmask $0xF0C;
	vm4 =	vcmask $0x2724;
	vm5 =	vcmask $0x2B28  }
0x8: {  	vm6 =	vcmask $0x2F2C;
	vm8 =	vcmask $0x3330;
	vm9 =	vcmask $0x3734  }
0x9: {  	vm10 =	vcmask $0x3B38;
	v9 =	vimm.s32 $0x389;
	v10 =	vimm.s32 $0x485  }
0xa: {  	v11 =	vimm.s32 $0x581;
	v12 =	vimm.s32 $0x607;
	v13 =	vimm.s32 $0x703  }
0xb: {  	v14 =	vimm.s32 $0x789;
	v15 =	vimm.s32 $0x885;
	v16 =	vimm.s32 $0x981  }
0xc: {  	v17 =	vimm.s32 $0xA07;
	v18 =	vimm.s32 $0xB03;
	v19 =	vimm.s32 $0xB89  }
0xd: {  	v20 =	vimm.s32 $0xC85;
	v21 =	vimm.s32 $0xD81;
	v22 =	vimm.s32 $0xE07  }
0xe: {  	v23 =	vimm.s32 $0xF03;
	v24 =	vimm.s32 $0xF89;
	v25 =	vimm.s32 $0x1085  }
0xf: {  	v26 =	vimm.s32 $0x1181;
	v27 =	vimm.s32 $0x1207;
	v28 =	vimm.s32 $0x1303  }
0x10: {  	v29 =	vimm.s32 $0x1389;
	v30 =	vimm.s32 $0x1485;
	v31 =	vimm.s32 $0x1581  }
0x11: {  	v32 =	vimm.s32 $0x1607;
	v33 =	vimm.s32 $0x1703;
	v34 =	vimm.s32 $0x1789  }
0x12: {  	v35 =	vimm.s32 $0x1885;
	v36 =	vimm.s32 $0x1981;
	v37 =	vimm.s32 $0x1A07  }
0x13: {  	v38 =	vimm.s32 $0x1B03;
	v39 =	vimm.s32 $0x1B89;
	v40 =	vimm.s32 $0x1C85  }
0x14: {  	v41 =	vimm.s32 $0x1D81;
	v42 =	vimm.s32 $0x1E07;
	v43 =	vimm.s32 $0x1F03  }
0x15: {  	v44 =	vimm.s32 $0x1F89;
	v4 =	vunpack.c.0.s8.s32 v4;
	v3 =	vunpack.c.0.s8.s32 v3  }
0x16: {  	v5 =	vunpack.c.0.s8.s32 v5;
	v6 =	vunpack.c.l.s4.s8 v6;
	v7 =	vsel vm14, $0x182, v7  }
0x17: {  	v8 =	vsel vm14, $0x208, v8;
	v9 =	vsel vm14, $0x304, v9;
	v10 =	vsel vm14, $0x400, v10  }
0x18: {  	v11 =	vsel vm14, $0x486, v11;
	v12 =	vsel vm14, $0x582, v12;
	v13 =	vsel vm14, $0x608, v13  }
0x19: {  	v14 =	vsel vm14, $0x704, v14;
	v15 =	vsel vm14, $0x800, v15;
	v16 =	vsel vm14, $0x886, v16  }
0x1a: {  	v17 =	vsel vm14, $0x982, v17;
	v18 =	vsel vm14, $0xA08, v18;
	v19 =	vsel vm14, $0xB04, v19  }
0x1b: {  	v20 =	vsel vm14, $0xC00, v20;
	v21 =	vsel vm14, $0xC86, v21;
	v22 =	vsel vm14, $0xD82, v22  }
0x1c: {  	v23 =	vsel vm14, $0xE08, v23;
	v24 =	vsel vm14, $0xF04, v24;
	v25 =	vsel vm14, $0x1000, v25  }
0x1d: {  	v26 =	vsel vm14, $0x1086, v26;
	v27 =	vsel vm14, $0x1182, v27;
	v28 =	vsel vm14, $0x1208, v28  }
0x1e: {  	v29 =	vsel vm14, $0x1304, v29;
	v30 =	vsel vm14, $0x1400, v30;
	v31 =	vsel vm14, $0x1486, v31  }
0x1f: {  	v32 =	vsel vm14, $0x1582, v32;
	v33 =	vsel vm14, $0x1608, v33;
	v34 =	vsel vm14, $0x1704, v34  }
0x20: {  	v35 =	vsel vm14, $0x1800, v35;
	v36 =	vsel vm14, $0x1886, v36;
	v37 =	vsel vm14, $0x1982, v37  }
0x21: {  	v38 =	vsel vm14, $0x1A08, v38;
	v39 =	vsel vm14, $0x1B04, v39;
	v40 =	vsel vm14, $0x1C00, v40  }
0x22: {  	v41 =	vsel vm14, $0x1C86, v41;
	v42 =	vsel vm14, $0x1D82, v42;
	v43 =	vsel vm14, $0x1E08, v43  }
0x23: {  	v44 =	vsel vm14, $0x1F04, v44;
	v7 =	vsel vm13, $0x183, v7;
	v8 =	vsel vm13, $0x209, v8  }
0x24: {  	v9 =	vsel vm13, $0x305, v9;
	v10 =	vsel vm13, $0x401, v10;
	v11 =	vsel vm13, $0x487, v11  }
0x25: {  	v12 =	vsel vm13, $0x583, v12;
	v13 =	vsel vm13, $0x609, v13;
	v14 =	vsel vm13, $0x705, v14  }
0x26: {  	v15 =	vsel vm13, $0x801, v15;
	v16 =	vsel vm13, $0x887, v16;
	v17 =	vsel vm13, $0x983, v17  }
0x27: {  	v18 =	vsel vm13, $0xA09, v18;
	v19 =	vsel vm13, $0xB05, v19;
	v20 =	vsel vm13, $0xC01, v20  }
0x28: {  	v21 =	vsel vm13, $0xC87, v21;
	v22 =	vsel vm13, $0xD83, v22;
	v23 =	vsel vm13, $0xE09, v23  }
0x29: {  	v24 =	vsel vm13, $0xF05, v24;
	v25 =	vsel vm13, $0x1001, v25;
	v26 =	vsel vm13, $0x1087, v26  }
0x2a: {  	v27 =	vsel vm13, $0x1183, v27;
	v28 =	vsel vm13, $0x1209, v28;
	v29 =	vsel vm13, $0x1305, v29  }
0x2b: {  	v30 =	vsel vm13, $0x1401, v30;
	v31 =	vsel vm13, $0x1487, v31;
	v32 =	vsel vm13, $0x1583, v32  }
0x2c: {  	v33 =	vsel vm13, $0x1609, v33;
	v34 =	vsel vm13, $0x1705, v34;
	v35 =	vsel vm13, $0x1801, v35  }
0x2d: {  	v36 =	vsel vm13, $0x1887, v36;
	v37 =	vsel vm13, $0x1983, v37;
	v38 =	vsel vm13, $0x1A09, v38  }
0x2e: {  	v39 =	vsel vm13, $0x1B05, v39;
	v40 =	vsel vm13, $0x1C01, v40;
	v41 =	vsel vm13, $0x1C87, v41  }
0x2f: {  	v42 =	vsel vm13, $0x1D83, v42;
	v43 =	vsel vm13, $0x1E09, v43;
	v44 =	vsel vm13, $0x1F05, v44  }
0x30: {  	v4 =	vand.u32 $0xFF, v4;
	v6 =	vunpack.c.0.s8.s32 v6;
	v3 =	vsel vm0, v5, v3  }
0x31: {  	vm0 =	vcmask $0x2320;
	v7 =	vsel vm12, $0x184, v7;
	v8 =	vsel vm12, $0x280, v8  }
0x32: {  	v9 =	vsel vm12, $0x306, v9;
	v10 =	vsel vm12, $0x402, v10;
	v11 =	vsel vm12, $0x488, v11  }
0x33: {  	v12 =	vsel vm12, $0x584, v12;
	v13 =	vsel vm12, $0x680, v13;
	v14 =	vsel vm12, $0x706, v14  }
0x34: {  	v15 =	vsel vm12, $0x802, v15;
	v16 =	vsel vm12, $0x888, v16;
	v17 =	vsel vm12, $0x984, v17  }
0x35: {  	v18 =	vsel vm12, $0xA80, v18;
	v19 =	vsel vm12, $0xB06, v19;
	v20 =	vsel vm12, $0xC02, v20  }
0x36: {  	v21 =	vsel vm12, $0xC88, v21;
	v22 =	vsel vm12, $0xD84, v22;
	v23 =	vsel vm12, $0xE80, v23  }
0x37: {  	v24 =	vsel vm12, $0xF06, v24;
	v25 =	vsel vm12, $0x1002, v25;
	v26 =	vsel vm12, $0x1088, v26  }
0x38: {  	v27 =	vsel vm12, $0x1184, v27;
	v28 =	vsel vm12, $0x1280, v28;
	v29 =	vsel vm12, $0x1306, v29  }
0x39: {  	v30 =	vsel vm12, $0x1402, v30;
	v31 =	vsel vm12, $0x1488, v31;
	v32 =	vsel vm12, $0x1584, v32  }
0x3a: {  	v33 =	vsel vm12, $0x1680, v33;
	v34 =	vsel vm12, $0x1706, v34;
	v35 =	vsel vm12, $0x1802, v35  }
0x3b: {  	v36 =	vsel vm12, $0x1888, v36;
	v37 =	vsel vm12, $0x1984, v37;
	v38 =	vsel vm12, $0x1A80, v38  }
0x3c: {  	v39 =	vsel vm12, $0x1B06, v39;
	v40 =	vsel vm12, $0x1C02, v40;
	v41 =	vsel vm12, $0x1C88, v41  }
0x3d: {  	v42 =	vsel vm12, $0x1D84, v42;
	v43 =	vsel vm12, $0x1E80, v43;
	v44 =	vsel vm12, $0x1F06, v44  }
0x3e: {  	v4 =	vnsel vm1, $0x181, v4;
	vm1 =	vcmask $0x1F1C;
	v7 =	vsel vm11, $0x185, v7  }
0x3f: {  	v8 =	vsel vm11, $0x281, v8;
	v9 =	vsel vm11, $0x307, v9;
	v10 =	vsel vm11, $0x403, v10  }
0x40: {  	v11 =	vsel vm11, $0x489, v11;
	v12 =	vsel vm11, $0x585, v12;
	v13 =	vsel vm11, $0x681, v13  }
0x41: {  	v14 =	vsel vm11, $0x707, v14;
	v15 =	vsel vm11, $0x803, v15;
	v16 =	vsel vm11, $0x889, v16  }
0x42: {  	v17 =	vsel vm11, $0x985, v17;
	v18 =	vsel vm11, $0xA81, v18;
	v19 =	vsel vm11, $0xB07, v19  }
0x43: {  	v20 =	vsel vm11, $0xC03, v20;
	v21 =	vsel vm11, $0xC89, v21;
	v22 =	vsel vm11, $0xD85, v22  }
0x44: {  	v23 =	vsel vm11, $0xE81, v23;
	v24 =	vsel vm11, $0xF07, v24;
	v25 =	vsel vm11, $0x1003, v25  }
0x45: {  	v26 =	vsel vm11, $0x1089, v26;
	v27 =	vsel vm11, $0x1185, v27;
	v28 =	vsel vm11, $0x1281, v28  }
0x46: {  	v29 =	vsel vm11, $0x1307, v29;
	v30 =	vsel vm11, $0x1403, v30;
	v31 =	vsel vm11, $0x1489, v31  }
0x47: {  	v32 =	vsel vm11, $0x1585, v32;
	v33 =	vsel vm11, $0x1681, v33;
	v34 =	vsel vm11, $0x1707, v34  }
0x48: {  	v35 =	vsel vm11, $0x1803, v35;
	v36 =	vsel vm11, $0x1889, v36;
	v37 =	vsel vm11, $0x1985, v37  }
0x49: {  	v38 =	vsel vm11, $0x1A81, v38;
	v39 =	vsel vm11, $0x1B07, v39;
	v40 =	vsel vm11, $0x1C03, v40  }
0x4a: {  	v41 =	vsel vm11, $0x1C89, v41;
	v42 =	vsel vm11, $0x1D85, v42;
	v43 =	vsel vm11, $0x1E81, v43  }
0x4b: {  	v44 =	vsel vm11, $0x1F07, v44;
	v4 =	vsel vm7, $0x100, v4;
	v5 =	vand.u32 $0xF, v6  }
0x4c: {  	v7 =	vsel vm7, $0x186, v7;
	v8 =	vsel vm7, $0x282, v8;
	v9 =	vsel vm7, $0x308, v9  }
0x4d: {  	v10 =	vsel vm7, $0x404, v10;
	v11 =	vsel vm7, $0x500, v11;
	v12 =	vsel vm7, $0x586, v12  }
0x4e: {  	v13 =	vsel vm7, $0x682, v13;
	v14 =	vsel vm7, $0x708, v14;
	v15 =	vsel vm7, $0x804, v15  }
0x4f: {  	v16 =	vsel vm7, $0x900, v16;
	v17 =	vsel vm7, $0x986, v17;
	v18 =	vsel vm7, $0xA82, v18  }
0x50: {  	v19 =	vsel vm7, $0xB08, v19;
	v20 =	vsel vm7, $0xC04, v20;
	v21 =	vsel vm7, $0xD00, v21  }
0x51: {  	v22 =	vsel vm7, $0xD86, v22;
	v23 =	vsel vm7, $0xE82, v23;
	v24 =	vsel vm7, $0xF08, v24  }
0x52: {  	v25 =	vsel vm7, $0x1004, v25;
	v26 =	vsel vm7, $0x1100, v26;
	v27 =	vsel vm7, $0x1186, v27  }
0x53: {  	v28 =	vsel vm7, $0x1282, v28;
	v29 =	vsel vm7, $0x1308, v29;
	v30 =	vsel vm7, $0x1404, v30  }
0x54: {  	v31 =	vsel vm7, $0x1500, v31;
	v32 =	vsel vm7, $0x1586, v32;
	v33 =	vsel vm7, $0x1682, v33  }
0x55: {  	v34 =	vsel vm7, $0x1708, v34;
	v35 =	vsel vm7, $0x1804, v35;
	v36 =	vsel vm7, $0x1900, v36  }
0x56: {  	v37 =	vsel vm7, $0x1986, v37;
	v38 =	vsel vm7, $0x1A82, v38;
	v39 =	vsel vm7, $0x1B08, v39  }
0x57: {  	v40 =	vsel vm7, $0x1C04, v40;
	v41 =	vsel vm7, $0x1D00, v41;
	v42 =	vsel vm7, $0x1D86, v42  }
0x58: {  	v43 =	vsel vm7, $0x1E82, v43;
	v44 =	vsel vm7, $0x1F08, v44;
	v4 =	vsel vm3, $0x101, v4  }
0x59: {  	v5 =	vcombine.low v5, v3;
	v3 =	vimm.s32 $0x1400;
	v7 =	vsel vm3, $0x187, v7  }
0x5a: {  	v8 =	vsel vm3, $0x283, v8;
	v9 =	vsel vm3, $0x309, v9;
	v10 =	vsel vm3, $0x405, v10  }
0x5b: {  	v11 =	vsel vm3, $0x501, v11;
	v12 =	vsel vm3, $0x587, v12;
	v13 =	vsel vm3, $0x683, v13  }
0x5c: {  	v14 =	vsel vm3, $0x709, v14;
	v15 =	vsel vm3, $0x805, v15;
	v16 =	vsel vm3, $0x901, v16  }
0x5d: {  	v17 =	vsel vm3, $0x987, v17;
	v18 =	vsel vm3, $0xA83, v18;
	v19 =	vsel vm3, $0xB09, v19  }
0x5e: {  	v20 =	vsel vm3, $0xC05, v20;
	v21 =	vsel vm3, $0xD01, v21;
	v22 =	vsel vm3, $0xD87, v22  }
0x5f: {  	v23 =	vsel vm3, $0xE83, v23;
	v24 =	vsel vm3, $0xF09, v24;
	v25 =	vsel vm3, $0x1005, v25  }
0x60: {  	v26 =	vsel vm3, $0x1101, v26;
	v27 =	vsel vm3, $0x1187, v27;
	v28 =	vsel vm3, $0x1283, v28  }
0x61: {  	v29 =	vsel vm3, $0x1309, v29;
	v30 =	vsel vm3, $0x1405, v30;
	v31 =	vsel vm3, $0x1501, v31  }
0x62: {  	v32 =	vsel vm3, $0x1587, v32;
	v33 =	vsel vm3, $0x1683, v33;
	v34 =	vsel vm3, $0x1709, v34  }
0x63: {  	v35 =	vsel vm3, $0x1805, v35;
	v36 =	vsel vm3, $0x1901, v36;
	v37 =	vsel vm3, $0x1987, v37  }
0x64: {  	v38 =	vsel vm3, $0x1A83, v38;
	v39 =	vsel vm3, $0x1B09, v39;
	v40 =	vsel vm3, $0x1C05, v40  }
0x65: {  	v41 =	vsel vm3, $0x1D01, v41;
	v42 =	vsel vm3, $0x1D87, v42;
	v43 =	vsel vm3, $0x1E83, v43  }
0x66: {  	v44 =	vsel vm3, $0x1F09, v44;
	v4 =	vsel vm2, $0x102, v4;
	v7 =	vsel vm2, $0x188, v7  }
0x67: {  	v8 =	vsel vm2, $0x284, v8;
	v9 =	vsel vm2, $0x380, v9;
	v10 =	vsel vm2, $0x406, v10  }
0x68: {  	v11 =	vsel vm2, $0x502, v11;
	v12 =	vsel vm2, $0x588, v12;
	v13 =	vsel vm2, $0x684, v13  }
0x69: {  	v14 =	vsel vm2, $0x780, v14;
	v15 =	vsel vm2, $0x806, v15;
	v16 =	vsel vm2, $0x902, v16  }
0x6a: {  	v17 =	vsel vm2, $0x988, v17;
	v18 =	vsel vm2, $0xA84, v18;
	v19 =	vsel vm2, $0xB80, v19  }
0x6b: {  	v20 =	vsel vm2, $0xC06, v20;
	v21 =	vsel vm2, $0xD02, v21;
	v22 =	vsel vm2, $0xD88, v22  }
0x6c: {  	v23 =	vsel vm2, $0xE84, v23;
	v24 =	vsel vm2, $0xF80, v24;
	v25 =	vsel vm2, $0x1006, v25  }
0x6d: {  	v26 =	vsel vm2, $0x1102, v26;
	v27 =	vsel vm2, $0x1188, v27;
	v28 =	vsel vm2, $0x1284, v28  }
0x6e: {  	v29 =	vsel vm2, $0x1380, v29;
	v30 =	vsel vm2, $0x1406, v30;
	v31 =	vsel vm2, $0x1502, v31  }
0x6f: {  	v32 =	vsel vm2, $0x1588, v32;
	v33 =	vsel vm2, $0x1684, v33;
	v34 =	vsel vm2, $0x1780, v34  }
0x70: {  	v35 =	vsel vm2, $0x1806, v35;
	v36 =	vsel vm2, $0x1902, v36;
	v37 =	vsel vm2, $0x1988, v37  }
0x71: {  	v38 =	vsel vm2, $0x1A84, v38;
	v39 =	vsel vm2, $0x1B80, v39;
	v40 =	vsel vm2, $0x1C06, v40  }
0x72: {  	v41 =	vsel vm2, $0x1D02, v41;
	v42 =	vsel vm2, $0x1D88, v42;
	v43 =	vsel vm2, $0x1E84, v43  }
0x73: {  	v44 =	vsel vm2, $0x1F80, v44;
	v6 =	vsel vm1, $0x103, v4;
	v4 =	vimm.s32 $0x280  }
0x74: {  	v5 =	vand.u32 $0xFF, v5;
	v7 =	vsel vm1, $0x189, v7;
	v8 =	vsel vm1, $0x285, v8  }
0x75: {  	v9 =	vsel vm1, $0x381, v9;
	v10 =	vsel vm1, $0x407, v10;
	v11 =	vsel vm1, $0x503, v11  }
0x76: {  	v12 =	vsel vm1, $0x589, v12;
	v13 =	vsel vm1, $0x685, v13;
	v14 =	vsel vm1, $0x781, v14  }
0x77: {  	v15 =	vsel vm1, $0x807, v15;
	v16 =	vsel vm1, $0x903, v16;
	v17 =	vsel vm1, $0x989, v17  }
0x78: {  	v18 =	vsel vm1, $0xA85, v18;
	v19 =	vsel vm1, $0xB81, v19;
	v20 =	vsel vm1, $0xC07, v20  }
0x79: {  	v21 =	vsel vm1, $0xD03, v21;
	v22 =	vsel vm1, $0xD89, v22;
	v23 =	vsel vm1, $0xE85, v23  }
0x7a: {  	v24 =	vsel vm1, $0xF81, v24;
	v25 =	vsel vm1, $0x1007, v25;
	v26 =	vsel vm1, $0x1103, v26  }
0x7b: {  	v27 =	vsel vm1, $0x1189, v27;
	v28 =	vsel vm1, $0x1285, v28;
	v29 =	vsel vm1, $0x1381, v29  }
0x7c: {  	v30 =	vsel vm1, $0x1407, v30;
	v31 =	vsel vm1, $0x1503, v31;
	v32 =	vsel vm1, $0x1589, v32  }
0x7d: {  	v33 =	vsel vm1, $0x1685, v33;
	v34 =	vsel vm1, $0x1781, v34;
	v35 =	vsel vm1, $0x1807, v35  }
0x7e: {  	v36 =	vsel vm1, $0x1903, v36;
	v37 =	vsel vm1, $0x1989, v37;
	v38 =	vsel vm1, $0x1A85, v38  }
0x7f: {  	v39 =	vsel vm1, $0x1B81, v39;
	v40 =	vsel vm1, $0x1C07, v40;
	v41 =	vsel vm1, $0x1D03, v41  }
0x80: {  	v42 =	vsel vm1, $0x1D89, v42;
	v43 =	vsel vm1, $0x1E85, v43;
	v44 =	vsel vm1, $0x1F81, v44  }
0x81: {  	v6 =	vsel vm0, $0x104, v6;
	v7 =	vsel vm0, $0x200, v7;
	v8 =	vsel vm0, $0x286, v8  }
0x82: {  	v9 =	vsel vm0, $0x382, v9;
	v10 =	vsel vm0, $0x408, v10;
	v11 =	vsel vm0, $0x504, v11  }
0x83: {  	v12 =	vsel vm0, $0x600, v12;
	v13 =	vsel vm0, $0x686, v13;
	v14 =	vsel vm0, $0x782, v14  }
0x84: {  	v15 =	vsel vm0, $0x808, v15;
	v16 =	vsel vm0, $0x904, v16;
	v17 =	vsel vm0, $0xA00, v17  }
0x85: {  	v18 =	vsel vm0, $0xA86, v18;
	v19 =	vsel vm0, $0xB82, v19;
	v20 =	vsel vm0, $0xC08, v20  }
0x86: {  	v21 =	vsel vm0, $0xD04, v21;
	v22 =	vsel vm0, $0xE00, v22;
	v23 =	vsel vm0, $0xE86, v23  }
0x87: {  	v24 =	vsel vm0, $0xF82, v24;
	v25 =	vsel vm0, $0x1008, v25;
	v26 =	vsel vm0, $0x1104, v26  }
0x88: {  	v27 =	vsel vm0, $0x1200, v27;
	v28 =	vsel vm0, $0x1286, v28;
	v29 =	vsel vm0, $0x1382, v29  }
0x89: {  	v30 =	vsel vm0, $0x1408, v30;
	v31 =	vsel vm0, $0x1504, v31;
	v32 =	vsel vm0, $0x1600, v32  }
0x8a: {  	v33 =	vsel vm0, $0x1686, v33;
	v34 =	vsel vm0, $0x1782, v34;
	v35 =	vsel vm0, $0x1808, v35  }
0x8b: {  	v36 =	vsel vm0, $0x1904, v36;
	v37 =	vsel vm0, $0x1A00, v37;
	v38 =	vsel vm0, $0x1A86, v38  }
0x8c: {  	v39 =	vsel vm0, $0x1B82, v39;
	v40 =	vsel vm0, $0x1C08, v40;
	v41 =	vsel vm0, $0x1D04, v41  }
0x8d: {  	v42 =	vsel vm0, $0x1E00, v42;
	v43 =	vsel vm0, $0x1E86, v43;
	v44 =	vsel vm0, $0x1F82, v44  }
0x8e: {  	v6 =	vsel vm4, $0x105, v6;
	v7 =	vsel vm4, $0x201, v7;
	v8 =	vsel vm4, $0x287, v8  }
0x8f: {  	v9 =	vsel vm4, $0x383, v9;
	v10 =	vsel vm4, $0x409, v10;
	v11 =	vsel vm4, $0x505, v11  }
0x90: {  	v12 =	vsel vm4, $0x601, v12;
	v13 =	vsel vm4, $0x687, v13;
	v14 =	vsel vm4, $0x783, v14  }
0x91: {  	v15 =	vsel vm4, $0x809, v15;
	v16 =	vsel vm4, $0x905, v16;
	v17 =	vsel vm4, $0xA01, v17  }
0x92: {  	v18 =	vsel vm4, $0xA87, v18;
	v19 =	vsel vm4, $0xB83, v19;
	v20 =	vsel vm4, $0xC09, v20  }
0x93: {  	v21 =	vsel vm4, $0xD05, v21;
	v22 =	vsel vm4, $0xE01, v22;
	v23 =	vsel vm4, $0xE87, v23  }
0x94: {  	v24 =	vsel vm4, $0xF83, v24;
	v25 =	vsel vm4, $0x1009, v25;
	v26 =	vsel vm4, $0x1105, v26  }
0x95: {  	v27 =	vsel vm4, $0x1201, v27;
	v28 =	vsel vm4, $0x1287, v28;
	v29 =	vsel vm4, $0x1383, v29  }
0x96: {  	v30 =	vsel vm4, $0x1409, v30;
	v31 =	vsel vm4, $0x1505, v31;
	v32 =	vsel vm4, $0x1601, v32  }
0x97: {  	v33 =	vsel vm4, $0x1687, v33;
	v34 =	vsel vm4, $0x1783, v34;
	v35 =	vsel vm4, $0x1809, v35  }
0x98: {  	v36 =	vsel vm4, $0x1905, v36;
	v37 =	vsel vm4, $0x1A01, v37;
	v38 =	vsel vm4, $0x1A87, v38  }
0x99: {  	v39 =	vsel vm4, $0x1B83, v39;
	v40 =	vsel vm4, $0x1C09, v40;
	v41 =	vsel vm4, $0x1D05, v41  }
0x9a: {  	v42 =	vsel vm4, $0x1E01, v42;
	v43 =	vsel vm4, $0x1E87, v43;
	v44 =	vsel vm4, $0x1F83, v44  }
0x9b: {  	v6 =	vsel vm5, $0x106, v6;
	v7 =	vsel vm5, $0x202, v7;
	v8 =	vsel vm5, $0x288, v8  }
0x9c: {  	v9 =	vsel vm5, $0x384, v9;
	v10 =	vsel vm5, $0x480, v10;
	v11 =	vsel vm5, $0x506, v11  }
0x9d: {  	v12 =	vsel vm5, $0x602, v12;
	v13 =	vsel vm5, $0x688, v13;
	v14 =	vsel vm5, $0x784, v14  }
0x9e: {  	v15 =	vsel vm5, $0x880, v15;
	v16 =	vsel vm5, $0x906, v16;
	v17 =	vsel vm5, $0xA02, v17  }
0x9f: {  	v18 =	vsel vm5, $0xA88, v18;
	v19 =	vsel vm5, $0xB84, v19;
	v20 =	vsel vm5, $0xC80, v20  }
0xa0: {  	v21 =	vsel vm5, $0xD06, v21;
	v22 =	vsel vm5, $0xE02, v22;
	v23 =	vsel vm5, $0xE88, v23  }
0xa1: {  	v24 =	vsel vm5, $0xF84, v24;
	v25 =	vsel vm5, $0x1080, v25;
	v26 =	vsel vm5, $0x1106, v26  }
0xa2: {  	v27 =	vsel vm5, $0x1202, v27;
	v28 =	vsel vm5, $0x1288, v28;
	v29 =	vsel vm5, $0x1384, v29  }
0xa3: {  	v30 =	vsel vm5, $0x1480, v30;
	v31 =	vsel vm5, $0x1506, v31;
	v32 =	vsel vm5, $0x1602, v32  }
0xa4: {  	v33 =	vsel vm5, $0x1688, v33;
	v34 =	vsel vm5, $0x1784, v34;
	v35 =	vsel vm5, $0x1880, v35  }
0xa5: {  	v36 =	vsel vm5, $0x1906, v36;
	v37 =	vsel vm5, $0x1A02, v37;
	v38 =	vsel vm5, $0x1A88, v38  }
0xa6: {  	v39 =	vsel vm5, $0x1B84, v39;
	v40 =	vsel vm5, $0x1C80, v40;
	v41 =	vsel vm5, $0x1D06, v41  }
0xa7: {  	v42 =	vsel vm5, $0x1E02, v42;
	v43 =	vsel vm5, $0x1E88, v43;
	v44 =	vsel vm5, $0x1F84, v44  }
0xa8: {  	v6 =	vsel vm6, $0x107, v6;
	v7 =	vsel vm6, $0x203, v7;
	v8 =	vsel vm6, $0x289, v8  }
0xa9: {  	v9 =	vsel vm6, $0x385, v9;
	v10 =	vsel vm6, $0x481, v10;
	v11 =	vsel vm6, $0x507, v11  }
0xaa: {  	v12 =	vsel vm6, $0x603, v12;
	v13 =	vsel vm6, $0x689, v13;
	v14 =	vsel vm6, $0x785, v14  }
0xab: {  	v15 =	vsel vm6, $0x881, v15;
	v16 =	vsel vm6, $0x907, v16;
	v17 =	vsel vm6, $0xA03, v17  }
0xac: {  	v18 =	vsel vm6, $0xA89, v18;
	v19 =	vsel vm6, $0xB85, v19;
	v20 =	vsel vm6, $0xC81, v20  }
0xad: {  	v21 =	vsel vm6, $0xD07, v21;
	v22 =	vsel vm6, $0xE03, v22;
	v23 =	vsel vm6, $0xE89, v23  }
0xae: {  	v24 =	vsel vm6, $0xF85, v24;
	v25 =	vsel vm6, $0x1081, v25;
	v26 =	vsel vm6, $0x1107, v26  }
0xaf: {  	v27 =	vsel vm6, $0x1203, v27;
	v28 =	vsel vm6, $0x1289, v28;
	v29 =	vsel vm6, $0x1385, v29  }
0xb0: {  	v30 =	vsel vm6, $0x1481, v30;
	v31 =	vsel vm6, $0x1507, v31;
	v32 =	vsel vm6, $0x1603, v32  }
0xb1: {  	v33 =	vsel vm6, $0x1689, v33;
	v34 =	vsel vm6, $0x1785, v34;
	v35 =	vsel vm6, $0x1881, v35  }
0xb2: {  	v36 =	vsel vm6, $0x1907, v36;
	v37 =	vsel vm6, $0x1A03, v37;
	v38 =	vsel vm6, $0x1A89, v38  }
0xb3: {  	v39 =	vsel vm6, $0x1B85, v39;
	v40 =	vsel vm6, $0x1C81, v40;
	v41 =	vsel vm6, $0x1D07, v41  }
0xb4: {  	v42 =	vsel vm6, $0x1E03, v42;
	v43 =	vsel vm6, $0x1E89, v43;
	v44 =	vsel vm6, $0x1F85, v44  }
0xb5: {  	v6 =	vsel vm8, $0x108, v6;
	v7 =	vsel vm8, $0x204, v7;
	v8 =	vsel vm8, $0x300, v8  }
0xb6: {  	v9 =	vsel vm8, $0x386, v9;
	v10 =	vsel vm8, $0x482, v10;
	v11 =	vsel vm8, $0x508, v11  }
0xb7: {  	v12 =	vsel vm8, $0x604, v12;
	v13 =	vsel vm8, $0x700, v13;
	v14 =	vsel vm8, $0x786, v14  }
0xb8: {  	v15 =	vsel vm8, $0x882, v15;
	v16 =	vsel vm8, $0x908, v16;
	v17 =	vsel vm8, $0xA04, v17  }
0xb9: {  	v18 =	vsel vm8, $0xB00, v18;
	v19 =	vsel vm8, $0xB86, v19;
	v20 =	vsel vm8, $0xC82, v20  }
0xba: {  	v21 =	vsel vm8, $0xD08, v21;
	v22 =	vsel vm8, $0xE04, v22;
	v23 =	vsel vm8, $0xF00, v23  }
0xbb: {  	v24 =	vsel vm8, $0xF86, v24;
	v25 =	vsel vm8, $0x1082, v25;
	v26 =	vsel vm8, $0x1108, v26  }
0xbc: {  	v27 =	vsel vm8, $0x1204, v27;
	v28 =	vsel vm8, $0x1300, v28;
	v29 =	vsel vm8, $0x1386, v29  }
0xbd: {  	v30 =	vsel vm8, $0x1482, v30;
	v31 =	vsel vm8, $0x1508, v31;
	v32 =	vsel vm8, $0x1604, v32  }
0xbe: {  	v33 =	vsel vm8, $0x1700, v33;
	v34 =	vsel vm8, $0x1786, v34;
	v35 =	vsel vm8, $0x1882, v35  }
0xbf: {  	v36 =	vsel vm8, $0x1908, v36;
	v37 =	vsel vm8, $0x1A04, v37;
	v38 =	vsel vm8, $0x1B00, v38  }
0xc0: {  	v39 =	vsel vm8, $0x1B86, v39;
	v40 =	vsel vm8, $0x1C82, v40;
	v41 =	vsel vm8, $0x1D08, v41  }
0xc1: {  	v42 =	vsel vm8, $0x1E04, v42;
	v43 =	vsel vm8, $0x1F00, v43;
	v44 =	vsel vm8, $0x1F86, v44  }
0xc2: {  	v6 =	vsel vm9, $0x109, v6;
	v7 =	vsel vm9, $0x205, v7;
	v8 =	vsel vm9, $0x301, v8  }
0xc3: {  	s2 =	rddreg [dreg:$0x0];
	v9 =	vsel vm9, $0x387, v9;
	v10 =	vsel vm9, $0x483, v10;
	v11 =	vsel vm9, $0x509, v11  }
0xc4: {  	s0 =	rddreg [dreg:$0x1];
	v12 =	vsel vm9, $0x605, v12;
	v13 =	vsel vm9, $0x701, v13;
	v14 =	vsel vm9, $0x787, v14  }
0xc5: {  	s1 =	rddreg [dreg:$0x2];
	v15 =	vsel vm9, $0x883, v15;
	v16 =	vsel vm9, $0x909, v16;
	v17 =	vsel vm9, $0xA05, v17  }
0xc6: {  	s3 =	rddreg [dreg:$0x3];
	v18 =	vsel vm9, $0xB01, v18;
	v19 =	vsel vm9, $0xB87, v19;
	v20 =	vsel vm9, $0xC83, v20  }
0xc7: {  	s4 =	simm.s32 $0x0;
	s5 =	srdreg.scid;
	s9 =	stileid.u32;
	v21 =	vsel vm9, $0xD09, v21;
	v22 =	vsel vm9, $0xE05, v22;
	v23 =	vsel vm9, $0xF01, v23  }
0xc8: {  	s28 =	simm.s32 $0x11080;
	s29 =	simm.s32 $0x11680;
	[smem:$0x7FF] =	sst s4;
	v24 =	vsel vm9, $0xF87, v24;
	v25 =	vsel vm9, $0x1083, v25;
	v26 =	vsel vm9, $0x1109, v26  }
0xc9: {  	s11 =	sand.u32 $0x1, s5;
	s6 =	sadd.s32 $0xA800, s2;
	s16 =	sshll.u32 s9, $0x1;
	v27 =	vsel vm9, $0x1205, v27;
	v28 =	vsel vm9, $0x1301, v28;
	v29 =	vsel vm9, $0x1387, v29  }
0xca: {  	s13 =	smul.u32 $0xA800, s9;
	s8 =	sshrl.u32 s9, $0x2;
	s7 =	sadd.s32 $0xA00, s2;
	v30 =	vsel vm9, $0x1483, v30;
	v31 =	vsel vm9, $0x1509, v31;
	v32 =	vsel vm9, $0x1605, v32  }
0xcb: {  	s17 =	sadd.s32 $0x14800, s2;
	s18 =	sadd.s32 $0x14600, s2;
	s19 =	sadd.s32 $0x14E00, s2;
	v33 =	vsel vm9, $0x1701, v33;
	v34 =	vsel vm9, $0x1787, v34;
	v35 =	vsel vm9, $0x1883, v35  }
0xcc: {  	s23 =	smul.u32 $0x2A000, s9;
	_ =	strace $0x80000047;
	[dreg:$0x5] =	wrdreg s17;
	v36 =	vsel vm9, $0x1909, v36;
	v37 =	vsel vm9, $0x1A05, v37;
	v38 =	vsel vm9, $0x1B01, v38  }
0xcd: {  	s24 =	sadd.s32 $0x43A00, s2;
	s31 =	sshll.u32 s9, $0x6;
	[dreg:$0x6] =	wrdreg s18;
	v39 =	vsel vm9, $0x1B87, v39;
	v40 =	vsel vm9, $0x1C83, v40;
	v41 =	vsel vm9, $0x1D09, v41  }
0xce: {  	p1 =	sgt.u32 s9, $0xD;
	s12 =	smul.u32 $0xA8000, s11;
	[dreg:$0x7] =	wrdreg s19;
	v42 =	vsel vm9, $0x1E05, v42;
	v43 =	vsel vm9, $0x1F01, v43;
	v44 =	vsel vm9, $0x1F87, v44  }
0xcf: {  	s5 =	sor.u32 s11, s16;
	s14 =	smul.u32 $0x1800, s8;
	[dreg:$0x8] =	wrdreg s24;
	v6 =	vsel vm10, $0x180, v6;
	v7 =	vsel vm10, $0x206, v7;
	v8 =	vsel vm10, $0x302, v8  }
0xd0: {  	s11 =	ssub.s32 $0x2, s11;
	s18 =	simm.s32 $0x3;
	s21 =	smul.u32 $0x180, s5;
	v9 =	vsel vm10, $0x388, v9;
	v10 =	vsel vm10, $0x484, v10;
	v11 =	vsel vm10, $0x580, v11  }
0xd1: {  	s24 =	simm.s32 $0x3800;
	s10 =	sshll.u32 s5, $0x7;
	s25 =	smul.u32 $0x60, s5;
	v12 =	vsel vm10, $0x606, v12;
	v13 =	vsel vm10, $0x702, v13;
	v14 =	vsel vm10, $0x788, v14  }
0xd2: {  	s26 =	sshrl.u32 s11, $0x1;
	p0 =	sne.s32 s5, $0x0;
	s15 =	sand.u32 $0x380, s10;
	v15 =	vsel vm10, $0x884, v15;
	v16 =	vsel vm10, $0x980, v16;
	v17 =	vsel vm10, $0xA06, v17  }
0xd3: {  	s12 =	sadd.s32 s13, s12;
	s11 =	ssub.s32 s11, s26;
	s26 =	simm.s32 $0x4000;
	v18 =	vsel vm10, $0xB02, v18;
	v19 =	vsel vm10, $0xB88, v19;
	v20 =	vsel vm10, $0xC84, v20  }
0xd4: {  	s10 =	simm.s32 $0x80;
	s20 =	sor.u32 s14, s15;
	s12 =	sshrl.u32 s12, $0x3;
	v21 =	vsel vm10, $0xD80, v21;
	v22 =	vsel vm10, $0xE06, v22;
	v23 =	vsel vm10, $0xF02, v23  }
0xd5: {  	s17 =	smax.u32 s11, $0x1;
	s13 =	sshrl.u32 s20, $0x3;
	s22 =	sadd.s32 s12, s2;
	v24 =	vsel vm10, $0xF88, v24;
	v25 =	vsel vm10, $0x1084, v25;
	v26 =	vsel vm10, $0x1180, v26  }
0xd6: {  	s12 =	sshrl.u32 s23, $0x2;
	s20 =	sor.u32 $0x1C03, s31;
	s23 =	simm.s32 $0x3000;
	v27 =	vsel vm10, $0x1206, v27;
	v28 =	vsel vm10, $0x1302, v28;
	v29 =	vsel vm10, $0x1388, v29  }
.Ltmp0:
0xd7: {  	s16 =	sadd.s32 s13, s2;
	s2 =	sadd.s32 s21, s2;
	v30 =	vsel vm10, $0x1484, v30;
	v31 =	vsel vm10, $0x1580, v31;
	v32 =	vsel vm10, $0x1606, v32;
	(pc) =	sbr.rel .LBB2_1-.Ltmp0, $4  }
0xd8: {  	s19 =	sadd.s32 s12, s3;
	s13 =	sshrl.u32 s25, $0x2;
	s12 =	smul.u32 $0x2710, s5;
	v33 =	vsel vm10, $0x1702, v33;
	v34 =	vsel vm10, $0x1788, v34;
	v35 =	vsel vm10, $0x1884, v35  }
0xd9: {  	s14 =	sadd.s32 $0x16400, s22;
	s22 =	simm.s32 $0x2800;
	s25 =	simm.s32 $0x6800;
	v36 =	vsel vm10, $0x1980, v36;
	v37 =	vsel vm10, $0x1A06, v37;
	v38 =	vsel vm10, $0x1B02, v38  }
0xda: {  	s5 =	simm.s32 $0x0;
	s30 =	sadd.s32 $0x11380, s13;
	s15 =	sadd.s32 $0x42E00, s16;
	v39 =	vsel vm10, $0x1B88, v39;
	v40 =	vsel vm10, $0x1C84, v40;
	v41 =	vsel vm10, $0x1D80, v41  }
0xdb: {  	s16 =	sadd.s32 $0x40400, s2;
	s21 =	sshrl.u32 s19, $0x3;
	[dreg:$0x9] =	wrdreg s30;
	v42 =	vsel vm10, $0x1E06, v42;
	v43 =	vsel vm10, $0x1F02, v43;
	v44 =	vsel vm10, $0x1F88, v44  }
.LBB2_11:
0xdc: {  	s2 =	simm.s32 @!p1 $0x18;
	s8 =	simm.s32 @!p1 $0x13680;
	s9 =	rddreg [dreg:$0x9]  }
0xdd: {  	[tilespmem:s8], [sflag:$0x3] =	stream.indirect.gather @!p1 [hbm4b:s1+s2], $0x80, s9, s2, $0xb8;
	[tilespmem:$0x1EA80] =	vst v63  }
0xde: {  	s2 =	simm.s32 @!p1 $0x3  }
0xdf: {  	_ =	swait.ge @!p1 [sflag:s2], $0xC00  }
0xe0: {  	[sflag:s2] =	ssyncset.done @!p1 $0x0  }
0xe1: {  	[sflag:s2] =	ssyncadd.s32 @!p1 $0xFFFFF400  }
0xe2: {  	[bflag:$0x0] =	sbarrier.arrive $0xFFFF  }
0xe3: {  	[hbm:s14], [sflag:s20] =	dma.local [spmem:s21], $0x1500  }
0xe4: {  	_ =	swait.ge [sflag:s18], $0x1500  }
0xe5: {  	[sflag:s18] =	ssyncset.done $0x0  }
0xe6: {  	s31 =	simm.s32 $0x400;
	[sflag:s18] =	ssyncadd.s32 $0xFFFFEB00  }
0xe7: {  	[hbm4b:s15+s10] =	stream.strided.scatter [tilespmem:s28], [sflag:$0x3], $0x300, s31, s10, $0x38;
	[tilespmem:$0x1EA80] =	vst v63  }
0xe8: {  	s5 =	sadd.s32 $0x1, s5;
	_ =	swait.ge [sflag:s18], $0x300  }
0xe9: {  	p2 =	sne.s32 s5, s17;
	[sflag:s18] =	ssyncset.done $0x0  }
.Ltmp1:
0xea: {  	s9 =	simm.s32 @!p1 $0x0;
	[sflag:s18] =	ssyncadd.s32 $0xFFFFFD00;
	(pc) =	sbr.rel @!p2 .LBB2_12-.Ltmp1, $4  }
0xeb: {  	[hbm4b:s16+s9] =	stream.linear.scatter @!p1 [tilespmem:s8], [sflag:$0x3], $0xC00, $0x38;
	[tilespmem:$0x1EA80] =	vst v63  }
0xec: {  	_ =	swait.ge @!p1 [sflag:s2], $0xC00  }
0xed: {  	[sflag:s2] =	ssyncset.done @!p1 $0x0  }
0xee: {  	[sflag:s2] =	ssyncadd.s32 @!p1 $0xFFFFF400  }
.LBB2_1:
0xef: {  	s2 =	rddreg [dreg:$0x5]  }
0xf0: {  	[tilespmem:s4], [sflag:$0x3] =	stream.linear.gather [hbm4b:s2+s4], $0x2800, $0x38;
	[tilespmem:$0x1EA80] =	vst v63  }
0xf1: {  	_ =	swait.ge [sflag:s18], $0x2800  }
0xf2: {  	[sflag:s18] =	ssyncset.done $0x0  }
0xf3: {  	s8 =	simm.s32 $0x11380;
	s30 =	rddreg [dreg:$0x6];
	[sflag:s18] =	ssyncadd.s32 $0xFFFFD800  }
0xf4: {  	[tilespmem:s8], [sflag:$0x3] =	stream.linear.gather [hbm4b:s30+s4], $0x300, $0x38;
	[tilespmem:$0x1EA80] =	vst v63  }
0xf5: {  	_ =	swait.ge [sflag:s18], $0x300  }
0xf6: {  	[sflag:s18] =	ssyncset.done $0x0  }
0xf7: {  	s31 =	rddreg [dreg:$0x7];
	[sflag:s18] =	ssyncadd.s32 $0xFFFFFD00  }
0xf8: {  	[spmem:s21], [sflag:s20] =	dma.local [hbm:s31], $0x1500  }
0xf9: {  	_ =	swait.ge [sflag:s18], $0x1500  }
0xfa: {  	[sflag:s18] =	ssyncset.done $0x0  }
0xfb: {  	[sflag:s18] =	ssyncadd.s32 $0xFFFFEB00  }
0xfc: {  	[tilespmem:$0x11080] =	vst v0  }
0xfd: {  	[tilespmem:$0x11090] =	vst v0  }
0xfe: {  	[tilespmem:$0x110A0] =	vst v0  }
0xff: {  	[tilespmem:$0x110B0] =	vst v0  }
0x100: {  	[tilespmem:$0x110C0] =	vst v0  }
0x101: {  	[tilespmem:$0x110D0] =	vst v0  }
0x102: {  	[tilespmem:$0x110E0] =	vst v0  }
0x103: {  	[tilespmem:$0x110F0] =	vst v0  }
0x104: {  	[tilespmem:$0x11100] =	vst v0  }
0x105: {  	[tilespmem:$0x11110] =	vst v0  }
0x106: {  	[tilespmem:$0x11120] =	vst v0  }
0x107: {  	[tilespmem:$0x11130] =	vst v0  }
0x108: {  	[tilespmem:$0x11140] =	vst v0  }
0x109: {  	[tilespmem:$0x11150] =	vst v0  }
0x10a: {  	[tilespmem:$0x11160] =	vst v0  }
0x10b: {  	[tilespmem:$0x11170] =	vst v0  }
0x10c: {  	[tilespmem:$0x11180] =	vst v0  }
0x10d: {  	[tilespmem:$0x11190] =	vst v0  }
0x10e: {  	[tilespmem:$0x111A0] =	vst v0  }
0x10f: {  	[tilespmem:$0x111B0] =	vst v0  }
0x110: {  	[tilespmem:$0x111C0] =	vst v0  }
0x111: {  	[tilespmem:$0x111D0] =	vst v0  }
0x112: {  	[tilespmem:$0x111E0] =	vst v0  }
0x113: {  	[tilespmem:$0x111F0] =	vst v0  }
0x114: {  	[tilespmem:$0x11200] =	vst v0  }
0x115: {  	[tilespmem:$0x11210] =	vst v0  }
0x116: {  	[tilespmem:$0x11220] =	vst v0  }
0x117: {  	[tilespmem:$0x11230] =	vst v0  }
0x118: {  	[tilespmem:$0x11240] =	vst v0  }
0x119: {  	[tilespmem:$0x11250] =	vst v0  }
0x11a: {  	[tilespmem:$0x11260] =	vst v0  }
0x11b: {  	[tilespmem:$0x11270] =	vst v0  }
0x11c: {  	[tilespmem:$0x11280] =	vst v0  }
0x11d: {  	[tilespmem:$0x11290] =	vst v0  }
0x11e: {  	[tilespmem:$0x112A0] =	vst v0  }
0x11f: {  	[tilespmem:$0x112B0] =	vst v0  }
0x120: {  	[tilespmem:$0x112C0] =	vst v0  }
0x121: {  	[tilespmem:$0x112D0] =	vst v0  }
0x122: {  	[tilespmem:$0x112E0] =	vst v0  }
0x123: {  	[tilespmem:$0x112F0] =	vst v0  }
0x124: {  	[tilespmem:$0x11300] =	vst v0  }
0x125: {  	[tilespmem:$0x11310] =	vst v0  }
0x126: {  	[tilespmem:$0x11320] =	vst v0  }
0x127: {  	[tilespmem:$0x11330] =	vst v0  }
0x128: {  	[tilespmem:$0x11340] =	vst v0  }
0x129: {  	[tilespmem:$0x11350] =	vst v0  }
0x12a: {  	[tilespmem:$0x11360] =	vst v0  }
0x12b: {  	[tilespmem:$0x11370] =	vst v0  }
0x12c: {  	s19 =	simm.s32 $0x0;
	s2 =	simm.s32 $0x0;
	[bflag:$0x0] =	sbarrier.arrive $0xFFFF  }
.LBB2_2:
0x12d: {  	s11 =	smul.u32 $0x7D0, s2;
	_ =	sdelay $0x1  }
0x12e: {  	s11 =	sadd.s32 s12, s11  }
0x12f: {  	s30 =	sshrl.u32 s11, $0x3  }
0x130: {  	s11 =	simm.s32 $0x0;
	s31 =	sadd.s32 s6, s30  }
0x131: {  	[tilespmem:s22], [sflag:$0x3] =	stream.linear.gather [hbm4b:s31+s11], $0x7D0, $0x38;
	[tilespmem:$0x1EA80] =	vst v63  }
0x132: {  	_ =	swait.ge [sflag:s18], $0x7D0  }
0x133: {  	[sflag:s18] =	ssyncset.done $0x0  }
0x134: {  	s13 =	sadd.s32 s7, s30;
	[sflag:s18] =	ssyncadd.s32 $0xFFFFF830  }
0x135: {  	[tilespmem:s23], [sflag:$0x3] =	stream.linear.gather [hbm4b:s13+s11], $0x7D0, $0x38;
	[tilespmem:$0x1EA80] =	vst v63  }
0x136: {  	_ =	swait.ge [sflag:s18], $0x7D0  }
0x137: {  	[sflag:s18] =	ssyncset.done $0x0  }
0x138: {  	s30 =	sadd.s32 s0, s30;
	[sflag:s18] =	ssyncadd.s32 $0xFFFFF830  }
0x139: {  	[tilespmem:s24], [sflag:$0x3] =	stream.linear.gather [hbm4b:s30+s11], $0x7D0, $0x38;
	[tilespmem:$0x1EA80] =	vst v63  }
0x13a: {  	_ =	swait.ge [sflag:s18], $0x7D0  }
0x13b: {  	[sflag:s18] =	ssyncset.done $0x0  }
0x13c: {  	[sflag:s18] =	ssyncadd.s32 $0xFFFFF830  }
.LBB2_3:
0x13d: {  	s31 =	sshra.s32 s11, $0x2  }
0x13e: {  	v45 =	vld [tilespmem:s31+$0x2800];
	_ =	sdelay $0x7  }
0x13f: {  	v45 =	vld.idx.msk [tilespmem:v45+s4+$0x0], $0xffff;
	_ =	sdelay $0x4  }
0x140: {  	vm0 =	vlt.s32 v45, $0x280  }
0x141: {  	(xrf1) =	vunique.msk.u32 vm0, v45;
	_ =	sdelay $0x4  }
0x142: {  	v46 =	vsel vm0, $0x1, v1  }
0x143: {  	(xrf0) =	vadd.scan.msk.s32 $0xffff, v46;
	_ =	sdelay $0x4  }
0x144: {  	v63 =	vsel vm0, $0xFFFFFFFF, v1  }
0x145: {  	v47 =	vld [tilespmem:s31+$0x3800];
	v46 =	vadd.s32 s19, v63;
	v48, _, _ =	vpop (xrf0)  }
0x146: {  	v49 =	vld [tilespmem:s31+$0x3000];
	v46 =	vadd.s32 v48, v46  }
0x147: {  	_, v50, vm1 =	vpop (xrf1);
	_ =	sdelay $0x2  }
0x148: {  	v51 =	vshll.u32 v45, $0x3  }
0x149: {  	v47 =	vadd.s32 v47, v51;
	[tilespmem:v46+s25+$0x0] =	vst.idx.msk vm0, v49;
	v52 =	vcvt.s32.f32 v50  }
0x14a: {  	[tilespmem:v46+s26+$0x0] =	vst.idx.msk vm0, v47  }
0x14b: {  	[tilespmem:v45+s28+$0x0] =	vst.idx.add.f32.msk vm1, v52  }
0x14c: {  	v45 =	vld [tilespmem:s31+$0x2810];
	_ =	sdelay $0x7  }
0x14d: {  	v45 =	vld.idx.msk [tilespmem:v45+s4+$0x0], $0xffff  }
0x14e: {  	(v2sf) =	vpush v48, $0xF;
	_ =	sdelay $0x3  }
0x14f: {  	vm8 =	vlt.s32 v45, $0x280  }
0x150: {  	(xrf1) =	vunique.msk.u32 vm8, v45;
	_ =	sdelay $0x4  }
0x151: {  	v53 =	vsel vm8, $0x1, v1  }
0x152: {  	(xrf0) =	vadd.scan.msk.s32 $0xffff, v53;
	_ =	sdelay $0x3  }
0x153: {  	s30 =	spop (v2sf)  }
0x154: {  	s13 =	sadd.s32 s19, s30;
	v54 =	vsel vm8, $0xFFFFFFFF, v1  }
0x155: {  	v47 =	vld [tilespmem:s31+$0x3810];
	v46 =	vadd.s32 s13, v54;
	v55, _, _ =	vpop (xrf0)  }
0x156: {  	v49 =	vld [tilespmem:s31+$0x3010];
	v46 =	vadd.s32 v55, v46  }
0x157: {  	_, v56, vm9 =	vpop (xrf1);
	_ =	sdelay $0x2  }
0x158: {  	v57 =	vshll.u32 v45, $0x3  }
0x159: {  	v47 =	vadd.s32 v47, v57;
	[tilespmem:v46+s25+$0x0] =	vst.idx.msk vm8, v49;
	v58 =	vcvt.s32.f32 v56  }
0x15a: {  	[tilespmem:v46+s26+$0x0] =	vst.idx.msk vm8, v47  }
0x15b: {  	[tilespmem:v45+s28+$0x0] =	vst.idx.add.f32.msk vm9, v58  }
0x15c: {  	v45 =	vld [tilespmem:s31+$0x2820];
	_ =	sdelay $0x7  }
0x15d: {  	v45 =	vld.idx.msk [tilespmem:v45+s4+$0x0], $0xffff  }
0x15e: {  	(v2sf) =	vpush v55, $0xF;
	_ =	sdelay $0x3  }
0x15f: {  	vm10 =	vlt.s32 v45, $0x280  }
0x160: {  	(xrf1) =	vunique.msk.u32 vm10, v45;
	_ =	sdelay $0x4  }
0x161: {  	v59 =	vsel vm10, $0x1, v1  }
0x162: {  	(xrf0) =	vadd.scan.msk.s32 $0xffff, v59;
	_ =	sdelay $0x3  }
0x163: {  	s8 =	spop (v2sf)  }
0x164: {  	s19 =	sadd.s32 s13, s8;
	v60 =	vsel vm10, $0xFFFFFFFF, v1  }
0x165: {  	v47 =	vld [tilespmem:s31+$0x3820];
	v46 =	vadd.s32 s19, v60;
	v61, _, _ =	vpop (xrf0)  }
0x166: {  	v49 =	vld [tilespmem:s31+$0x3020];
	v46 =	vadd.s32 v61, v46  }
0x167: {  	_, v62, vm11 =	vpop (xrf1);
	_ =	sdelay $0x2  }
0x168: {  	v63 =	vshll.u32 v45, $0x3  }
0x169: {  	v47 =	vadd.s32 v47, v63;
	[tilespmem:v46+s25+$0x0] =	vst.idx.msk vm10, v49;
	v52 =	vcvt.s32.f32 v62  }
0x16a: {  	[tilespmem:v46+s26+$0x0] =	vst.idx.msk vm10, v47  }
0x16b: {  	[tilespmem:v45+s28+$0x0] =	vst.idx.add.f32.msk vm11, v52  }
0x16c: {  	v45 =	vld [tilespmem:s31+$0x2830];
	_ =	sdelay $0x7  }
0x16d: {  	v45 =	vld.idx.msk [tilespmem:v45+s4+$0x0], $0xffff  }
0x16e: {  	(v2sf) =	vpush v61, $0xF;
	_ =	sdelay $0x3  }
0x16f: {  	vm12 =	vlt.s32 v45, $0x280  }
0x170: {  	(xrf1) =	vunique.msk.u32 vm12, v45;
	_ =	sdelay $0x4  }
0x171: {  	v53 =	vsel vm12, $0x1, v1  }
0x172: {  	(xrf0) =	vadd.scan.msk.s32 $0xffff, v53;
	_ =	sdelay $0x3  }
0x173: {  	s9 =	spop (v2sf)  }
0x174: {  	s19 =	sadd.s32 s19, s9;
	v54 =	vsel vm12, $0xFFFFFFFF, v1  }
0x175: {  	v47 =	vld [tilespmem:s31+$0x3830];
	v46 =	vadd.s32 s19, v54;
	v55, _, _ =	vpop (xrf0)  }
0x176: {  	v49 =	vld [tilespmem:s31+$0x3030];
	v46 =	vadd.s32 v55, v46  }
0x177: {  	_, v56, vm13 =	vpop (xrf1);
	_ =	sdelay $0x2  }
0x178: {  	v57 =	vshll.u32 v45, $0x3  }
0x179: {  	v47 =	vadd.s32 v47, v57;
	[tilespmem:v46+s25+$0x0] =	vst.idx.msk vm12, v49;
	v58 =	vcvt.s32.f32 v56  }
0x17a: {  	[tilespmem:v46+s26+$0x0] =	vst.idx.msk vm12, v47  }
0x17b: {  	[tilespmem:v45+s28+$0x0] =	vst.idx.add.f32.msk vm13, v58  }
0x17c: {  	v45 =	vld [tilespmem:s31+$0x2840];
	_ =	sdelay $0x7  }
0x17d: {  	v45 =	vld.idx.msk [tilespmem:v45+s4+$0x0], $0xffff;
	_ =	sdelay $0x4  }
0x17e: {  	(v2sf) =	vpush v55, $0xF;
	vm14 =	vlt.s32 v45, $0x280  }
0x17f: {  	v59 =	vsel vm14, $0x1, v1  }
0x180: {  	(xrf0) =	vadd.scan.msk.s32 $0xffff, v59;
	_ =	sdelay $0x2  }
0x181: {  	(xrf1) =	vunique.msk.u32 vm14, v45;
	_ =	sdelay $0x2  }
0x182: {  	v46, _, _ =	vpop (xrf0)  }
0x183: {  	(v2sf) =	vpush v46, $0xF;
	_ =	sdelay $0x5  }
0x184: {  	s13 =	spop (v2sf)  }
0x185: {  	s19 =	sadd.s32 s19, s13;
	v60 =	vsel vm14, $0xFFFFFFFF, v1  }
0x186: {  	v61 =	vld [tilespmem:s31+$0x3840];
	v47 =	vadd.s32 s19, v60  }
0x187: {  	v49 =	vld [tilespmem:s31+$0x3040];
	v46 =	vadd.s32 v46, v47  }
0x188: {  	_, v62, vm15 =	vpop (xrf1)  }
0x189: {  	p2 =	sne.s32 s11, $0x1E00  }
.Ltmp2:
0x18a: {  	_ = 	snop;
	(pc) =	sbr.rel @p2 .LBB2_3-.Ltmp2, $4  }
0x18b: {  	v63 =	vshll.u32 v45, $0x3  }
0x18c: {  	v48 =	vadd.s32 v61, v63;
	[tilespmem:v46+s25+$0x0] =	vst.idx.msk vm14, v49;
	v47 =	vcvt.s32.f32 v62  }
0x18d: {  	[tilespmem:v46+s26+$0x0] =	vst.idx.msk vm14, v48;
	s31 =	spop (v2sf)  }
0x18e: {  	s11 =	sadd.s32 $0x140, s11;
	[tilespmem:v45+s28+$0x0] =	vst.idx.add.f32.msk vm15, v47;
	s19 =	sadd.s32 s19, s31  }
0x18f: {  	s2 =	sadd.s32 $0x1, s2  }
0x190: {  	p2 =	sne.s32 s2, $0x5  }
.Ltmp3:
0x191: {  	_ = 	snop;
	(pc) =	sbr.rel @p2 .LBB2_2-.Ltmp3, $1  }
0x192: {  	_ =	sdelay $0x3  }
0x193: {  	v45 =	vadd.s32 s19, v2  }
0x194: {  	s2 =	sadd.s32 $0x10, s19;
	vm0 =	vlt.s32 v45, $0x2800  }
0x195: {  	v46 =	vadd.s32 s2, v2  }
0x196: {  	s30 =	sadd.s32 $0x20, s19;
	vm1 =	vlt.s32 v46, $0x2800  }
0x197: {  	v47 =	vadd.s32 s30, v2  }
0x198: {  	s31 =	sadd.s32 $0x30, s19;
	vm2 =	vlt.s32 v47, $0x2800  }
0x199: {  	v48 =	vadd.s32 s31, v2  }
0x19a: {  	s8 =	sadd.s32 $0x40, s19;
	vm3 =	vlt.s32 v48, $0x2800;
	[tilespmem:v45+s25+$0x0] =	vst.idx.msk vm0, v1  }
0x19b: {  	v59 =	vadd.s32 s8, v2;
	[tilespmem:v45+s26+$0x0] =	vst.idx.msk vm0, v3  }
0x19c: {  	s9 =	sadd.s32 $0x50, s19;
	vm11 =	vlt.s32 v59, $0x2800;
	[tilespmem:v46+s25+$0x0] =	vst.idx.msk vm1, v1  }
0x19d: {  	v60 =	vadd.s32 s9, v2;
	[tilespmem:v46+s26+$0x0] =	vst.idx.msk vm1, v3  }
0x19e: {  	s11 =	sadd.s32 $0x60, s19;
	vm12 =	vlt.s32 v60, $0x2800;
	[tilespmem:v47+s25+$0x0] =	vst.idx.msk vm2, v1  }
0x19f: {  	v61 =	vadd.s32 s11, v2;
	[tilespmem:v47+s26+$0x0] =	vst.idx.msk vm2, v3  }
0x1a0: {  	s13 =	sadd.s32 $0x70, s19;
	vm13 =	vlt.s32 v61, $0x2800;
	[tilespmem:v48+s25+$0x0] =	vst.idx.msk vm3, v1  }
0x1a1: {  	v62 =	vadd.s32 s13, v2;
	[tilespmem:v48+s26+$0x0] =	vst.idx.msk vm3, v3  }
0x1a2: {  	s30 =	sadd.s32 $0x80, s19;
	vm14 =	vlt.s32 v62, $0x2800;
	[tilespmem:v59+s25+$0x0] =	vst.idx.msk vm11, v1  }
0x1a3: {  	v63 =	vadd.s32 s30, v2;
	[tilespmem:v59+s26+$0x0] =	vst.idx.msk vm11, v3  }
0x1a4: {  	s31 =	sadd.s32 $0x7F, s19;
	vm15 =	vlt.s32 v63, $0x2800;
	[tilespmem:v60+s25+$0x0] =	vst.idx.msk vm12, v1  }
0x1a5: {  	s2 =	sshrl.u32 s31, $0x7;
	[tilespmem:v60+s26+$0x0] =	vst.idx.msk vm12, v3  }
0x1a6: {  	p2 =	seq.s32 s2, $0x0;
	[tilespmem:v61+s25+$0x0] =	vst.idx.msk vm13, v1  }
.Ltmp4:
0x1a7: {  	[tilespmem:v61+s26+$0x0] =	vst.idx.msk vm13, v3;
	(pc) =	sbr.rel @p2 .LBB2_9-.Ltmp4, $4  }
0x1a8: {  	[tilespmem:v62+s25+$0x0] =	vst.idx.msk vm14, v1  }
0x1a9: {  	[tilespmem:v62+s26+$0x0] =	vst.idx.msk vm14, v3  }
0x1aa: {  	[tilespmem:v63+s25+$0x0] =	vst.idx.msk vm15, v1  }
0x1ab: {  	[tilespmem:v63+s26+$0x0] =	vst.idx.msk vm15, v3  }
0x1ac: {  	s8 =	simm.s32 $0x9000;
	s11 =	simm.s32 $0x4040  }
0x1ad: {  	[tilespmem:s8], [sflag:$0x1] =	stream.indirect.gather [hbm4b:s1+s10], $0x80, s25, s10, $0xb8;
	[tilespmem:$0x1EA80] =	vst v63  }
0x1ae: {  	v45 =	vld [tilespmem:s11+$0xFFFFFFC0];
	_ =	sdelay $0x4  }
0x1af: {  	[tilespmem:$0x11000] =	vst v45  }
0x1b0: {  	v45 =	vld [tilespmem:s11+$0xFFFFFFD0];
	_ =	sdelay $0x4  }
0x1b1: {  	[tilespmem:$0x11010] =	vst v45  }
0x1b2: {  	v45 =	vld [tilespmem:s11+$0xFFFFFFE0];
	_ =	sdelay $0x4  }
0x1b3: {  	[tilespmem:$0x11020] =	vst v45  }
0x1b4: {  	v45 =	vld [tilespmem:s11+$0xFFFFFFF0];
	_ =	sdelay $0x4  }
0x1b5: {  	[tilespmem:$0x11030] =	vst v45  }
0x1b6: {  	v45 =	vld [tilespmem:s11+$0x0];
	_ =	sdelay $0x4  }
0x1b7: {  	[tilespmem:$0x11040] =	vst v45  }
0x1b8: {  	v45 =	vld [tilespmem:s11+$0x10];
	_ =	sdelay $0x4  }
0x1b9: {  	[tilespmem:$0x11050] =	vst v45  }
0x1ba: {  	v45 =	vld [tilespmem:s11+$0x20];
	_ =	sdelay $0x4  }
0x1bb: {  	[tilespmem:$0x11060] =	vst v45  }
0x1bc: {  	v45 =	vld [tilespmem:s11+$0x30];
	_ =	sdelay $0x1  }
0x1bd: {  	s19 =	simm.s32 $0x0  }
0x1be: {  	s11 =	sand.u32 $0x1, s19  }
0x1bf: {  	p2 =	seq.s32 s11, $0x1  }
0x1c0: {  	s19 =	simm.s32 @p2 $0x2;
	[tilespmem:$0x11070] =	vst v45  }
0x1c1: {  	s11 =	simm.s32 $0x6880;
	p3 =	sle.u32 @p2 s2, $0x1;
	_ =	swait.ge @p2 [sflag:s19], $0x4000  }
0x1c2: {  	s31 =	simm.s32 @!p2 $0x1;
	p3 =	por p3, !p2;
	[sflag:s19] =	ssyncset.done @p2 $0x0  }
0x1c3: {  	s30 =	simm.s32 @!p3 $0x9000;
	[sflag:s19] =	ssyncadd.s32 @p2 $0xFFFFC000;
	s19 =	simm.s32 @!p3 $0x80  }
0x1c4: {  	[tilespmem:s30], [sflag:$0x1] =	stream.indirect.gather @!p3 [hbm4b:s1+s19], $0x80, s11, s19, $0xb8;
	[tilespmem:$0x1EA80] =	vst v63  }
0x1c5: {  	s8 =	simm.s32 @p2 $0xD000;
	s19 =	simm.s32 @p2 $0x80;
	s30 =	simm.s32 @p2 $0x11000  }
0x1c6: {  	[spmem:s3] =	stream.indirect.scatter.add.f32 @p2 [tilespmem:s8], [sflag:$0x3], $0x80, s30, s19, $0xb8;
	[tilespmem:$0x1EA80] =	vst v63  }
0x1c7: {  	p3 =	sle.u32 @!p2 s2, $0x1;
	_ =	swait.ge @!p2 [sflag:s31], $0x4000  }
0x1c8: {  	p3 =	por p3, p2;
	s30 =	simm.s32 @!p2 $0x4;
	[sflag:s31] =	ssyncset.done @!p2 $0x0  }
0x1c9: {  	s8 =	simm.s32 @!p3 $0x80;
	s19 =	simm.s32 @!p3 $0xD000;
	[sflag:s31] =	ssyncadd.s32 @!p2 $0xFFFFC000  }
0x1ca: {  	[tilespmem:s19], [sflag:$0x2] =	stream.indirect.gather @!p3 [hbm4b:s1+s8], $0x80, s11, s8, $0xb8;
	[tilespmem:$0x1EA80] =	vst v63  }
0x1cb: {  	s31 =	simm.s32 @!p2 $0x9000;
	s8 =	simm.s32 @!p2 $0x80;
	s19 =	simm.s32 @!p2 $0x11000  }
0x1cc: {  	[spmem:s3] =	stream.indirect.scatter.add.f32 @!p2 [tilespmem:s31], [sflag:$0x4], $0x80, s19, s8, $0xb8;
	[tilespmem:$0x1EA80] =	vst v63  }
0x1cd: {  	s30 =	simm.s32 @p2 $0x3;
	p2 =	sne.s32 s2, $0x1  }
.Ltmp5:
0x1ce: {  	_ = 	snop;
	(pc) =	sbr.rel @!p2 .LBB2_8-.Ltmp5, $3  }
0x1cf: {  	_ =	sdelay $0x1  }
0x1d0: {  	_ =	swait.ge [sflag:s30], $0x4000  }
0x1d1: {  	s19 =	simm.s32 $0x1;
	s31 =	simm.s32 $0x40C0;
	[sflag:s30] =	ssyncset.done $0x0  }
.LBB2_7:
0x1d2: {  	[sflag:s30] =	ssyncadd.s32 $0xFFFFC000  }
0x1d3: {  	s11 =	sadd.s32 $0x80, s11;
	s30 =	smov.u32 s19;
	s19 =	sadd.s32 $0x1, s19  }
0x1d4: {  	p2 =	sne.s32 s2, s19  }
0x1d5: {  	v45 =	vld [tilespmem:s31+$0xFFFFFFC0];
	_ =	sdelay $0x4  }
0x1d6: {  	[tilespmem:$0x11000] =	vst v45  }
0x1d7: {  	v45 =	vld [tilespmem:s31+$0xFFFFFFD0];
	_ =	sdelay $0x4  }
0x1d8: {  	[tilespmem:$0x11010] =	vst v45  }
0x1d9: {  	v45 =	vld [tilespmem:s31+$0xFFFFFFE0];
	_ =	sdelay $0x4  }
0x1da: {  	[tilespmem:$0x11020] =	vst v45  }
0x1db: {  	v45 =	vld [tilespmem:s31+$0xFFFFFFF0];
	_ =	sdelay $0x4  }
0x1dc: {  	[tilespmem:$0x11030] =	vst v45  }
0x1dd: {  	v45 =	vld [tilespmem:s31+$0x0];
	_ =	sdelay $0x4  }
0x1de: {  	[tilespmem:$0x11040] =	vst v45  }
0x1df: {  	v45 =	vld [tilespmem:s31+$0x10];
	_ =	sdelay $0x4  }
0x1e0: {  	[tilespmem:$0x11050] =	vst v45  }
0x1e1: {  	v45 =	vld [tilespmem:s31+$0x20];
	_ =	sdelay $0x4  }
0x1e2: {  	[tilespmem:$0x11060] =	vst v45  }
0x1e3: {  	v45 =	vld [tilespmem:s31+$0x30];
	_ =	sdelay $0x2  }
0x1e4: {  	s8 =	sand.u32 $0x1, s30  }
0x1e5: {  	p3 =	seq.s32 s8, $0x1  }
0x1e6: {  	p4 =	sge.u32 @p3 s19, s2;
	s8 =	simm.s32 @p3 $0x2;
	p5 =	sge.u32 @!p3 s19, s2;
	[tilespmem:$0x11070] =	vst v45  }
0x1e7: {  	p6 =	por p4, !p3;
	p4 =	por p5, p3;
	_ =	swait.ge @p3 [sflag:s8], $0x4000  }
0x1e8: {  	s9 =	simm.s32 @!p3 $0x1;
	s30 =	simm.s32 @!p3 $0x4;
	[sflag:s8] =	ssyncset.done @p3 $0x0  }
0x1e9: {  	s10 =	simm.s32 @!p6 $0x9000;
	[sflag:s8] =	ssyncadd.s32 @p3 $0xFFFFC000;
	s8 =	simm.s32 @!p6 $0x80  }
0x1ea: {  	[tilespmem:s10], [sflag:$0x1] =	stream.indirect.gather @!p6 [hbm4b:s1+s8], $0x80, s11, s8, $0xb8;
	[tilespmem:$0x1EA80] =	vst v63  }
0x1eb: {  	s13 =	simm.s32 @p3 $0xD000;
	s8 =	simm.s32 @p3 $0x80;
	s10 =	simm.s32 @p3 $0x11000  }
0x1ec: {  	[spmem:s3] =	stream.indirect.scatter.add.f32 @p3 [tilespmem:s13], [sflag:$0x3], $0x80, s10, s8, $0xb8;
	[tilespmem:$0x1EA80] =	vst v63  }
0x1ed: {  	_ =	swait.ge @!p3 [sflag:s9], $0x4000  }
0x1ee: {  	s30 =	simm.s32 @p3 $0x3;
	[sflag:s9] =	ssyncset.done @!p3 $0x0  }
0x1ef: {  	s8 =	simm.s32 @!p4 $0x80;
	[sflag:s9] =	ssyncadd.s32 @!p3 $0xFFFFC000;
	s9 =	simm.s32 @!p4 $0xD000  }
0x1f0: {  	[tilespmem:s9], [sflag:$0x2] =	stream.indirect.gather @!p4 [hbm4b:s1+s8], $0x80, s11, s8, $0xb8;
	[tilespmem:$0x1EA80] =	vst v63  }
.Ltmp6:
0x1f1: {  	_ = 	snop;
	(pc) =	sbr.rel @p2 .LBB2_7-.Ltmp6, $4  }
0x1f2: {  	s10 =	simm.s32 @!p3 $0x9000;
	s8 =	simm.s32 @!p3 $0x80;
	s9 =	simm.s32 @!p3 $0x11000  }
0x1f3: {  	[spmem:s3] =	stream.indirect.scatter.add.f32 @!p3 [tilespmem:s10], [sflag:$0x4], $0x80, s9, s8, $0xb8;
	[tilespmem:$0x1EA80] =	vst v63  }
0x1f4: {  	_ =	swait.ge [sflag:s30], $0x4000  }
0x1f5: {  	s31 =	sadd.s32 $0x80, s31;
	[sflag:s30] =	ssyncset.done $0x0  }
.LBB2_8:
0x1f6: {  	[sflag:s30] =	ssyncadd.s32 $0xFFFFC000;
	s10 =	simm.s32 $0x80  }
.LBB2_9:
.Ltmp7:
0x1f7: {  	(pc) =	sbr.rel @p0 .LBB2_11-.Ltmp7, $1  }
0x1f8: {  	_ =	sdelay $0x3  }
0x1f9: {  	[tilespmem:$0x11680] =	vst v4  }
0x1fa: {  	[tilespmem:$0x11700] =	vst v4  }
0x1fb: {  	[tilespmem:$0x11780] =	vst v4  }
0x1fc: {  	[tilespmem:$0x11800] =	vst v4  }
0x1fd: {  	[tilespmem:$0x11880] =	vst v4  }
0x1fe: {  	[tilespmem:$0x11900] =	vst v4  }
0x1ff: {  	[tilespmem:$0x11980] =	vst v4  }
0x200: {  	[tilespmem:$0x11A00] =	vst v4  }
0x201: {  	[tilespmem:$0x11A80] =	vst v4  }
0x202: {  	[tilespmem:$0x11B00] =	vst v4  }
0x203: {  	[tilespmem:$0x11B80] =	vst v4  }
0x204: {  	[tilespmem:$0x11C00] =	vst v4  }
0x205: {  	[tilespmem:$0x11C80] =	vst v4  }
0x206: {  	[tilespmem:$0x11D00] =	vst v4  }
0x207: {  	[tilespmem:$0x11D80] =	vst v4  }
0x208: {  	[tilespmem:$0x11E00] =	vst v4  }
0x209: {  	[tilespmem:$0x11E80] =	vst v4  }
0x20a: {  	[tilespmem:$0x11F00] =	vst v4  }
0x20b: {  	[tilespmem:$0x11F80] =	vst v4  }
0x20c: {  	[tilespmem:$0x12000] =	vst v4  }
0x20d: {  	[tilespmem:$0x12080] =	vst v4  }
0x20e: {  	[tilespmem:$0x12100] =	vst v4  }
0x20f: {  	[tilespmem:$0x12180] =	vst v4  }
0x210: {  	[tilespmem:$0x12200] =	vst v4  }
0x211: {  	[tilespmem:$0x12280] =	vst v4  }
0x212: {  	[tilespmem:$0x12300] =	vst v4  }
0x213: {  	[tilespmem:$0x12380] =	vst v4  }
0x214: {  	[tilespmem:$0x12400] =	vst v4  }
0x215: {  	[tilespmem:$0x12480] =	vst v4  }
0x216: {  	[tilespmem:$0x12500] =	vst v4  }
0x217: {  	[tilespmem:$0x12580] =	vst v4  }
0x218: {  	[tilespmem:$0x12600] =	vst v4  }
0x219: {  	[tilespmem:$0x12680] =	vst v4  }
0x21a: {  	[tilespmem:$0x12700] =	vst v4  }
0x21b: {  	[tilespmem:$0x12780] =	vst v4  }
0x21c: {  	[tilespmem:$0x12800] =	vst v4  }
0x21d: {  	[tilespmem:$0x12880] =	vst v4  }
0x21e: {  	[tilespmem:$0x12900] =	vst v4  }
0x21f: {  	[tilespmem:$0x12980] =	vst v4  }
0x220: {  	[tilespmem:$0x12A00] =	vst v4  }
0x221: {  	[tilespmem:$0x12A80] =	vst v4  }
0x222: {  	[tilespmem:$0x12B00] =	vst v4  }
0x223: {  	[tilespmem:$0x12B80] =	vst v4  }
0x224: {  	[tilespmem:$0x12C00] =	vst v4  }
0x225: {  	[tilespmem:$0x12C80] =	vst v4  }
0x226: {  	[tilespmem:$0x12D00] =	vst v4  }
0x227: {  	[tilespmem:$0x12D80] =	vst v4  }
0x228: {  	[tilespmem:$0x12E00] =	vst v4  }
0x229: {  	[tilespmem:$0x12E80] =	vst v4  }
0x22a: {  	[tilespmem:$0x12F00] =	vst v4  }
0x22b: {  	[tilespmem:$0x12F80] =	vst v4  }
0x22c: {  	[tilespmem:$0x13000] =	vst v4  }
0x22d: {  	[tilespmem:$0x13080] =	vst v4  }
0x22e: {  	[tilespmem:$0x13100] =	vst v4  }
0x22f: {  	[tilespmem:$0x13180] =	vst v4  }
0x230: {  	[tilespmem:$0x13200] =	vst v4  }
0x231: {  	[tilespmem:$0x13280] =	vst v4;
	v45 =	vld [tilespmem:$0x11380]  }
0x232: {  	[tilespmem:$0x13300] =	vst v4  }
0x233: {  	[tilespmem:$0x13380] =	vst v4  }
0x234: {  	[tilespmem:$0x13400] =	vst v4  }
0x235: {  	[tilespmem:$0x13480] =	vst v4  }
0x236: {  	[tilespmem:$0x13500] =	vst v4  }
0x237: {  	[tilespmem:$0x13580] =	vst v4  }
0x238: {  	[tilespmem:$0x13600] =	vst v4  }
0x239: {  	v45 =	vld.idx.msk [tilespmem:v45+s4+$0x0], $0xffff;
	_ =	sdelay $0x4  }
0x23a: {  	[tilespmem:v5+s29+$0x0] =	vst.idx.msk $0xffff, v45  }
0x23b: {  	v45 =	vld [tilespmem:$0x11390];
	_ =	sdelay $0x7  }
0x23c: {  	v45 =	vld.idx.msk [tilespmem:v45+s4+$0x0], $0xffff;
	_ =	sdelay $0x4  }
0x23d: {  	[tilespmem:v6+s29+$0x0] =	vst.idx.msk $0xffff, v45  }
0x23e: {  	v45 =	vld [tilespmem:$0x113A0];
	_ =	sdelay $0x7  }
0x23f: {  	v45 =	vld.idx.msk [tilespmem:v45+s4+$0x0], $0xffff;
	_ =	sdelay $0x4  }
0x240: {  	[tilespmem:v7+s29+$0x0] =	vst.idx.msk $0xffff, v45  }
0x241: {  	v45 =	vld [tilespmem:$0x113B0];
	_ =	sdelay $0x7  }
0x242: {  	v45 =	vld.idx.msk [tilespmem:v45+s4+$0x0], $0xffff;
	_ =	sdelay $0x4  }
0x243: {  	[tilespmem:v8+s29+$0x0] =	vst.idx.msk $0xffff, v45  }
0x244: {  	v45 =	vld [tilespmem:$0x113C0];
	_ =	sdelay $0x7  }
0x245: {  	v45 =	vld.idx.msk [tilespmem:v45+s4+$0x0], $0xffff;
	_ =	sdelay $0x4  }
0x246: {  	[tilespmem:v9+s29+$0x0] =	vst.idx.msk $0xffff, v45  }
0x247: {  	v45 =	vld [tilespmem:$0x113D0];
	_ =	sdelay $0x7  }
0x248: {  	v45 =	vld.idx.msk [tilespmem:v45+s4+$0x0], $0xffff;
	_ =	sdelay $0x4  }
0x249: {  	[tilespmem:v10+s29+$0x0] =	vst.idx.msk $0xffff, v45  }
0x24a: {  	v45 =	vld [tilespmem:$0x113E0];
	_ =	sdelay $0x7  }
0x24b: {  	v45 =	vld.idx.msk [tilespmem:v45+s4+$0x0], $0xffff;
	_ =	sdelay $0x4  }
0x24c: {  	[tilespmem:v11+s29+$0x0] =	vst.idx.msk $0xffff, v45  }
0x24d: {  	v45 =	vld [tilespmem:$0x113F0];
	_ =	sdelay $0x7  }
0x24e: {  	v45 =	vld.idx.msk [tilespmem:v45+s4+$0x0], $0xffff;
	_ =	sdelay $0x4  }
0x24f: {  	[tilespmem:v12+s29+$0x0] =	vst.idx.msk $0xffff, v45  }
0x250: {  	v45 =	vld [tilespmem:$0x11400];
	_ =	sdelay $0x7  }
0x251: {  	v45 =	vld.idx.msk [tilespmem:v45+s4+$0x0], $0xffff;
	_ =	sdelay $0x4  }
0x252: {  	[tilespmem:v13+s29+$0x0] =	vst.idx.msk $0xffff, v45  }
0x253: {  	v45 =	vld [tilespmem:$0x11410];
	_ =	sdelay $0x7  }
0x254: {  	v45 =	vld.idx.msk [tilespmem:v45+s4+$0x0], $0xffff;
	_ =	sdelay $0x4  }
0x255: {  	[tilespmem:v14+s29+$0x0] =	vst.idx.msk $0xffff, v45  }
0x256: {  	v45 =	vld [tilespmem:$0x11420];
	_ =	sdelay $0x7  }
0x257: {  	v45 =	vld.idx.msk [tilespmem:v45+s4+$0x0], $0xffff;
	_ =	sdelay $0x4  }
0x258: {  	[tilespmem:v15+s29+$0x0] =	vst.idx.msk $0xffff, v45  }
0x259: {  	v45 =	vld [tilespmem:$0x11430];
	_ =	sdelay $0x7  }
0x25a: {  	v45 =	vld.idx.msk [tilespmem:v45+s4+$0x0], $0xffff;
	_ =	sdelay $0x4  }
0x25b: {  	[tilespmem:v16+s29+$0x0] =	vst.idx.msk $0xffff, v45  }
0x25c: {  	v45 =	vld [tilespmem:$0x11440];
	_ =	sdelay $0x7  }
0x25d: {  	v45 =	vld.idx.msk [tilespmem:v45+s4+$0x0], $0xffff;
	_ =	sdelay $0x4  }
0x25e: {  	[tilespmem:v17+s29+$0x0] =	vst.idx.msk $0xffff, v45  }
0x25f: {  	v45 =	vld [tilespmem:$0x11450];
	_ =	sdelay $0x7  }
0x260: {  	v45 =	vld.idx.msk [tilespmem:v45+s4+$0x0], $0xffff;
	_ =	sdelay $0x4  }
0x261: {  	[tilespmem:v18+s29+$0x0] =	vst.idx.msk $0xffff, v45  }
0x262: {  	v45 =	vld [tilespmem:$0x11460];
	_ =	sdelay $0x7  }
0x263: {  	v45 =	vld.idx.msk [tilespmem:v45+s4+$0x0], $0xffff;
	_ =	sdelay $0x4  }
0x264: {  	[tilespmem:v19+s29+$0x0] =	vst.idx.msk $0xffff, v45  }
0x265: {  	v45 =	vld [tilespmem:$0x11470];
	_ =	sdelay $0x7  }
0x266: {  	v45 =	vld.idx.msk [tilespmem:v45+s4+$0x0], $0xffff;
	_ =	sdelay $0x4  }
0x267: {  	[tilespmem:v20+s29+$0x0] =	vst.idx.msk $0xffff, v45  }
0x268: {  	v45 =	vld [tilespmem:$0x11480];
	_ =	sdelay $0x7  }
0x269: {  	v45 =	vld.idx.msk [tilespmem:v45+s4+$0x0], $0xffff;
	_ =	sdelay $0x4  }
0x26a: {  	[tilespmem:v21+s29+$0x0] =	vst.idx.msk $0xffff, v45  }
0x26b: {  	v45 =	vld [tilespmem:$0x11490];
	_ =	sdelay $0x7  }
0x26c: {  	v45 =	vld.idx.msk [tilespmem:v45+s4+$0x0], $0xffff;
	_ =	sdelay $0x4  }
0x26d: {  	[tilespmem:v22+s29+$0x0] =	vst.idx.msk $0xffff, v45  }
0x26e: {  	v45 =	vld [tilespmem:$0x114A0];
	_ =	sdelay $0x7  }
0x26f: {  	v45 =	vld.idx.msk [tilespmem:v45+s4+$0x0], $0xffff;
	_ =	sdelay $0x4  }
0x270: {  	[tilespmem:v23+s29+$0x0] =	vst.idx.msk $0xffff, v45  }
0x271: {  	v45 =	vld [tilespmem:$0x114B0];
	_ =	sdelay $0x7  }
0x272: {  	v45 =	vld.idx.msk [tilespmem:v45+s4+$0x0], $0xffff;
	_ =	sdelay $0x4  }
0x273: {  	[tilespmem:v24+s29+$0x0] =	vst.idx.msk $0xffff, v45  }
0x274: {  	v45 =	vld [tilespmem:$0x114C0];
	_ =	sdelay $0x7  }
0x275: {  	v45 =	vld.idx.msk [tilespmem:v45+s4+$0x0], $0xffff;
	_ =	sdelay $0x4  }
0x276: {  	[tilespmem:v25+s29+$0x0] =	vst.idx.msk $0xffff, v45  }
0x277: {  	v45 =	vld [tilespmem:$0x114D0];
	_ =	sdelay $0x7  }
0x278: {  	v45 =	vld.idx.msk [tilespmem:v45+s4+$0x0], $0xffff;
	_ =	sdelay $0x4  }
0x279: {  	[tilespmem:v26+s29+$0x0] =	vst.idx.msk $0xffff, v45  }
0x27a: {  	v45 =	vld [tilespmem:$0x114E0];
	_ =	sdelay $0x7  }
0x27b: {  	v45 =	vld.idx.msk [tilespmem:v45+s4+$0x0], $0xffff;
	_ =	sdelay $0x4  }
0x27c: {  	[tilespmem:v27+s29+$0x0] =	vst.idx.msk $0xffff, v45  }
0x27d: {  	v45 =	vld [tilespmem:$0x114F0];
	_ =	sdelay $0x7  }
0x27e: {  	v45 =	vld.idx.msk [tilespmem:v45+s4+$0x0], $0xffff;
	_ =	sdelay $0x4  }
0x27f: {  	[tilespmem:v28+s29+$0x0] =	vst.idx.msk $0xffff, v45  }
0x280: {  	v45 =	vld [tilespmem:$0x11500];
	_ =	sdelay $0x7  }
0x281: {  	v45 =	vld.idx.msk [tilespmem:v45+s4+$0x0], $0xffff;
	_ =	sdelay $0x4  }
0x282: {  	[tilespmem:v29+s29+$0x0] =	vst.idx.msk $0xffff, v45  }
0x283: {  	v45 =	vld [tilespmem:$0x11510];
	_ =	sdelay $0x7  }
0x284: {  	v45 =	vld.idx.msk [tilespmem:v45+s4+$0x0], $0xffff;
	_ =	sdelay $0x4  }
0x285: {  	[tilespmem:v30+s29+$0x0] =	vst.idx.msk $0xffff, v45  }
0x286: {  	v45 =	vld [tilespmem:$0x11520];
	_ =	sdelay $0x7  }
0x287: {  	v45 =	vld.idx.msk [tilespmem:v45+s4+$0x0], $0xffff;
	_ =	sdelay $0x4  }
0x288: {  	[tilespmem:v31+s29+$0x0] =	vst.idx.msk $0xffff, v45  }
0x289: {  	v45 =	vld [tilespmem:$0x11530];
	_ =	sdelay $0x7  }
0x28a: {  	v45 =	vld.idx.msk [tilespmem:v45+s4+$0x0], $0xffff;
	_ =	sdelay $0x4  }
0x28b: {  	[tilespmem:v32+s29+$0x0] =	vst.idx.msk $0xffff, v45  }
0x28c: {  	v45 =	vld [tilespmem:$0x11540];
	_ =	sdelay $0x7  }
0x28d: {  	v45 =	vld.idx.msk [tilespmem:v45+s4+$0x0], $0xffff;
	_ =	sdelay $0x4  }
0x28e: {  	[tilespmem:v33+s29+$0x0] =	vst.idx.msk $0xffff, v45  }
0x28f: {  	v45 =	vld [tilespmem:$0x11550];
	_ =	sdelay $0x7  }
0x290: {  	v45 =	vld.idx.msk [tilespmem:v45+s4+$0x0], $0xffff;
	_ =	sdelay $0x4  }
0x291: {  	[tilespmem:v34+s29+$0x0] =	vst.idx.msk $0xffff, v45  }
0x292: {  	v45 =	vld [tilespmem:$0x11560];
	_ =	sdelay $0x7  }
0x293: {  	v45 =	vld.idx.msk [tilespmem:v45+s4+$0x0], $0xffff;
	_ =	sdelay $0x4  }
0x294: {  	[tilespmem:v35+s29+$0x0] =	vst.idx.msk $0xffff, v45  }
0x295: {  	v45 =	vld [tilespmem:$0x11570];
	_ =	sdelay $0x7  }
0x296: {  	v45 =	vld.idx.msk [tilespmem:v45+s4+$0x0], $0xffff;
	_ =	sdelay $0x4  }
0x297: {  	[tilespmem:v36+s29+$0x0] =	vst.idx.msk $0xffff, v45  }
0x298: {  	v45 =	vld [tilespmem:$0x11580];
	_ =	sdelay $0x7  }
0x299: {  	v45 =	vld.idx.msk [tilespmem:v45+s4+$0x0], $0xffff;
	_ =	sdelay $0x4  }
0x29a: {  	[tilespmem:v37+s29+$0x0] =	vst.idx.msk $0xffff, v45  }
0x29b: {  	v45 =	vld [tilespmem:$0x11590];
	_ =	sdelay $0x7  }
0x29c: {  	v45 =	vld.idx.msk [tilespmem:v45+s4+$0x0], $0xffff;
	_ =	sdelay $0x4  }
0x29d: {  	[tilespmem:v38+s29+$0x0] =	vst.idx.msk $0xffff, v45  }
0x29e: {  	v45 =	vld [tilespmem:$0x115A0];
	_ =	sdelay $0x7  }
0x29f: {  	v45 =	vld.idx.msk [tilespmem:v45+s4+$0x0], $0xffff;
	_ =	sdelay $0x4  }
0x2a0: {  	[tilespmem:v39+s29+$0x0] =	vst.idx.msk $0xffff, v45  }
0x2a1: {  	v45 =	vld [tilespmem:$0x115B0];
	_ =	sdelay $0x7  }
0x2a2: {  	v45 =	vld.idx.msk [tilespmem:v45+s4+$0x0], $0xffff;
	_ =	sdelay $0x4  }
0x2a3: {  	[tilespmem:v40+s29+$0x0] =	vst.idx.msk $0xffff, v45  }
0x2a4: {  	v45 =	vld [tilespmem:$0x115C0];
	_ =	sdelay $0x7  }
0x2a5: {  	v45 =	vld.idx.msk [tilespmem:v45+s4+$0x0], $0xffff;
	_ =	sdelay $0x4  }
0x2a6: {  	[tilespmem:v41+s29+$0x0] =	vst.idx.msk $0xffff, v45  }
0x2a7: {  	v45 =	vld [tilespmem:$0x115D0];
	_ =	sdelay $0x7  }
0x2a8: {  	v45 =	vld.idx.msk [tilespmem:v45+s4+$0x0], $0xffff;
	_ =	sdelay $0x4  }
0x2a9: {  	[tilespmem:v42+s29+$0x0] =	vst.idx.msk $0xffff, v45  }
0x2aa: {  	v45 =	vld [tilespmem:$0x115E0];
	_ =	sdelay $0x7  }
0x2ab: {  	v45 =	vld.idx.msk [tilespmem:v45+s4+$0x0], $0xffff;
	_ =	sdelay $0x4  }
0x2ac: {  	[tilespmem:v43+s29+$0x0] =	vst.idx.msk $0xffff, v45  }
0x2ad: {  	v45 =	vld [tilespmem:$0x115F0];
	_ =	sdelay $0x7  }
0x2ae: {  	v45 =	vld.idx.msk [tilespmem:v45+s4+$0x0], $0xffff;
	_ =	sdelay $0x4  }
.Ltmp8:
0x2af: {  	s2 =	rddreg [dreg:$0x8];
	[tilespmem:v44+s29+$0x0] =	vst.idx.msk $0xffff, v45;
	(pc) =	sbr.rel .LBB2_11-.Ltmp8, $4  }
0x2b0: {  	[hbm4b:s2+s4] =	stream.linear.scatter [tilespmem:s29], [sflag:$0x3], $0x2000, $0x38;
	[tilespmem:$0x1EA80] =	vst v63  }
0x2b1: {  	_ =	swait.ge [sflag:s18], $0x2000  }
0x2b2: {  	[sflag:s18] =	ssyncset.done $0x0  }
0x2b3: {  	[sflag:s18] =	ssyncadd.s32 $0xFFFFE000  }
.LBB2_12:
0x2b4: {  	_ =	sfence.sel $0x180000  }
0x2b5: {  	[bflag:$0x0] =	sbarrier.arrive $0xFFFF  }
0x2b6: {  	_ =	strace $0x90000047  }
0x2b7: {  	s0 =	stileid.u32;
	[bflag:$0x2] =	sbarrier.arrive $0xFFFF  }
0x2b8: {  	p0 =	sne.s32 s0, $0x0;
	s0 =	rddreg [dreg:$0x4]  }
0x2b9: {  	s0 =	sadd.s32 @!p0 $0x100000, s0  }
0x2ba: {  	[sflag:s0] =	ssyncadd.tile.s32 @!p0 $0x1;
	_ =	shalt  }
.Lfunc_end2:
_tile_overlayer_lowered:
.L_overlay_start_2:
0x2bb: {  	(tag) =	ssettag $0x2  }
0x2bc: {  	s0 =	rddreg [dreg:$0x0];
	s2 =	stileid.u32  }
0x2bd: {  	s1 =	rddreg [dreg:$0x1];
	p0 =	sne.s32 s2, $0x0  }
0x2be: {  	s3 =	rddreg [dreg:$0x2];
	[bflag:$0x3] =	sbarrier.arrive $0xFFFF;
	s2 =	simm.s32 @!p0 $0x1C03  }
0x2bf: {  	[timem:s3], [sflag:s2] =	dma.local @!p0 [hbm:s0], s1  }
0x2c0: {  	s0 =	simm.s32 @!p0 $0x3  }
0x2c1: {  	_ =	swait.ge @!p0 [sflag:s0], s1  }
0x2c2: {  	s1 =	ssub.s32 @!p0 $0x0, s1;
	[sflag:s0] =	ssyncset.done @!p0 $0x0  }
0x2c3: {  	[sflag:s0] =	ssyncadd.s32 @!p0 s1  }
0x2c4: {  	[bflag:$0x3] =	sbarrier.arrive $0xFFFF  }
0x2c5: {  	_ =	shalt  }

</sc_bundles>
